<compile_context>
chip_gen: v7x
topology: tpu7x:2x2x1
jax: 0.10.2.dev20260603
libtpu: 0.0.44.dev20260713+nightly
codegen_flags: <defaults>
</compile_context>

<pallas_src>
import functools

import jax
import jax.numpy as jnp
from jax import lax
from jax.experimental import pallas as pl
from jax.experimental.pallas import tpu as pltpu
from jax.experimental.pallas import tpu_sc as plsc

_BN_EPS = 1e-5
_NC = 2
_NS = 16
_K = 128
_B = 8


def _make_agg(n_pad, d, n_chunks):
    r_rows = n_pad // _NS
    n_blocks = n_chunks // _B
    assert n_blocks % 2 == 0

    @functools.partial(
        pl.kernel,
        out_type=jax.ShapeDtypeStruct((_NC * n_pad, d), jnp.float32),
        mesh=plsc.VectorSubcoreMesh(core_axis_name="c", subcore_axis_name="s"),
        scratch_types=[
            pltpu.VMEM((2 * _B, _K), jnp.int32),
            pltpu.VMEM((2 * _B, _K), jnp.int32),
            pltpu.VMEM((_K, d), jnp.float32),
            pltpu.VMEM((_K, d), jnp.float32),
            pltpu.SemaphoreType.DMA,
            pltpu.SemaphoreType.DMA,
            pltpu.SemaphoreType.DMA,
            pltpu.SemaphoreType.DMA,
            pltpu.SemaphoreType.DMA,
            pltpu.SemaphoreType.DMA,
            pltpu.VMEM_SHARED((n_pad, d), jnp.float32),
        ],
    )
    def agg(tab_hbm, idx_hbm, out_hbm, i0, i1, rows0, rows1,
            sem_i0, sem_i1, sem_g0, sem_g1, sem_s0, sem_s1, acc_sh):
        c = lax.axis_index("c")
        s = lax.axis_index("s")
        base = (c * _NS + s) * n_blocks

        def idx_block(b, ibuf, sem):
            return pltpu.make_async_copy(
                idx_hbm.at[pl.ds((base + b) * 2 * _B, 2 * _B)], ibuf, sem)

        def gather(j, rows, sem):
            ibuf = (i0, i1)[j // _B]
            return pltpu.make_async_copy(tab_hbm.at[ibuf.at[j % _B]], rows,
                                         sem)

        def scat_start(j, rows, sem):
            ibuf = (i0, i1)[j // _B]
            pltpu.async_copy(rows, acc_sh.at[ibuf.at[_B + j % _B]], sem,
                             add=True)

        def scat_wait(j, rows, sem):
            ibuf = (i0, i1)[j // _B]
            pltpu.make_async_copy(rows, acc_sh.at[ibuf.at[_B + j % _B]],
                                  sem).wait()

        idx_block(0, i0, sem_i0).start()
        idx_block(1, i1, sem_i1).start()
        idx_block(0, i0, sem_i0).wait()
        gather(0, rows0, sem_g0).start()
        gather(1, rows1, sem_g1).start()
        pltpu.sync_copy(tab_hbm.at[pl.ds(s * r_rows, r_rows)],
                        acc_sh.at[pl.ds(s * r_rows, r_rows)])
        plsc.subcore_barrier()

        @pl.loop(0, n_blocks, step=2)
        def _(b):
            for k in range(_B):
                j0, j1 = 2 * k, 2 * k + 1
                gather(j0, rows0, sem_g0).wait()
                scat_start(j0, rows0, sem_s0)
                gather(j1, rows1, sem_g1).wait()
                scat_start(j1, rows1, sem_s1)
                if j0 + 2 == _B:
                    idx_block(0, i1, sem_i1).wait()
                scat_wait(j0, rows0, sem_s0)
                if j0 + 2 < 2 * _B:
                    gather(j0 + 2, rows0, sem_g0).start()
                else:

                    @pl.when(b + 2 < n_blocks)
                    def _():
                        idx_block(0, i0, sem_i0).wait()
                        gather(0, rows0, sem_g0).start()
                scat_wait(j1, rows1, sem_s1)
                if j1 + 2 < 2 * _B:
                    gather(j1 + 2, rows1, sem_g1).start()
                else:

                    @pl.when(b + 2 < n_blocks)
                    def _():
                        gather(1, rows1, sem_g1).start()
                if j1 == _B - 1:
                    @pl.when(b + 2 < n_blocks)
                    def _():
                        idx_block(b + 2, i0, sem_i0).start()

            @pl.when(b + 3 < n_blocks)
            def _():
                idx_block(b + 3, i1, sem_i1).start()

        plsc.subcore_barrier()
        pltpu.sync_copy(acc_sh.at[pl.ds(s * r_rows, r_rows)],
                        out_hbm.at[pl.ds(c * n_pad + s * r_rows, r_rows)])

    return agg


def _tc1_body(n, n_pad, p_ref, x_ref, w1_ref, b1_ref, w2_ref, b2_ref,
              g1_ref, beta1_ref, w3_ref, out_ref):
    a = p_ref[:n] + p_ref[n_pad:n_pad + n] - x_ref[...]
    h = jnp.dot(a, w1_ref[...], preferred_element_type=jnp.float32)
    h = jnp.maximum(h + b1_ref[...], 0.0)
    h = jnp.dot(h, w2_ref[...], preferred_element_type=jnp.float32) + b2_ref[...]
    m = jnp.mean(h, axis=0, keepdims=True)
    v = jnp.mean((h - m) * (h - m), axis=0, keepdims=True)
    h = (h - m) * lax.rsqrt(v + _BN_EPS) * g1_ref[...] + beta1_ref[...]
    h = jnp.maximum(h, 0.0)
    z = jnp.dot(h, w3_ref[...], preferred_element_type=jnp.float32)
    out_ref[:n] = z
    out_ref[n:] = jnp.zeros((n_pad - n, z.shape[1]), jnp.float32)


def _tc2_body(n, n_pad, g, q_ref, z_ref, b3_ref, g2_ref, beta2_ref, bt_ref,
              out_ref):
    z = q_ref[:n] + q_ref[n_pad:n_pad + n] - z_ref[:n] + b3_ref[...]
    m = jnp.mean(z, axis=0, keepdims=True)
    v = jnp.mean((z - m) * (z - m), axis=0, keepdims=True)
    h2 = (z - m) * lax.rsqrt(v + _BN_EPS) * g2_ref[...] + beta2_ref[...]
    h2 = jnp.maximum(h2, 0.0)
    gid = lax.broadcasted_iota(jnp.int32, (g, n), 0)
    mask = (jnp.broadcast_to(bt_ref[...], (g, n)) == gid).astype(jnp.float32)
    out_ref[...] = jnp.dot(mask, h2, preferred_element_type=jnp.float32)


def kernel(x, edge_index, batch, W1, b1, W2, b2, W3, b3, g1, beta1, g2, beta2):
    if edge_index.ndim > 2:
        edge_index = edge_index.reshape(2, -1)
    src = edge_index[0]
    dst = edge_index[1]
    n, din = x.shape
    dh = W1.shape[1]
    dout = W3.shape[1]
    g = 64
    e = src.shape[0]

    n_pad = ((n // 128) + 1) * 128
    nb = -(-e // (_NC * _NS * _K * _B))
    nb += nb % 2
    c1 = nb * _B
    e_pad = _NC * _NS * _K * c1
    pad = e_pad - e
    iar = jnp.arange(pad, dtype=jnp.int32)
    src_p = jnp.concatenate([src, iar % n])
    dst_p = jnp.concatenate([dst, n + iar % (n_pad - n)])
    nw = _NC * _NS
    n_blocks = c1 // _B
    src_b = src_p.reshape(nw, n_blocks, _B, _K)
    dst_b = dst_p.reshape(nw, n_blocks, _B, _K)
    idx1 = jnp.concatenate([src_b, dst_b], axis=2).reshape(-1, _K)
    x_pad = jnp.concatenate([x, jnp.zeros((n_pad - n, din), jnp.float32)])

    agg = _make_agg(n_pad, din, c1)

    p = agg(x_pad, idx1)

    z = pl.pallas_call(
        functools.partial(_tc1_body, n, n_pad),
        out_shape=jax.ShapeDtypeStruct((n_pad, dout), jnp.float32),
    )(p, x, W1, b1.reshape(1, dh), W2, b2.reshape(1, dh),
      g1.reshape(1, dh), beta1.reshape(1, dh), W3)

    q = agg(z, idx1)

    out = pl.pallas_call(
        functools.partial(_tc2_body, n, n_pad, g),
        out_shape=jax.ShapeDtypeStruct((g, dout), jnp.float32),
    )(q, z, b3.reshape(1, dout), g2.reshape(1, dout),
      beta2.reshape(1, dout), batch.reshape(1, n))
    return out

# --- scband reference (transcript-rebuilt; emitter-appended) ---
"""Pipeline reference for scband-ginmodel-41858751267051 (READ-ONLY COPY).

The authoritative reference and input builder live on the scoring server;
editing this copy changes nothing except your own understanding.
"""

import jax, jax.numpy as jnp
import numpy as np

N = 10000
E = 320000
DIN = 128
DH = 256
DOUT = 128
G = 64
BN_EPS = 1e-5


def setup_inputs(seed: int = 0) -> dict:
    key = jax.random.key(seed)
    ks = jax.random.split(key, 12)
    x = jax.random.normal(ks[0], (N, DIN), dtype=jnp.float32)
    edge_index = jax.random.randint(ks[1], (2, E), 0, N, dtype=jnp.int32)
    batch = jnp.sort(jax.random.randint(ks[2], (N,), 0, G, dtype=jnp.int32))
    W1 = jax.random.normal(ks[3], (DIN, DH), dtype=jnp.float32) * 0.05
    b1 = jnp.zeros((DH,), dtype=jnp.float32)
    W2 = jax.random.normal(ks[4], (DH, DH), dtype=jnp.float32) * 0.05
    b2 = jnp.zeros((DH,), dtype=jnp.float32)
    W3 = jax.random.normal(ks[5], (DH, DOUT), dtype=jnp.float32) * 0.05
    b3 = jnp.zeros((DOUT,), dtype=jnp.float32)
    g1 = jnp.ones((DH,), dtype=jnp.float32)
    beta1 = jnp.zeros((DH,), dtype=jnp.float32)
    g2 = jnp.ones((DOUT,), dtype=jnp.float32)
    beta2 = jnp.zeros((DOUT,), dtype=jnp.float32)
    return {"x": x, "edge_index": edge_index, "batch": batch, "W1": W1, "b1": b1, "W2": W2, "b2": b2, "W3": W3, "b3": b3, "g1": g1, "beta1": beta1, "g2": g2, "beta2": beta2}


def _batch_norm(h, gamma, beta):
    m = jnp.mean(h, axis=0)
    v = jnp.var(h, axis=0)
    return (h - m) / jnp.sqrt(v + BN_EPS) * gamma + beta


def reference(x, edge_index, batch, W1, b1, W2, b2, W3, b3, g1, beta1, g2, beta2):
    if edge_index.ndim > 2:
        edge_index = edge_index.reshape(2, -1)
    src = edge_index[0]
    dst = edge_index[1]
    n = x.shape[0]
    # GINConv 1: out = nn1((1 + eps) * x + sum_{j in N(i)} x_j), eps = 0
    agg1 = jax.ops.segment_sum(jnp.take(x, src, axis=0), dst, num_segments=n)
    h = agg1 + x
    h = jnp.maximum(h @ W1 + b1, 0.0) @ W2 + b2
    h = _batch_norm(h, g1, beta1)
    h = jnp.maximum(h, 0.0)
    # dropout p=0.2 -> identity in eval mode
    # GINConv 2
    agg2 = jax.ops.segment_sum(jnp.take(h, src, axis=0), dst, num_segments=n)
    h2 = agg2 + h
    h2 = h2 @ W3 + b3
    h2 = _batch_norm(h2, g2, beta2)
    h2 = jnp.maximum(h2, 0.0)
    # global_add_pool over graph ids
    out = jax.ops.segment_sum(h2, batch, num_segments=G)
    return out

if __name__ == "__main__":
    import jax
    _d = setup_inputs()
    print(jax.jit(kernel)(*tuple(_d.values())))

</pallas_src>

<mosaic_0001>
#map = affine_map<(d0, d1) -> (0, 0)>
module attributes {stable_mosaic.version = 14 : i64} {
  func.func @agg(%arg0: i32, %arg1: i32, %arg2: memref<10112x128xf32, #tpu.memory_space<hbm>>, %arg3: memref<5120x128xi32, #tpu.memory_space<hbm>>, %arg4: memref<20224x128xf32, #tpu.memory_space<hbm>>, %arg5: memref<16x128xi32, #tpu.memory_space<vmem>>, %arg6: memref<16x128xi32, #tpu.memory_space<vmem>>, %arg7: memref<128x128xf32, #tpu.memory_space<vmem>>, %arg8: memref<128x128xf32, #tpu.memory_space<vmem>>, %arg9: memref<!tpu.dma_semaphore, #tpu.memory_space<semaphore_mem>>, %arg10: memref<!tpu.dma_semaphore, #tpu.memory_space<semaphore_mem>>, %arg11: memref<!tpu.dma_semaphore, #tpu.memory_space<semaphore_mem>>, %arg12: memref<!tpu.dma_semaphore, #tpu.memory_space<semaphore_mem>>, %arg13: memref<!tpu.dma_semaphore, #tpu.memory_space<semaphore_mem>>, %arg14: memref<!tpu.dma_semaphore, #tpu.memory_space<semaphore_mem>>, %arg15: memref<10112x128xf32, #tpu.memory_space<vmem_shared>>) attributes {dimension_semantics = [#tpu.dimension_semantics<core_parallel>, #tpu.dimension_semantics<subcore_parallel>], iteration_bounds = array<i64: 2, 16>, scalar_prefetch = 0 : i64, scratch_operands = 11 : i64, tpu.core_type = #tpu.core_type<sc_vector_subcore>, window_params = [{transform_indices = #map}, {transform_indices = #map}, {transform_indices = #map}]} {
    %mul3A = arith.constant 16 : i32
    %mul3A_0 = arith.muli %arg0, %mul3A : i32
    %add3A = arith.addi %mul3A_0, %arg1 : i32
    %mul3A_1 = arith.constant 10 : i32
    %mul3A_2 = arith.muli %add3A, %mul3A_1 : i32
    %add3A_3 = arith.constant 0 : i32
    %add3A_4 = arith.addi %mul3A_2, %add3A_3 : i32
    %mul3A_5 = arith.constant 2 : i32
    %mul3A_6 = arith.muli %add3A_4, %mul3A_5 : i32
    %mul3A_7 = arith.constant 8 : i32
    %mul3A_8 = arith.muli %mul3A_6, %mul3A_7 : i32
    %dma_start3A = arith.constant 0 : i32
    %dma_start3A_9 = tpu.memref_slice %arg3[%mul3A_8, %dma_start3A] : memref<5120x128xi32, #tpu.memory_space<hbm>> -> memref<16x128xi32, #tpu.memory_space<hbm>>
    %dma_start3A_10 = arith.constant 0 : i32
    %dma_start3A_11 = tpu.memref_slice %arg3[%mul3A_8, %dma_start3A_10] : memref<5120x128xi32, #tpu.memory_space<hbm>> -> memref<16x128xi32, #tpu.memory_space<hbm>>
    tpu.enqueue_dma source(%dma_start3A_11 : memref<16x128xi32, #tpu.memory_space<hbm>>) target(%arg5 : memref<16x128xi32, #tpu.memory_space<vmem>>) target_semaphore(%arg9 : memref<!tpu.dma_semaphore, #tpu.memory_space<semaphore_mem>>)
    %add3A_12 = arith.constant 1 : i32
    %add3A_13 = arith.addi %mul3A_2, %add3A_12 : i32
    %mul3A_14 = arith.constant 2 : i32
    %mul3A_15 = arith.muli %add3A_13, %mul3A_14 : i32
    %mul3A_16 = arith.constant 8 : i32
    %mul3A_17 = arith.muli %mul3A_15, %mul3A_16 : i32
    %dma_start3A_18 = arith.constant 0 : i32
    %dma_start3A_19 = tpu.memref_slice %arg3[%mul3A_17, %dma_start3A_18] : memref<5120x128xi32, #tpu.memory_space<hbm>> -> memref<16x128xi32, #tpu.memory_space<hbm>>
    %dma_start3A_20 = arith.constant 0 : i32
    %dma_start3A_21 = tpu.memref_slice %arg3[%mul3A_17, %dma_start3A_20] : memref<5120x128xi32, #tpu.memory_space<hbm>> -> memref<16x128xi32, #tpu.memory_space<hbm>>
    tpu.enqueue_dma source(%dma_start3A_21 : memref<16x128xi32, #tpu.memory_space<hbm>>) target(%arg6 : memref<16x128xi32, #tpu.memory_space<vmem>>) target_semaphore(%arg10 : memref<!tpu.dma_semaphore, #tpu.memory_space<semaphore_mem>>)
    %add3A_22 = arith.constant 0 : i32
    %add3A_23 = arith.addi %mul3A_2, %add3A_22 : i32
    %mul3A_24 = arith.constant 2 : i32
    %mul3A_25 = arith.muli %add3A_23, %mul3A_24 : i32
    %mul3A_26 = arith.constant 8 : i32
    %mul3A_27 = arith.muli %mul3A_25, %mul3A_26 : i32
    %dma_wait3A = arith.constant 0 : i32
    %dma_wait3A_28 = tpu.memref_slice %arg3[%mul3A_27, %dma_wait3A] : memref<5120x128xi32, #tpu.memory_space<hbm>> -> memref<16x128xi32, #tpu.memory_space<hbm>>
    %dma_wait3A_29 = arith.constant 0 : i32
    %dma_wait3A_30 = tpu.memref_slice %arg3[%mul3A_27, %dma_wait3A_29] : memref<5120x128xi32, #tpu.memory_space<hbm>> -> memref<16x128xi32, #tpu.memory_space<hbm>>
    tpu.wait_dma2 semaphore(%arg9 : memref<!tpu.dma_semaphore, #tpu.memory_space<semaphore_mem>>) src(%dma_wait3A_30 : memref<16x128xi32, #tpu.memory_space<hbm>>) dst(%arg5 : memref<16x128xi32, #tpu.memory_space<vmem>>)
    %dma_start3A_31 = arith.constant 0 : i32
    %dma_start3A_32 = arith.constant 0 : i32
    %dma_start3A_33 = tpu.memref_slice %arg5[%dma_start3A_31, %dma_start3A_32] : memref<16x128xi32, #tpu.memory_space<vmem>> -> memref<1x128xi32, #tpu.memory_space<vmem>>
    %dma_start3A_34 = tpu.memref_squeeze %dma_start3A_33 : memref<1x128xi32, #tpu.memory_space<vmem>> -> memref<128xi32, #tpu.memory_space<vmem>>
    %dma_start3A_35 = arith.constant 0 : i32
    %dma_start3A_36 = arith.constant 0 : i32
    %dma_start3A_37 = tpu.memref_slice %arg2[%dma_start3A_35, %dma_start3A_36] : memref<10112x128xf32, #tpu.memory_space<hbm>> -> memref<10112x128xf32, #tpu.memory_space<hbm>>
    tpu.enqueue_indirect_dma source(%dma_start3A_37 : memref<10112x128xf32, #tpu.memory_space<hbm>>) target(%arg7 : memref<128x128xf32, #tpu.memory_space<vmem>>) offsets(%dma_start3A_34 : memref<128xi32, #tpu.memory_space<vmem>>) semaphore(%arg11 : memref<!tpu.dma_semaphore, #tpu.memory_space<semaphore_mem>>)
    %dma_start3A_38 = arith.constant 1 : i32
    %dma_start3A_39 = arith.constant 0 : i32
    %dma_start3A_40 = tpu.memref_slice %arg5[%dma_start3A_38, %dma_start3A_39] : memref<16x128xi32, #tpu.memory_space<vmem>> -> memref<1x128xi32, #tpu.memory_space<vmem>>
    %dma_start3A_41 = tpu.memref_squeeze %dma_start3A_40 : memref<1x128xi32, #tpu.memory_space<vmem>> -> memref<128xi32, #tpu.memory_space<vmem>>
    %dma_start3A_42 = arith.constant 0 : i32
    %dma_start3A_43 = arith.constant 0 : i32
    %dma_start3A_44 = tpu.memref_slice %arg2[%dma_start3A_42, %dma_start3A_43] : memref<10112x128xf32, #tpu.memory_space<hbm>> -> memref<10112x128xf32, #tpu.memory_space<hbm>>
    tpu.enqueue_indirect_dma source(%dma_start3A_44 : memref<10112x128xf32, #tpu.memory_space<hbm>>) target(%arg8 : memref<128x128xf32, #tpu.memory_space<vmem>>) offsets(%dma_start3A_41 : memref<128xi32, #tpu.memory_space<vmem>>) semaphore(%arg12 : memref<!tpu.dma_semaphore, #tpu.memory_space<semaphore_mem>>)
    %mul3A_45 = arith.constant 632 : i32
    %mul3A_46 = arith.muli %arg1, %mul3A_45 : i32
    %mul3A_47 = arith.constant 632 : i32
    %mul3A_48 = arith.muli %arg1, %mul3A_47 : i32
    "tpu.region"() ({
      %run_scoped3A = tpu.sem_alloc : memref<!tpu.dma_semaphore, #tpu.memory_space<semaphore_mem>>
      %dma_start3A_61 = arith.constant 0 : i32
      %dma_start3A_62 = tpu.memref_slice %arg15[%mul3A_48, %dma_start3A_61] : memref<10112x128xf32, #tpu.memory_space<vmem_shared>> -> memref<632x128xf32, #tpu.memory_space<vmem_shared>>
      %dma_start3A_63 = arith.constant 0 : i32
      %dma_start3A_64 = tpu.memref_slice %arg2[%mul3A_46, %dma_start3A_63] : memref<10112x128xf32, #tpu.memory_space<hbm>> -> memref<632x128xf32, #tpu.memory_space<hbm>>
      tpu.enqueue_dma source(%dma_start3A_64 : memref<632x128xf32, #tpu.memory_space<hbm>>) target(%dma_start3A_62 : memref<632x128xf32, #tpu.memory_space<vmem_shared>>) target_semaphore(%run_scoped3A : memref<!tpu.dma_semaphore, #tpu.memory_space<semaphore_mem>>)
      %dma_wait3A_65 = arith.constant 0 : i32
      %dma_wait3A_66 = tpu.memref_slice %arg15[%mul3A_48, %dma_wait3A_65] : memref<10112x128xf32, #tpu.memory_space<vmem_shared>> -> memref<632x128xf32, #tpu.memory_space<vmem_shared>>
      %dma_wait3A_67 = arith.constant 0 : i32
      %dma_wait3A_68 = tpu.memref_slice %arg2[%mul3A_46, %dma_wait3A_67] : memref<10112x128xf32, #tpu.memory_space<hbm>> -> memref<632x128xf32, #tpu.memory_space<hbm>>
      tpu.wait_dma2 semaphore(%run_scoped3A : memref<!tpu.dma_semaphore, #tpu.memory_space<semaphore_mem>>) src(%dma_wait3A_68 : memref<632x128xf32, #tpu.memory_space<hbm>>) dst(%dma_wait3A_66 : memref<632x128xf32, #tpu.memory_space<vmem_shared>>)
      tpu.yield
    }) : () -> ()
    %barrier3A = arith.constant 0 : index
    tpu.barrier barrier_id(%barrier3A)
    %scan3A = arith.constant 0 : i32
    %scan3A_49 = arith.constant 5 : i32
    %scan3A_50 = arith.addi %scan3A, %scan3A_49 : i32
    %scan3A_51 = arith.constant 1 : i32
    scf.for %scan3A_61 = %scan3A to %scan3A_50 step %scan3A_51  : i32 {
      %mul3A_62 = arith.constant 2 : i32
      %mul3A_63 = arith.muli %scan3A_61, %mul3A_62 : i32
      %add3A_64 = arith.constant 0 : i32
      %add3A_65 = arith.addi %add3A_64, %mul3A_63 : i32
      %dma_wait3A_66 = arith.constant 0 : i32
      %dma_wait3A_67 = arith.constant 0 : i32
      %dma_wait3A_68 = tpu.memref_slice %arg5[%dma_wait3A_66, %dma_wait3A_67] : memref<16x128xi32, #tpu.memory_space<vmem>> -> memref<1x128xi32, #tpu.memory_space<vmem>>
      %dma_wait3A_69 = tpu.memref_squeeze %dma_wait3A_68 : memref<1x128xi32, #tpu.memory_space<vmem>> -> memref<128xi32, #tpu.memory_space<vmem>>
      %dma_wait3A_70 = arith.constant 0 : i32
      %dma_wait3A_71 = arith.constant 0 : i32
      %dma_wait3A_72 = tpu.memref_slice %arg2[%dma_wait3A_70, %dma_wait3A_71] : memref<10112x128xf32, #tpu.memory_space<hbm>> -> memref<10112x128xf32, #tpu.memory_space<hbm>>
      tpu.wait_indirect_dma semaphore(%arg11 : memref<!tpu.dma_semaphore, #tpu.memory_space<semaphore_mem>>) src(%dma_wait3A_72 : memref<10112x128xf32, #tpu.memory_space<hbm>>) dst(%arg7 : memref<128x128xf32, #tpu.memory_space<vmem>>)
      %dma_start3A_73 = arith.constant 8 : i32
      %dma_start3A_74 = arith.constant 0 : i32
      %dma_start3A_75 = tpu.memref_slice %arg5[%dma_start3A_73, %dma_start3A_74] : memref<16x128xi32, #tpu.memory_space<vmem>> -> memref<1x128xi32, #tpu.memory_space<vmem>>
      %dma_start3A_76 = tpu.memref_squeeze %dma_start3A_75 : memref<1x128xi32, #tpu.memory_space<vmem>> -> memref<128xi32, #tpu.memory_space<vmem>>
      %dma_start3A_77 = arith.constant 0 : i32
      %dma_start3A_78 = arith.constant 0 : i32
      %dma_start3A_79 = tpu.memref_slice %arg15[%dma_start3A_77, %dma_start3A_78] : memref<10112x128xf32, #tpu.memory_space<vmem_shared>> -> memref<10112x128xf32, #tpu.memory_space<vmem_shared>>
      tpu.enqueue_indirect_dma source(%arg7 : memref<128x128xf32, #tpu.memory_space<vmem>>) target(%dma_start3A_79 : memref<10112x128xf32, #tpu.memory_space<vmem_shared>>) offsets(%dma_start3A_76 : memref<128xi32, #tpu.memory_space<vmem>>) semaphore(%arg13 : memref<!tpu.dma_semaphore, #tpu.memory_space<semaphore_mem>>) {add = true}
      %dma_wait3A_80 = arith.constant 1 : i32
      %dma_wait3A_81 = arith.constant 0 : i32
      %dma_wait3A_82 = tpu.memref_slice %arg5[%dma_wait3A_80, %dma_wait3A_81] : memref<16x128xi32, #tpu.memory_space<vmem>> -> memref<1x128xi32, #tpu.memory_space<vmem>>
      %dma_wait3A_83 = tpu.memref_squeeze %dma_wait3A_82 : memref<1x128xi32, #tpu.memory_space<vmem>> -> memref<128xi32, #tpu.memory_space<vmem>>
      %dma_wait3A_84 = arith.constant 0 : i32
      %dma_wait3A_85 = arith.constant 0 : i32
      %dma_wait3A_86 = tpu.memref_slice %arg2[%dma_wait3A_84, %dma_wait3A_85] : memref<10112x128xf32, #tpu.memory_space<hbm>> -> memref<10112x128xf32, #tpu.memory_space<hbm>>
      tpu.wait_indirect_dma semaphore(%arg12 : memref<!tpu.dma_semaphore, #tpu.memory_space<semaphore_mem>>) src(%dma_wait3A_86 : memref<10112x128xf32, #tpu.memory_space<hbm>>) dst(%arg8 : memref<128x128xf32, #tpu.memory_space<vmem>>)
      %dma_start3A_87 = arith.constant 9 : i32
      %dma_start3A_88 = arith.constant 0 : i32
      %dma_start3A_89 = tpu.memref_slice %arg5[%dma_start3A_87, %dma_start3A_88] : memref<16x128xi32, #tpu.memory_space<vmem>> -> memref<1x128xi32, #tpu.memory_space<vmem>>
      %dma_start3A_90 = tpu.memref_squeeze %dma_start3A_89 : memref<1x128xi32, #tpu.memory_space<vmem>> -> memref<128xi32, #tpu.memory_space<vmem>>
      %dma_start3A_91 = arith.constant 0 : i32
      %dma_start3A_92 = arith.constant 0 : i32
      %dma_start3A_93 = tpu.memref_slice %arg15[%dma_start3A_91, %dma_start3A_92] : memref<10112x128xf32, #tpu.memory_space<vmem_shared>> -> memref<10112x128xf32, #tpu.memory_space<vmem_shared>>
      tpu.enqueue_indirect_dma source(%arg8 : memref<128x128xf32, #tpu.memory_space<vmem>>) target(%dma_start3A_93 : memref<10112x128xf32, #tpu.memory_space<vmem_shared>>) offsets(%dma_start3A_90 : memref<128xi32, #tpu.memory_space<vmem>>) semaphore(%arg14 : memref<!tpu.dma_semaphore, #tpu.memory_space<semaphore_mem>>) {add = true}
      %dma_wait3A_94 = arith.constant 8 : i32
      %dma_wait3A_95 = arith.constant 0 : i32
      %dma_wait3A_96 = tpu.memref_slice %arg5[%dma_wait3A_94, %dma_wait3A_95] : memref<16x128xi32, #tpu.memory_space<vmem>> -> memref<1x128xi32, #tpu.memory_space<vmem>>
      %dma_wait3A_97 = tpu.memref_squeeze %dma_wait3A_96 : memref<1x128xi32, #tpu.memory_space<vmem>> -> memref<128xi32, #tpu.memory_space<vmem>>
      %dma_wait3A_98 = arith.constant 0 : i32
      %dma_wait3A_99 = arith.constant 0 : i32
      %dma_wait3A_100 = tpu.memref_slice %arg15[%dma_wait3A_98, %dma_wait3A_99] : memref<10112x128xf32, #tpu.memory_space<vmem_shared>> -> memref<10112x128xf32, #tpu.memory_space<vmem_shared>>
      tpu.wait_indirect_dma semaphore(%arg13 : memref<!tpu.dma_semaphore, #tpu.memory_space<semaphore_mem>>) src(%arg7 : memref<128x128xf32, #tpu.memory_space<vmem>>) dst(%dma_wait3A_100 : memref<10112x128xf32, #tpu.memory_space<vmem_shared>>)
      %dma_start3A_101 = arith.constant 2 : i32
      %dma_start3A_102 = arith.constant 0 : i32
      %dma_start3A_103 = tpu.memref_slice %arg5[%dma_start3A_101, %dma_start3A_102] : memref<16x128xi32, #tpu.memory_space<vmem>> -> memref<1x128xi32, #tpu.memory_space<vmem>>
      %dma_start3A_104 = tpu.memref_squeeze %dma_start3A_103 : memref<1x128xi32, #tpu.memory_space<vmem>> -> memref<128xi32, #tpu.memory_space<vmem>>
      %dma_start3A_105 = arith.constant 0 : i32
      %dma_start3A_106 = arith.constant 0 : i32
      %dma_start3A_107 = tpu.memref_slice %arg2[%dma_start3A_105, %dma_start3A_106] : memref<10112x128xf32, #tpu.memory_space<hbm>> -> memref<10112x128xf32, #tpu.memory_space<hbm>>
      tpu.enqueue_indirect_dma source(%dma_start3A_107 : memref<10112x128xf32, #tpu.memory_space<hbm>>) target(%arg7 : memref<128x128xf32, #tpu.memory_space<vmem>>) offsets(%dma_start3A_104 : memref<128xi32, #tpu.memory_space<vmem>>) semaphore(%arg11 : memref<!tpu.dma_semaphore, #tpu.memory_space<semaphore_mem>>)
      %dma_wait3A_108 = arith.constant 9 : i32
      %dma_wait3A_109 = arith.constant 0 : i32
      %dma_wait3A_110 = tpu.memref_slice %arg5[%dma_wait3A_108, %dma_wait3A_109] : memref<16x128xi32, #tpu.memory_space<vmem>> -> memref<1x128xi32, #tpu.memory_space<vmem>>
      %dma_wait3A_111 = tpu.memref_squeeze %dma_wait3A_110 : memref<1x128xi32, #tpu.memory_space<vmem>> -> memref<128xi32, #tpu.memory_space<vmem>>
      %dma_wait3A_112 = arith.constant 0 : i32
      %dma_wait3A_113 = arith.constant 0 : i32
      %dma_wait3A_114 = tpu.memref_slice %arg15[%dma_wait3A_112, %dma_wait3A_113] : memref<10112x128xf32, #tpu.memory_space<vmem_shared>> -> memref<10112x128xf32, #tpu.memory_space<vmem_shared>>
      tpu.wait_indirect_dma semaphore(%arg14 : memref<!tpu.dma_semaphore, #tpu.memory_space<semaphore_mem>>) src(%arg8 : memref<128x128xf32, #tpu.memory_space<vmem>>) dst(%dma_wait3A_114 : memref<10112x128xf32, #tpu.memory_space<vmem_shared>>)
      %dma_start3A_115 = arith.constant 3 : i32
      %dma_start3A_116 = arith.constant 0 : i32
      %dma_start3A_117 = tpu.memref_slice %arg5[%dma_start3A_115, %dma_start3A_116] : memref<16x128xi32, #tpu.memory_space<vmem>> -> memref<1x128xi32, #tpu.memory_space<vmem>>
      %dma_start3A_118 = tpu.memref_squeeze %dma_start3A_117 : memref<1x128xi32, #tpu.memory_space<vmem>> -> memref<128xi32, #tpu.memory_space<vmem>>
      %dma_start3A_119 = arith.constant 0 : i32
      %dma_start3A_120 = arith.constant 0 : i32
      %dma_start3A_121 = tpu.memref_slice %arg2[%dma_start3A_119, %dma_start3A_120] : memref<10112x128xf32, #tpu.memory_space<hbm>> -> memref<10112x128xf32, #tpu.memory_space<hbm>>
      tpu.enqueue_indirect_dma source(%dma_start3A_121 : memref<10112x128xf32, #tpu.memory_space<hbm>>) target(%arg8 : memref<128x128xf32, #tpu.memory_space<vmem>>) offsets(%dma_start3A_118 : memref<128xi32, #tpu.memory_space<vmem>>) semaphore(%arg12 : memref<!tpu.dma_semaphore, #tpu.memory_space<semaphore_mem>>)
      %dma_wait3A_122 = arith.constant 2 : i32
      %dma_wait3A_123 = arith.constant 0 : i32
      %dma_wait3A_124 = tpu.memref_slice %arg5[%dma_wait3A_122, %dma_wait3A_123] : memref<16x128xi32, #tpu.memory_space<vmem>> -> memref<1x128xi32, #tpu.memory_space<vmem>>
      %dma_wait3A_125 = tpu.memref_squeeze %dma_wait3A_124 : memref<1x128xi32, #tpu.memory_space<vmem>> -> memref<128xi32, #tpu.memory_space<vmem>>
      %dma_wait3A_126 = arith.constant 0 : i32
      %dma_wait3A_127 = arith.constant 0 : i32
      %dma_wait3A_128 = tpu.memref_slice %arg2[%dma_wait3A_126, %dma_wait3A_127] : memref<10112x128xf32, #tpu.memory_space<hbm>> -> memref<10112x128xf32, #tpu.memory_space<hbm>>
      tpu.wait_indirect_dma semaphore(%arg11 : memref<!tpu.dma_semaphore, #tpu.memory_space<semaphore_mem>>) src(%dma_wait3A_128 : memref<10112x128xf32, #tpu.memory_space<hbm>>) dst(%arg7 : memref<128x128xf32, #tpu.memory_space<vmem>>)
      %dma_start3A_129 = arith.constant 10 : i32
      %dma_start3A_130 = arith.constant 0 : i32
      %dma_start3A_131 = tpu.memref_slice %arg5[%dma_start3A_129, %dma_start3A_130] : memref<16x128xi32, #tpu.memory_space<vmem>> -> memref<1x128xi32, #tpu.memory_space<vmem>>
      %dma_start3A_132 = tpu.memref_squeeze %dma_start3A_131 : memref<1x128xi32, #tpu.memory_space<vmem>> -> memref<128xi32, #tpu.memory_space<vmem>>
      %dma_start3A_133 = arith.constant 0 : i32
      %dma_start3A_134 = arith.constant 0 : i32
      %dma_start3A_135 = tpu.memref_slice %arg15[%dma_start3A_133, %dma_start3A_134] : memref<10112x128xf32, #tpu.memory_space<vmem_shared>> -> memref<10112x128xf32, #tpu.memory_space<vmem_shared>>
      tpu.enqueue_indirect_dma source(%arg7 : memref<128x128xf32, #tpu.memory_space<vmem>>) target(%dma_start3A_135 : memref<10112x128xf32, #tpu.memory_space<vmem_shared>>) offsets(%dma_start3A_132 : memref<128xi32, #tpu.memory_space<vmem>>) semaphore(%arg13 : memref<!tpu.dma_semaphore, #tpu.memory_space<semaphore_mem>>) {add = true}
      %dma_wait3A_136 = arith.constant 3 : i32
      %dma_wait3A_137 = arith.constant 0 : i32
      %dma_wait3A_138 = tpu.memref_slice %arg5[%dma_wait3A_136, %dma_wait3A_137] : memref<16x128xi32, #tpu.memory_space<vmem>> -> memref<1x128xi32, #tpu.memory_space<vmem>>
      %dma_wait3A_139 = tpu.memref_squeeze %dma_wait3A_138 : memref<1x128xi32, #tpu.memory_space<vmem>> -> memref<128xi32, #tpu.memory_space<vmem>>
      %dma_wait3A_140 = arith.constant 0 : i32
      %dma_wait3A_141 = arith.constant 0 : i32
      %dma_wait3A_142 = tpu.memref_slice %arg2[%dma_wait3A_140, %dma_wait3A_141] : memref<10112x128xf32, #tpu.memory_space<hbm>> -> memref<10112x128xf32, #tpu.memory_space<hbm>>
      tpu.wait_indirect_dma semaphore(%arg12 : memref<!tpu.dma_semaphore, #tpu.memory_space<semaphore_mem>>) src(%dma_wait3A_142 : memref<10112x128xf32, #tpu.memory_space<hbm>>) dst(%arg8 : memref<128x128xf32, #tpu.memory_space<vmem>>)
      %dma_start3A_143 = arith.constant 11 : i32
      %dma_start3A_144 = arith.constant 0 : i32
      %dma_start3A_145 = tpu.memref_slice %arg5[%dma_start3A_143, %dma_start3A_144] : memref<16x128xi32, #tpu.memory_space<vmem>> -> memref<1x128xi32, #tpu.memory_space<vmem>>
      %dma_start3A_146 = tpu.memref_squeeze %dma_start3A_145 : memref<1x128xi32, #tpu.memory_space<vmem>> -> memref<128xi32, #tpu.memory_space<vmem>>
      %dma_start3A_147 = arith.constant 0 : i32
      %dma_start3A_148 = arith.constant 0 : i32
      %dma_start3A_149 = tpu.memref_slice %arg15[%dma_start3A_147, %dma_start3A_148] : memref<10112x128xf32, #tpu.memory_space<vmem_shared>> -> memref<10112x128xf32, #tpu.memory_space<vmem_shared>>
      tpu.enqueue_indirect_dma source(%arg8 : memref<128x128xf32, #tpu.memory_space<vmem>>) target(%dma_start3A_149 : memref<10112x128xf32, #tpu.memory_space<vmem_shared>>) offsets(%dma_start3A_146 : memref<128xi32, #tpu.memory_space<vmem>>) semaphore(%arg14 : memref<!tpu.dma_semaphore, #tpu.memory_space<semaphore_mem>>) {add = true}
      %dma_wait3A_150 = arith.constant 10 : i32
      %dma_wait3A_151 = arith.constant 0 : i32
      %dma_wait3A_152 = tpu.memref_slice %arg5[%dma_wait3A_150, %dma_wait3A_151] : memref<16x128xi32, #tpu.memory_space<vmem>> -> memref<1x128xi32, #tpu.memory_space<vmem>>
      %dma_wait3A_153 = tpu.memref_squeeze %dma_wait3A_152 : memref<1x128xi32, #tpu.memory_space<vmem>> -> memref<128xi32, #tpu.memory_space<vmem>>
      %dma_wait3A_154 = arith.constant 0 : i32
      %dma_wait3A_155 = arith.constant 0 : i32
      %dma_wait3A_156 = tpu.memref_slice %arg15[%dma_wait3A_154, %dma_wait3A_155] : memref<10112x128xf32, #tpu.memory_space<vmem_shared>> -> memref<10112x128xf32, #tpu.memory_space<vmem_shared>>
      tpu.wait_indirect_dma semaphore(%arg13 : memref<!tpu.dma_semaphore, #tpu.memory_space<semaphore_mem>>) src(%arg7 : memref<128x128xf32, #tpu.memory_space<vmem>>) dst(%dma_wait3A_156 : memref<10112x128xf32, #tpu.memory_space<vmem_shared>>)
      %dma_start3A_157 = arith.constant 4 : i32
      %dma_start3A_158 = arith.constant 0 : i32
      %dma_start3A_159 = tpu.memref_slice %arg5[%dma_start3A_157, %dma_start3A_158] : memref<16x128xi32, #tpu.memory_space<vmem>> -> memref<1x128xi32, #tpu.memory_space<vmem>>
      %dma_start3A_160 = tpu.memref_squeeze %dma_start3A_159 : memref<1x128xi32, #tpu.memory_space<vmem>> -> memref<128xi32, #tpu.memory_space<vmem>>
      %dma_start3A_161 = arith.constant 0 : i32
      %dma_start3A_162 = arith.constant 0 : i32
      %dma_start3A_163 = tpu.memref_slice %arg2[%dma_start3A_161, %dma_start3A_162] : memref<10112x128xf32, #tpu.memory_space<hbm>> -> memref<10112x128xf32, #tpu.memory_space<hbm>>
      tpu.enqueue_indirect_dma source(%dma_start3A_163 : memref<10112x128xf32, #tpu.memory_space<hbm>>) target(%arg7 : memref<128x128xf32, #tpu.memory_space<vmem>>) offsets(%dma_start3A_160 : memref<128xi32, #tpu.memory_space<vmem>>) semaphore(%arg11 : memref<!tpu.dma_semaphore, #tpu.memory_space<semaphore_mem>>)
      %dma_wait3A_164 = arith.constant 11 : i32
      %dma_wait3A_165 = arith.constant 0 : i32
      %dma_wait3A_166 = tpu.memref_slice %arg5[%dma_wait3A_164, %dma_wait3A_165] : memref<16x128xi32, #tpu.memory_space<vmem>> -> memref<1x128xi32, #tpu.memory_space<vmem>>
      %dma_wait3A_167 = tpu.memref_squeeze %dma_wait3A_166 : memref<1x128xi32, #tpu.memory_space<vmem>> -> memref<128xi32, #tpu.memory_space<vmem>>
      %dma_wait3A_168 = arith.constant 0 : i32
      %dma_wait3A_169 = arith.constant 0 : i32
      %dma_wait3A_170 = tpu.memref_slice %arg15[%dma_wait3A_168, %dma_wait3A_169] : memref<10112x128xf32, #tpu.memory_space<vmem_shared>> -> memref<10112x128xf32, #tpu.memory_space<vmem_shared>>
      tpu.wait_indirect_dma semaphore(%arg14 : memref<!tpu.dma_semaphore, #tpu.memory_space<semaphore_mem>>) src(%arg8 : memref<128x128xf32, #tpu.memory_space<vmem>>) dst(%dma_wait3A_170 : memref<10112x128xf32, #tpu.memory_space<vmem_shared>>)
      %dma_start3A_171 = arith.constant 5 : i32
      %dma_start3A_172 = arith.constant 0 : i32
      %dma_start3A_173 = tpu.memref_slice %arg5[%dma_start3A_171, %dma_start3A_172] : memref<16x128xi32, #tpu.memory_space<vmem>> -> memref<1x128xi32, #tpu.memory_space<vmem>>
      %dma_start3A_174 = tpu.memref_squeeze %dma_start3A_173 : memref<1x128xi32, #tpu.memory_space<vmem>> -> memref<128xi32, #tpu.memory_space<vmem>>
      %dma_start3A_175 = arith.constant 0 : i32
      %dma_start3A_176 = arith.constant 0 : i32
      %dma_start3A_177 = tpu.memref_slice %arg2[%dma_start3A_175, %dma_start3A_176] : memref<10112x128xf32, #tpu.memory_space<hbm>> -> memref<10112x128xf32, #tpu.memory_space<hbm>>
      tpu.enqueue_indirect_dma source(%dma_start3A_177 : memref<10112x128xf32, #tpu.memory_space<hbm>>) target(%arg8 : memref<128x128xf32, #tpu.memory_space<vmem>>) offsets(%dma_start3A_174 : memref<128xi32, #tpu.memory_space<vmem>>) semaphore(%arg12 : memref<!tpu.dma_semaphore, #tpu.memory_space<semaphore_mem>>)
      %dma_wait3A_178 = arith.constant 4 : i32
      %dma_wait3A_179 = arith.constant 0 : i32
      %dma_wait3A_180 = tpu.memref_slice %arg5[%dma_wait3A_178, %dma_wait3A_179] : memref<16x128xi32, #tpu.memory_space<vmem>> -> memref<1x128xi32, #tpu.memory_space<vmem>>
      %dma_wait3A_181 = tpu.memref_squeeze %dma_wait3A_180 : memref<1x128xi32, #tpu.memory_space<vmem>> -> memref<128xi32, #tpu.memory_space<vmem>>
      %dma_wait3A_182 = arith.constant 0 : i32
      %dma_wait3A_183 = arith.constant 0 : i32
      %dma_wait3A_184 = tpu.memref_slice %arg2[%dma_wait3A_182, %dma_wait3A_183] : memref<10112x128xf32, #tpu.memory_space<hbm>> -> memref<10112x128xf32, #tpu.memory_space<hbm>>
      tpu.wait_indirect_dma semaphore(%arg11 : memref<!tpu.dma_semaphore, #tpu.memory_space<semaphore_mem>>) src(%dma_wait3A_184 : memref<10112x128xf32, #tpu.memory_space<hbm>>) dst(%arg7 : memref<128x128xf32, #tpu.memory_space<vmem>>)
      %dma_start3A_185 = arith.constant 12 : i32
      %dma_start3A_186 = arith.constant 0 : i32
      %dma_start3A_187 = tpu.memref_slice %arg5[%dma_start3A_185, %dma_start3A_186] : memref<16x128xi32, #tpu.memory_space<vmem>> -> memref<1x128xi32, #tpu.memory_space<vmem>>
      %dma_start3A_188 = tpu.memref_squeeze %dma_start3A_187 : memref<1x128xi32, #tpu.memory_space<vmem>> -> memref<128xi32, #tpu.memory_space<vmem>>
      %dma_start3A_189 = arith.constant 0 : i32
      %dma_start3A_190 = arith.constant 0 : i32
      %dma_start3A_191 = tpu.memref_slice %arg15[%dma_start3A_189, %dma_start3A_190] : memref<10112x128xf32, #tpu.memory_space<vmem_shared>> -> memref<10112x128xf32, #tpu.memory_space<vmem_shared>>
      tpu.enqueue_indirect_dma source(%arg7 : memref<128x128xf32, #tpu.memory_space<vmem>>) target(%dma_start3A_191 : memref<10112x128xf32, #tpu.memory_space<vmem_shared>>) offsets(%dma_start3A_188 : memref<128xi32, #tpu.memory_space<vmem>>) semaphore(%arg13 : memref<!tpu.dma_semaphore, #tpu.memory_space<semaphore_mem>>) {add = true}
      %dma_wait3A_192 = arith.constant 5 : i32
      %dma_wait3A_193 = arith.constant 0 : i32
      %dma_wait3A_194 = tpu.memref_slice %arg5[%dma_wait3A_192, %dma_wait3A_193] : memref<16x128xi32, #tpu.memory_space<vmem>> -> memref<1x128xi32, #tpu.memory_space<vmem>>
      %dma_wait3A_195 = tpu.memref_squeeze %dma_wait3A_194 : memref<1x128xi32, #tpu.memory_space<vmem>> -> memref<128xi32, #tpu.memory_space<vmem>>
      %dma_wait3A_196 = arith.constant 0 : i32
      %dma_wait3A_197 = arith.constant 0 : i32
      %dma_wait3A_198 = tpu.memref_slice %arg2[%dma_wait3A_196, %dma_wait3A_197] : memref<10112x128xf32, #tpu.memory_space<hbm>> -> memref<10112x128xf32, #tpu.memory_space<hbm>>
      tpu.wait_indirect_dma semaphore(%arg12 : memref<!tpu.dma_semaphore, #tpu.memory_space<semaphore_mem>>) src(%dma_wait3A_198 : memref<10112x128xf32, #tpu.memory_space<hbm>>) dst(%arg8 : memref<128x128xf32, #tpu.memory_space<vmem>>)
      %dma_start3A_199 = arith.constant 13 : i32
      %dma_start3A_200 = arith.constant 0 : i32
      %dma_start3A_201 = tpu.memref_slice %arg5[%dma_start3A_199, %dma_start3A_200] : memref<16x128xi32, #tpu.memory_space<vmem>> -> memref<1x128xi32, #tpu.memory_space<vmem>>
      %dma_start3A_202 = tpu.memref_squeeze %dma_start3A_201 : memref<1x128xi32, #tpu.memory_space<vmem>> -> memref<128xi32, #tpu.memory_space<vmem>>
      %dma_start3A_203 = arith.constant 0 : i32
      %dma_start3A_204 = arith.constant 0 : i32
      %dma_start3A_205 = tpu.memref_slice %arg15[%dma_start3A_203, %dma_start3A_204] : memref<10112x128xf32, #tpu.memory_space<vmem_shared>> -> memref<10112x128xf32, #tpu.memory_space<vmem_shared>>
      tpu.enqueue_indirect_dma source(%arg8 : memref<128x128xf32, #tpu.memory_space<vmem>>) target(%dma_start3A_205 : memref<10112x128xf32, #tpu.memory_space<vmem_shared>>) offsets(%dma_start3A_202 : memref<128xi32, #tpu.memory_space<vmem>>) semaphore(%arg14 : memref<!tpu.dma_semaphore, #tpu.memory_space<semaphore_mem>>) {add = true}
      %dma_wait3A_206 = arith.constant 12 : i32
      %dma_wait3A_207 = arith.constant 0 : i32
      %dma_wait3A_208 = tpu.memref_slice %arg5[%dma_wait3A_206, %dma_wait3A_207] : memref<16x128xi32, #tpu.memory_space<vmem>> -> memref<1x128xi32, #tpu.memory_space<vmem>>
      %dma_wait3A_209 = tpu.memref_squeeze %dma_wait3A_208 : memref<1x128xi32, #tpu.memory_space<vmem>> -> memref<128xi32, #tpu.memory_space<vmem>>
      %dma_wait3A_210 = arith.constant 0 : i32
      %dma_wait3A_211 = arith.constant 0 : i32
      %dma_wait3A_212 = tpu.memref_slice %arg15[%dma_wait3A_210, %dma_wait3A_211] : memref<10112x128xf32, #tpu.memory_space<vmem_shared>> -> memref<10112x128xf32, #tpu.memory_space<vmem_shared>>
      tpu.wait_indirect_dma semaphore(%arg13 : memref<!tpu.dma_semaphore, #tpu.memory_space<semaphore_mem>>) src(%arg7 : memref<128x128xf32, #tpu.memory_space<vmem>>) dst(%dma_wait3A_212 : memref<10112x128xf32, #tpu.memory_space<vmem_shared>>)
      %dma_start3A_213 = arith.constant 6 : i32
      %dma_start3A_214 = arith.constant 0 : i32
      %dma_start3A_215 = tpu.memref_slice %arg5[%dma_start3A_213, %dma_start3A_214] : memref<16x128xi32, #tpu.memory_space<vmem>> -> memref<1x128xi32, #tpu.memory_space<vmem>>
      %dma_start3A_216 = tpu.memref_squeeze %dma_start3A_215 : memref<1x128xi32, #tpu.memory_space<vmem>> -> memref<128xi32, #tpu.memory_space<vmem>>
      %dma_start3A_217 = arith.constant 0 : i32
      %dma_start3A_218 = arith.constant 0 : i32
      %dma_start3A_219 = tpu.memref_slice %arg2[%dma_start3A_217, %dma_start3A_218] : memref<10112x128xf32, #tpu.memory_space<hbm>> -> memref<10112x128xf32, #tpu.memory_space<hbm>>
      tpu.enqueue_indirect_dma source(%dma_start3A_219 : memref<10112x128xf32, #tpu.memory_space<hbm>>) target(%arg7 : memref<128x128xf32, #tpu.memory_space<vmem>>) offsets(%dma_start3A_216 : memref<128xi32, #tpu.memory_space<vmem>>) semaphore(%arg11 : memref<!tpu.dma_semaphore, #tpu.memory_space<semaphore_mem>>)
      %dma_wait3A_220 = arith.constant 13 : i32
      %dma_wait3A_221 = arith.constant 0 : i32
      %dma_wait3A_222 = tpu.memref_slice %arg5[%dma_wait3A_220, %dma_wait3A_221] : memref<16x128xi32, #tpu.memory_space<vmem>> -> memref<1x128xi32, #tpu.memory_space<vmem>>
      %dma_wait3A_223 = tpu.memref_squeeze %dma_wait3A_222 : memref<1x128xi32, #tpu.memory_space<vmem>> -> memref<128xi32, #tpu.memory_space<vmem>>
      %dma_wait3A_224 = arith.constant 0 : i32
      %dma_wait3A_225 = arith.constant 0 : i32
      %dma_wait3A_226 = tpu.memref_slice %arg15[%dma_wait3A_224, %dma_wait3A_225] : memref<10112x128xf32, #tpu.memory_space<vmem_shared>> -> memref<10112x128xf32, #tpu.memory_space<vmem_shared>>
      tpu.wait_indirect_dma semaphore(%arg14 : memref<!tpu.dma_semaphore, #tpu.memory_space<semaphore_mem>>) src(%arg8 : memref<128x128xf32, #tpu.memory_space<vmem>>) dst(%dma_wait3A_226 : memref<10112x128xf32, #tpu.memory_space<vmem_shared>>)
      %dma_start3A_227 = arith.constant 7 : i32
      %dma_start3A_228 = arith.constant 0 : i32
      %dma_start3A_229 = tpu.memref_slice %arg5[%dma_start3A_227, %dma_start3A_228] : memref<16x128xi32, #tpu.memory_space<vmem>> -> memref<1x128xi32, #tpu.memory_space<vmem>>
      %dma_start3A_230 = tpu.memref_squeeze %dma_start3A_229 : memref<1x128xi32, #tpu.memory_space<vmem>> -> memref<128xi32, #tpu.memory_space<vmem>>
      %dma_start3A_231 = arith.constant 0 : i32
      %dma_start3A_232 = arith.constant 0 : i32
      %dma_start3A_233 = tpu.memref_slice %arg2[%dma_start3A_231, %dma_start3A_232] : memref<10112x128xf32, #tpu.memory_space<hbm>> -> memref<10112x128xf32, #tpu.memory_space<hbm>>
      tpu.enqueue_indirect_dma source(%dma_start3A_233 : memref<10112x128xf32, #tpu.memory_space<hbm>>) target(%arg8 : memref<128x128xf32, #tpu.memory_space<vmem>>) offsets(%dma_start3A_230 : memref<128xi32, #tpu.memory_space<vmem>>) semaphore(%arg12 : memref<!tpu.dma_semaphore, #tpu.memory_space<semaphore_mem>>)
      %dma_wait3A_234 = arith.constant 6 : i32
      %dma_wait3A_235 = arith.constant 0 : i32
      %dma_wait3A_236 = tpu.memref_slice %arg5[%dma_wait3A_234, %dma_wait3A_235] : memref<16x128xi32, #tpu.memory_space<vmem>> -> memref<1x128xi32, #tpu.memory_space<vmem>>
      %dma_wait3A_237 = tpu.memref_squeeze %dma_wait3A_236 : memref<1x128xi32, #tpu.memory_space<vmem>> -> memref<128xi32, #tpu.memory_space<vmem>>
      %dma_wait3A_238 = arith.constant 0 : i32
      %dma_wait3A_239 = arith.constant 0 : i32
      %dma_wait3A_240 = tpu.memref_slice %arg2[%dma_wait3A_238, %dma_wait3A_239] : memref<10112x128xf32, #tpu.memory_space<hbm>> -> memref<10112x128xf32, #tpu.memory_space<hbm>>
      tpu.wait_indirect_dma semaphore(%arg11 : memref<!tpu.dma_semaphore, #tpu.memory_space<semaphore_mem>>) src(%dma_wait3A_240 : memref<10112x128xf32, #tpu.memory_space<hbm>>) dst(%arg7 : memref<128x128xf32, #tpu.memory_space<vmem>>)
      %dma_start3A_241 = arith.constant 14 : i32
      %dma_start3A_242 = arith.constant 0 : i32
      %dma_start3A_243 = tpu.memref_slice %arg5[%dma_start3A_241, %dma_start3A_242] : memref<16x128xi32, #tpu.memory_space<vmem>> -> memref<1x128xi32, #tpu.memory_space<vmem>>
      %dma_start3A_244 = tpu.memref_squeeze %dma_start3A_243 : memref<1x128xi32, #tpu.memory_space<vmem>> -> memref<128xi32, #tpu.memory_space<vmem>>
      %dma_start3A_245 = arith.constant 0 : i32
      %dma_start3A_246 = arith.constant 0 : i32
      %dma_start3A_247 = tpu.memref_slice %arg15[%dma_start3A_245, %dma_start3A_246] : memref<10112x128xf32, #tpu.memory_space<vmem_shared>> -> memref<10112x128xf32, #tpu.memory_space<vmem_shared>>
      tpu.enqueue_indirect_dma source(%arg7 : memref<128x128xf32, #tpu.memory_space<vmem>>) target(%dma_start3A_247 : memref<10112x128xf32, #tpu.memory_space<vmem_shared>>) offsets(%dma_start3A_244 : memref<128xi32, #tpu.memory_space<vmem>>) semaphore(%arg13 : memref<!tpu.dma_semaphore, #tpu.memory_space<semaphore_mem>>) {add = true}
      %dma_wait3A_248 = arith.constant 7 : i32
      %dma_wait3A_249 = arith.constant 0 : i32
      %dma_wait3A_250 = tpu.memref_slice %arg5[%dma_wait3A_248, %dma_wait3A_249] : memref<16x128xi32, #tpu.memory_space<vmem>> -> memref<1x128xi32, #tpu.memory_space<vmem>>
      %dma_wait3A_251 = tpu.memref_squeeze %dma_wait3A_250 : memref<1x128xi32, #tpu.memory_space<vmem>> -> memref<128xi32, #tpu.memory_space<vmem>>
      %dma_wait3A_252 = arith.constant 0 : i32
      %dma_wait3A_253 = arith.constant 0 : i32
      %dma_wait3A_254 = tpu.memref_slice %arg2[%dma_wait3A_252, %dma_wait3A_253] : memref<10112x128xf32, #tpu.memory_space<hbm>> -> memref<10112x128xf32, #tpu.memory_space<hbm>>
      tpu.wait_indirect_dma semaphore(%arg12 : memref<!tpu.dma_semaphore, #tpu.memory_space<semaphore_mem>>) src(%dma_wait3A_254 : memref<10112x128xf32, #tpu.memory_space<hbm>>) dst(%arg8 : memref<128x128xf32, #tpu.memory_space<vmem>>)
      %dma_start3A_255 = arith.constant 15 : i32
      %dma_start3A_256 = arith.constant 0 : i32
      %dma_start3A_257 = tpu.memref_slice %arg5[%dma_start3A_255, %dma_start3A_256] : memref<16x128xi32, #tpu.memory_space<vmem>> -> memref<1x128xi32, #tpu.memory_space<vmem>>
      %dma_start3A_258 = tpu.memref_squeeze %dma_start3A_257 : memref<1x128xi32, #tpu.memory_space<vmem>> -> memref<128xi32, #tpu.memory_space<vmem>>
      %dma_start3A_259 = arith.constant 0 : i32
      %dma_start3A_260 = arith.constant 0 : i32
      %dma_start3A_261 = tpu.memref_slice %arg15[%dma_start3A_259, %dma_start3A_260] : memref<10112x128xf32, #tpu.memory_space<vmem_shared>> -> memref<10112x128xf32, #tpu.memory_space<vmem_shared>>
      tpu.enqueue_indirect_dma source(%arg8 : memref<128x128xf32, #tpu.memory_space<vmem>>) target(%dma_start3A_261 : memref<10112x128xf32, #tpu.memory_space<vmem_shared>>) offsets(%dma_start3A_258 : memref<128xi32, #tpu.memory_space<vmem>>) semaphore(%arg14 : memref<!tpu.dma_semaphore, #tpu.memory_space<semaphore_mem>>) {add = true}
      %add3A_262 = arith.constant 0 : i32
      %add3A_263 = arith.addi %mul3A_2, %add3A_262 : i32
      %mul3A_264 = arith.constant 2 : i32
      %mul3A_265 = arith.muli %add3A_263, %mul3A_264 : i32
      %mul3A_266 = arith.constant 8 : i32
      %mul3A_267 = arith.muli %mul3A_265, %mul3A_266 : i32
      %dma_wait3A_268 = arith.constant 0 : i32
      %dma_wait3A_269 = tpu.memref_slice %arg3[%mul3A_267, %dma_wait3A_268] : memref<5120x128xi32, #tpu.memory_space<hbm>> -> memref<16x128xi32, #tpu.memory_space<hbm>>
      %dma_wait3A_270 = arith.constant 0 : i32
      %dma_wait3A_271 = tpu.memref_slice %arg3[%mul3A_267, %dma_wait3A_270] : memref<5120x128xi32, #tpu.memory_space<hbm>> -> memref<16x128xi32, #tpu.memory_space<hbm>>
      tpu.wait_dma2 semaphore(%arg10 : memref<!tpu.dma_semaphore, #tpu.memory_space<semaphore_mem>>) src(%dma_wait3A_271 : memref<16x128xi32, #tpu.memory_space<hbm>>) dst(%arg6 : memref<16x128xi32, #tpu.memory_space<vmem>>)
      %dma_wait3A_272 = arith.constant 14 : i32
      %dma_wait3A_273 = arith.constant 0 : i32
      %dma_wait3A_274 = tpu.memref_slice %arg5[%dma_wait3A_272, %dma_wait3A_273] : memref<16x128xi32, #tpu.memory_space<vmem>> -> memref<1x128xi32, #tpu.memory_space<vmem>>
      %dma_wait3A_275 = tpu.memref_squeeze %dma_wait3A_274 : memref<1x128xi32, #tpu.memory_space<vmem>> -> memref<128xi32, #tpu.memory_space<vmem>>
      %dma_wait3A_276 = arith.constant 0 : i32
      %dma_wait3A_277 = arith.constant 0 : i32
      %dma_wait3A_278 = tpu.memref_slice %arg15[%dma_wait3A_276, %dma_wait3A_277] : memref<10112x128xf32, #tpu.memory_space<vmem_shared>> -> memref<10112x128xf32, #tpu.memory_space<vmem_shared>>
      tpu.wait_indirect_dma semaphore(%arg13 : memref<!tpu.dma_semaphore, #tpu.memory_space<semaphore_mem>>) src(%arg7 : memref<128x128xf32, #tpu.memory_space<vmem>>) dst(%dma_wait3A_278 : memref<10112x128xf32, #tpu.memory_space<vmem_shared>>)
      %dma_start3A_279 = arith.constant 0 : i32
      %dma_start3A_280 = arith.constant 0 : i32
      %dma_start3A_281 = tpu.memref_slice %arg6[%dma_start3A_279, %dma_start3A_280] : memref<16x128xi32, #tpu.memory_space<vmem>> -> memref<1x128xi32, #tpu.memory_space<vmem>>
      %dma_start3A_282 = tpu.memref_squeeze %dma_start3A_281 : memref<1x128xi32, #tpu.memory_space<vmem>> -> memref<128xi32, #tpu.memory_space<vmem>>
      %dma_start3A_283 = arith.constant 0 : i32
      %dma_start3A_284 = arith.constant 0 : i32
      %dma_start3A_285 = tpu.memref_slice %arg2[%dma_start3A_283, %dma_start3A_284] : memref<10112x128xf32, #tpu.memory_space<hbm>> -> memref<10112x128xf32, #tpu.memory_space<hbm>>
      tpu.enqueue_indirect_dma source(%dma_start3A_285 : memref<10112x128xf32, #tpu.memory_space<hbm>>) target(%arg7 : memref<128x128xf32, #tpu.memory_space<vmem>>) offsets(%dma_start3A_282 : memref<128xi32, #tpu.memory_space<vmem>>) semaphore(%arg11 : memref<!tpu.dma_semaphore, #tpu.memory_space<semaphore_mem>>)
      %dma_wait3A_286 = arith.constant 15 : i32
      %dma_wait3A_287 = arith.constant 0 : i32
      %dma_wait3A_288 = tpu.memref_slice %arg5[%dma_wait3A_286, %dma_wait3A_287] : memref<16x128xi32, #tpu.memory_space<vmem>> -> memref<1x128xi32, #tpu.memory_space<vmem>>
      %dma_wait3A_289 = tpu.memref_squeeze %dma_wait3A_288 : memref<1x128xi32, #tpu.memory_space<vmem>> -> memref<128xi32, #tpu.memory_space<vmem>>
      %dma_wait3A_290 = arith.constant 0 : i32
      %dma_wait3A_291 = arith.constant 0 : i32
      %dma_wait3A_292 = tpu.memref_slice %arg15[%dma_wait3A_290, %dma_wait3A_291] : memref<10112x128xf32, #tpu.memory_space<vmem_shared>> -> memref<10112x128xf32, #tpu.memory_space<vmem_shared>>
      tpu.wait_indirect_dma semaphore(%arg14 : memref<!tpu.dma_semaphore, #tpu.memory_space<semaphore_mem>>) src(%arg8 : memref<128x128xf32, #tpu.memory_space<vmem>>) dst(%dma_wait3A_292 : memref<10112x128xf32, #tpu.memory_space<vmem_shared>>)
      %dma_start3A_293 = arith.constant 1 : i32
      %dma_start3A_294 = arith.constant 0 : i32
      %dma_start3A_295 = tpu.memref_slice %arg6[%dma_start3A_293, %dma_start3A_294] : memref<16x128xi32, #tpu.memory_space<vmem>> -> memref<1x128xi32, #tpu.memory_space<vmem>>
      %dma_start3A_296 = tpu.memref_squeeze %dma_start3A_295 : memref<1x128xi32, #tpu.memory_space<vmem>> -> memref<128xi32, #tpu.memory_space<vmem>>
      %dma_start3A_297 = arith.constant 0 : i32
      %dma_start3A_298 = arith.constant 0 : i32
      %dma_start3A_299 = tpu.memref_slice %arg2[%dma_start3A_297, %dma_start3A_298] : memref<10112x128xf32, #tpu.memory_space<hbm>> -> memref<10112x128xf32, #tpu.memory_space<hbm>>
      tpu.enqueue_indirect_dma source(%dma_start3A_299 : memref<10112x128xf32, #tpu.memory_space<hbm>>) target(%arg8 : memref<128x128xf32, #tpu.memory_space<vmem>>) offsets(%dma_start3A_296 : memref<128xi32, #tpu.memory_space<vmem>>) semaphore(%arg12 : memref<!tpu.dma_semaphore, #tpu.memory_space<semaphore_mem>>)
      %add3A_300 = arith.constant 2 : i32
      %add3A_301 = arith.addi %add3A_65, %add3A_300 : i32
      %lt3A = arith.constant 10 : i32
      %lt3A_302 = arith.cmpi slt, %add3A_301, %lt3A : i32
      %convert_element_type3A = arith.extui %lt3A_302 : i1 to i32
      %cond3A = arith.constant 0 : i32
      %cond3A_303 = arith.cmpi ne, %convert_element_type3A, %cond3A : i32
      scf.if %cond3A_303 {
        %add3A_535 = arith.constant 2 : i32
        %add3A_536 = arith.addi %add3A_65, %add3A_535 : i32
        %add3A_537 = arith.addi %mul3A_2, %add3A_536 : i32
        %mul3A_538 = arith.constant 2 : i32
        %mul3A_539 = arith.muli %add3A_537, %mul3A_538 : i32
        %mul3A_540 = arith.constant 8 : i32
        %mul3A_541 = arith.muli %mul3A_539, %mul3A_540 : i32
        %dma_start3A_542 = arith.constant 0 : i32
        %dma_start3A_543 = tpu.memref_slice %arg3[%mul3A_541, %dma_start3A_542] : memref<5120x128xi32, #tpu.memory_space<hbm>> -> memref<16x128xi32, #tpu.memory_space<hbm>>
        %dma_start3A_544 = arith.constant 0 : i32
        %dma_start3A_545 = tpu.memref_slice %arg3[%mul3A_541, %dma_start3A_544] : memref<5120x128xi32, #tpu.memory_space<hbm>> -> memref<16x128xi32, #tpu.memory_space<hbm>>
        tpu.enqueue_dma source(%dma_start3A_545 : memref<16x128xi32, #tpu.memory_space<hbm>>) target(%arg5 : memref<16x128xi32, #tpu.memory_space<vmem>>) target_semaphore(%arg9 : memref<!tpu.dma_semaphore, #tpu.memory_space<semaphore_mem>>)
      } else {
      }
      %dma_wait3A_304 = arith.constant 0 : i32
      %dma_wait3A_305 = arith.constant 0 : i32
      %dma_wait3A_306 = tpu.memref_slice %arg6[%dma_wait3A_304, %dma_wait3A_305] : memref<16x128xi32, #tpu.memory_space<vmem>> -> memref<1x128xi32, #tpu.memory_space<vmem>>
      %dma_wait3A_307 = tpu.memref_squeeze %dma_wait3A_306 : memref<1x128xi32, #tpu.memory_space<vmem>> -> memref<128xi32, #tpu.memory_space<vmem>>
      %dma_wait3A_308 = arith.constant 0 : i32
      %dma_wait3A_309 = arith.constant 0 : i32
      %dma_wait3A_310 = tpu.memref_slice %arg2[%dma_wait3A_308, %dma_wait3A_309] : memref<10112x128xf32, #tpu.memory_space<hbm>> -> memref<10112x128xf32, #tpu.memory_space<hbm>>
      tpu.wait_indirect_dma semaphore(%arg11 : memref<!tpu.dma_semaphore, #tpu.memory_space<semaphore_mem>>) src(%dma_wait3A_310 : memref<10112x128xf32, #tpu.memory_space<hbm>>) dst(%arg7 : memref<128x128xf32, #tpu.memory_space<vmem>>)
      %dma_start3A_311 = arith.constant 8 : i32
      %dma_start3A_312 = arith.constant 0 : i32
      %dma_start3A_313 = tpu.memref_slice %arg6[%dma_start3A_311, %dma_start3A_312] : memref<16x128xi32, #tpu.memory_space<vmem>> -> memref<1x128xi32, #tpu.memory_space<vmem>>
      %dma_start3A_314 = tpu.memref_squeeze %dma_start3A_313 : memref<1x128xi32, #tpu.memory_space<vmem>> -> memref<128xi32, #tpu.memory_space<vmem>>
      %dma_start3A_315 = arith.constant 0 : i32
      %dma_start3A_316 = arith.constant 0 : i32
      %dma_start3A_317 = tpu.memref_slice %arg15[%dma_start3A_315, %dma_start3A_316] : memref<10112x128xf32, #tpu.memory_space<vmem_shared>> -> memref<10112x128xf32, #tpu.memory_space<vmem_shared>>
      tpu.enqueue_indirect_dma source(%arg7 : memref<128x128xf32, #tpu.memory_space<vmem>>) target(%dma_start3A_317 : memref<10112x128xf32, #tpu.memory_space<vmem_shared>>) offsets(%dma_start3A_314 : memref<128xi32, #tpu.memory_space<vmem>>) semaphore(%arg13 : memref<!tpu.dma_semaphore, #tpu.memory_space<semaphore_mem>>) {add = true}
      %dma_wait3A_318 = arith.constant 1 : i32
      %dma_wait3A_319 = arith.constant 0 : i32
      %dma_wait3A_320 = tpu.memref_slice %arg6[%dma_wait3A_318, %dma_wait3A_319] : memref<16x128xi32, #tpu.memory_space<vmem>> -> memref<1x128xi32, #tpu.memory_space<vmem>>
      %dma_wait3A_321 = tpu.memref_squeeze %dma_wait3A_320 : memref<1x128xi32, #tpu.memory_space<vmem>> -> memref<128xi32, #tpu.memory_space<vmem>>
      %dma_wait3A_322 = arith.constant 0 : i32
      %dma_wait3A_323 = arith.constant 0 : i32
      %dma_wait3A_324 = tpu.memref_slice %arg2[%dma_wait3A_322, %dma_wait3A_323] : memref<10112x128xf32, #tpu.memory_space<hbm>> -> memref<10112x128xf32, #tpu.memory_space<hbm>>
      tpu.wait_indirect_dma semaphore(%arg12 : memref<!tpu.dma_semaphore, #tpu.memory_space<semaphore_mem>>) src(%dma_wait3A_324 : memref<10112x128xf32, #tpu.memory_space<hbm>>) dst(%arg8 : memref<128x128xf32, #tpu.memory_space<vmem>>)
      %dma_start3A_325 = arith.constant 9 : i32
      %dma_start3A_326 = arith.constant 0 : i32
      %dma_start3A_327 = tpu.memref_slice %arg6[%dma_start3A_325, %dma_start3A_326] : memref<16x128xi32, #tpu.memory_space<vmem>> -> memref<1x128xi32, #tpu.memory_space<vmem>>
      %dma_start3A_328 = tpu.memref_squeeze %dma_start3A_327 : memref<1x128xi32, #tpu.memory_space<vmem>> -> memref<128xi32, #tpu.memory_space<vmem>>
      %dma_start3A_329 = arith.constant 0 : i32
      %dma_start3A_330 = arith.constant 0 : i32
      %dma_start3A_331 = tpu.memref_slice %arg15[%dma_start3A_329, %dma_start3A_330] : memref<10112x128xf32, #tpu.memory_space<vmem_shared>> -> memref<10112x128xf32, #tpu.memory_space<vmem_shared>>
      tpu.enqueue_indirect_dma source(%arg8 : memref<128x128xf32, #tpu.memory_space<vmem>>) target(%dma_start3A_331 : memref<10112x128xf32, #tpu.memory_space<vmem_shared>>) offsets(%dma_start3A_328 : memref<128xi32, #tpu.memory_space<vmem>>) semaphore(%arg14 : memref<!tpu.dma_semaphore, #tpu.memory_space<semaphore_mem>>) {add = true}
      %dma_wait3A_332 = arith.constant 8 : i32
      %dma_wait3A_333 = arith.constant 0 : i32
      %dma_wait3A_334 = tpu.memref_slice %arg6[%dma_wait3A_332, %dma_wait3A_333] : memref<16x128xi32, #tpu.memory_space<vmem>> -> memref<1x128xi32, #tpu.memory_space<vmem>>
      %dma_wait3A_335 = tpu.memref_squeeze %dma_wait3A_334 : memref<1x128xi32, #tpu.memory_space<vmem>> -> memref<128xi32, #tpu.memory_space<vmem>>
      %dma_wait3A_336 = arith.constant 0 : i32
      %dma_wait3A_337 = arith.constant 0 : i32
      %dma_wait3A_338 = tpu.memref_slice %arg15[%dma_wait3A_336, %dma_wait3A_337] : memref<10112x128xf32, #tpu.memory_space<vmem_shared>> -> memref<10112x128xf32, #tpu.memory_space<vmem_shared>>
      tpu.wait_indirect_dma semaphore(%arg13 : memref<!tpu.dma_semaphore, #tpu.memory_space<semaphore_mem>>) src(%arg7 : memref<128x128xf32, #tpu.memory_space<vmem>>) dst(%dma_wait3A_338 : memref<10112x128xf32, #tpu.memory_space<vmem_shared>>)
      %dma_start3A_339 = arith.constant 2 : i32
      %dma_start3A_340 = arith.constant 0 : i32
      %dma_start3A_341 = tpu.memref_slice %arg6[%dma_start3A_339, %dma_start3A_340] : memref<16x128xi32, #tpu.memory_space<vmem>> -> memref<1x128xi32, #tpu.memory_space<vmem>>
      %dma_start3A_342 = tpu.memref_squeeze %dma_start3A_341 : memref<1x128xi32, #tpu.memory_space<vmem>> -> memref<128xi32, #tpu.memory_space<vmem>>
      %dma_start3A_343 = arith.constant 0 : i32
      %dma_start3A_344 = arith.constant 0 : i32
      %dma_start3A_345 = tpu.memref_slice %arg2[%dma_start3A_343, %dma_start3A_344] : memref<10112x128xf32, #tpu.memory_space<hbm>> -> memref<10112x128xf32, #tpu.memory_space<hbm>>
      tpu.enqueue_indirect_dma source(%dma_start3A_345 : memref<10112x128xf32, #tpu.memory_space<hbm>>) target(%arg7 : memref<128x128xf32, #tpu.memory_space<vmem>>) offsets(%dma_start3A_342 : memref<128xi32, #tpu.memory_space<vmem>>) semaphore(%arg11 : memref<!tpu.dma_semaphore, #tpu.memory_space<semaphore_mem>>)
      %dma_wait3A_346 = arith.constant 9 : i32
      %dma_wait3A_347 = arith.constant 0 : i32
      %dma_wait3A_348 = tpu.memref_slice %arg6[%dma_wait3A_346, %dma_wait3A_347] : memref<16x128xi32, #tpu.memory_space<vmem>> -> memref<1x128xi32, #tpu.memory_space<vmem>>
      %dma_wait3A_349 = tpu.memref_squeeze %dma_wait3A_348 : memref<1x128xi32, #tpu.memory_space<vmem>> -> memref<128xi32, #tpu.memory_space<vmem>>
      %dma_wait3A_350 = arith.constant 0 : i32
      %dma_wait3A_351 = arith.constant 0 : i32
      %dma_wait3A_352 = tpu.memref_slice %arg15[%dma_wait3A_350, %dma_wait3A_351] : memref<10112x128xf32, #tpu.memory_space<vmem_shared>> -> memref<10112x128xf32, #tpu.memory_space<vmem_shared>>
      tpu.wait_indirect_dma semaphore(%arg14 : memref<!tpu.dma_semaphore, #tpu.memory_space<semaphore_mem>>) src(%arg8 : memref<128x128xf32, #tpu.memory_space<vmem>>) dst(%dma_wait3A_352 : memref<10112x128xf32, #tpu.memory_space<vmem_shared>>)
      %dma_start3A_353 = arith.constant 3 : i32
      %dma_start3A_354 = arith.constant 0 : i32
      %dma_start3A_355 = tpu.memref_slice %arg6[%dma_start3A_353, %dma_start3A_354] : memref<16x128xi32, #tpu.memory_space<vmem>> -> memref<1x128xi32, #tpu.memory_space<vmem>>
      %dma_start3A_356 = tpu.memref_squeeze %dma_start3A_355 : memref<1x128xi32, #tpu.memory_space<vmem>> -> memref<128xi32, #tpu.memory_space<vmem>>
      %dma_start3A_357 = arith.constant 0 : i32
      %dma_start3A_358 = arith.constant 0 : i32
      %dma_start3A_359 = tpu.memref_slice %arg2[%dma_start3A_357, %dma_start3A_358] : memref<10112x128xf32, #tpu.memory_space<hbm>> -> memref<10112x128xf32, #tpu.memory_space<hbm>>
      tpu.enqueue_indirect_dma source(%dma_start3A_359 : memref<10112x128xf32, #tpu.memory_space<hbm>>) target(%arg8 : memref<128x128xf32, #tpu.memory_space<vmem>>) offsets(%dma_start3A_356 : memref<128xi32, #tpu.memory_space<vmem>>) semaphore(%arg12 : memref<!tpu.dma_semaphore, #tpu.memory_space<semaphore_mem>>)
      %dma_wait3A_360 = arith.constant 2 : i32
      %dma_wait3A_361 = arith.constant 0 : i32
      %dma_wait3A_362 = tpu.memref_slice %arg6[%dma_wait3A_360, %dma_wait3A_361] : memref<16x128xi32, #tpu.memory_space<vmem>> -> memref<1x128xi32, #tpu.memory_space<vmem>>
      %dma_wait3A_363 = tpu.memref_squeeze %dma_wait3A_362 : memref<1x128xi32, #tpu.memory_space<vmem>> -> memref<128xi32, #tpu.memory_space<vmem>>
      %dma_wait3A_364 = arith.constant 0 : i32
      %dma_wait3A_365 = arith.constant 0 : i32
      %dma_wait3A_366 = tpu.memref_slice %arg2[%dma_wait3A_364, %dma_wait3A_365] : memref<10112x128xf32, #tpu.memory_space<hbm>> -> memref<10112x128xf32, #tpu.memory_space<hbm>>
      tpu.wait_indirect_dma semaphore(%arg11 : memref<!tpu.dma_semaphore, #tpu.memory_space<semaphore_mem>>) src(%dma_wait3A_366 : memref<10112x128xf32, #tpu.memory_space<hbm>>) dst(%arg7 : memref<128x128xf32, #tpu.memory_space<vmem>>)
      %dma_start3A_367 = arith.constant 10 : i32
      %dma_start3A_368 = arith.constant 0 : i32
      %dma_start3A_369 = tpu.memref_slice %arg6[%dma_start3A_367, %dma_start3A_368] : memref<16x128xi32, #tpu.memory_space<vmem>> -> memref<1x128xi32, #tpu.memory_space<vmem>>
      %dma_start3A_370 = tpu.memref_squeeze %dma_start3A_369 : memref<1x128xi32, #tpu.memory_space<vmem>> -> memref<128xi32, #tpu.memory_space<vmem>>
      %dma_start3A_371 = arith.constant 0 : i32
      %dma_start3A_372 = arith.constant 0 : i32
      %dma_start3A_373 = tpu.memref_slice %arg15[%dma_start3A_371, %dma_start3A_372] : memref<10112x128xf32, #tpu.memory_space<vmem_shared>> -> memref<10112x128xf32, #tpu.memory_space<vmem_shared>>
      tpu.enqueue_indirect_dma source(%arg7 : memref<128x128xf32, #tpu.memory_space<vmem>>) target(%dma_start3A_373 : memref<10112x128xf32, #tpu.memory_space<vmem_shared>>) offsets(%dma_start3A_370 : memref<128xi32, #tpu.memory_space<vmem>>) semaphore(%arg13 : memref<!tpu.dma_semaphore, #tpu.memory_space<semaphore_mem>>) {add = true}
      %dma_wait3A_374 = arith.constant 3 : i32
      %dma_wait3A_375 = arith.constant 0 : i32
      %dma_wait3A_376 = tpu.memref_slice %arg6[%dma_wait3A_374, %dma_wait3A_375] : memref<16x128xi32, #tpu.memory_space<vmem>> -> memref<1x128xi32, #tpu.memory_space<vmem>>
      %dma_wait3A_377 = tpu.memref_squeeze %dma_wait3A_376 : memref<1x128xi32, #tpu.memory_space<vmem>> -> memref<128xi32, #tpu.memory_space<vmem>>
      %dma_wait3A_378 = arith.constant 0 : i32
      %dma_wait3A_379 = arith.constant 0 : i32
      %dma_wait3A_380 = tpu.memref_slice %arg2[%dma_wait3A_378, %dma_wait3A_379] : memref<10112x128xf32, #tpu.memory_space<hbm>> -> memref<10112x128xf32, #tpu.memory_space<hbm>>
      tpu.wait_indirect_dma semaphore(%arg12 : memref<!tpu.dma_semaphore, #tpu.memory_space<semaphore_mem>>) src(%dma_wait3A_380 : memref<10112x128xf32, #tpu.memory_space<hbm>>) dst(%arg8 : memref<128x128xf32, #tpu.memory_space<vmem>>)
      %dma_start3A_381 = arith.constant 11 : i32
      %dma_start3A_382 = arith.constant 0 : i32
      %dma_start3A_383 = tpu.memref_slice %arg6[%dma_start3A_381, %dma_start3A_382] : memref<16x128xi32, #tpu.memory_space<vmem>> -> memref<1x128xi32, #tpu.memory_space<vmem>>
      %dma_start3A_384 = tpu.memref_squeeze %dma_start3A_383 : memref<1x128xi32, #tpu.memory_space<vmem>> -> memref<128xi32, #tpu.memory_space<vmem>>
      %dma_start3A_385 = arith.constant 0 : i32
      %dma_start3A_386 = arith.constant 0 : i32
      %dma_start3A_387 = tpu.memref_slice %arg15[%dma_start3A_385, %dma_start3A_386] : memref<10112x128xf32, #tpu.memory_space<vmem_shared>> -> memref<10112x128xf32, #tpu.memory_space<vmem_shared>>
      tpu.enqueue_indirect_dma source(%arg8 : memref<128x128xf32, #tpu.memory_space<vmem>>) target(%dma_start3A_387 : memref<10112x128xf32, #tpu.memory_space<vmem_shared>>) offsets(%dma_start3A_384 : memref<128xi32, #tpu.memory_space<vmem>>) semaphore(%arg14 : memref<!tpu.dma_semaphore, #tpu.memory_space<semaphore_mem>>) {add = true}
      %dma_wait3A_388 = arith.constant 10 : i32
      %dma_wait3A_389 = arith.constant 0 : i32
      %dma_wait3A_390 = tpu.memref_slice %arg6[%dma_wait3A_388, %dma_wait3A_389] : memref<16x128xi32, #tpu.memory_space<vmem>> -> memref<1x128xi32, #tpu.memory_space<vmem>>
      %dma_wait3A_391 = tpu.memref_squeeze %dma_wait3A_390 : memref<1x128xi32, #tpu.memory_space<vmem>> -> memref<128xi32, #tpu.memory_space<vmem>>
      %dma_wait3A_392 = arith.constant 0 : i32
      %dma_wait3A_393 = arith.constant 0 : i32
      %dma_wait3A_394 = tpu.memref_slice %arg15[%dma_wait3A_392, %dma_wait3A_393] : memref<10112x128xf32, #tpu.memory_space<vmem_shared>> -> memref<10112x128xf32, #tpu.memory_space<vmem_shared>>
      tpu.wait_indirect_dma semaphore(%arg13 : memref<!tpu.dma_semaphore, #tpu.memory_space<semaphore_mem>>) src(%arg7 : memref<128x128xf32, #tpu.memory_space<vmem>>) dst(%dma_wait3A_394 : memref<10112x128xf32, #tpu.memory_space<vmem_shared>>)
      %dma_start3A_395 = arith.constant 4 : i32
      %dma_start3A_396 = arith.constant 0 : i32
      %dma_start3A_397 = tpu.memref_slice %arg6[%dma_start3A_395, %dma_start3A_396] : memref<16x128xi32, #tpu.memory_space<vmem>> -> memref<1x128xi32, #tpu.memory_space<vmem>>
      %dma_start3A_398 = tpu.memref_squeeze %dma_start3A_397 : memref<1x128xi32, #tpu.memory_space<vmem>> -> memref<128xi32, #tpu.memory_space<vmem>>
      %dma_start3A_399 = arith.constant 0 : i32
      %dma_start3A_400 = arith.constant 0 : i32
      %dma_start3A_401 = tpu.memref_slice %arg2[%dma_start3A_399, %dma_start3A_400] : memref<10112x128xf32, #tpu.memory_space<hbm>> -> memref<10112x128xf32, #tpu.memory_space<hbm>>
      tpu.enqueue_indirect_dma source(%dma_start3A_401 : memref<10112x128xf32, #tpu.memory_space<hbm>>) target(%arg7 : memref<128x128xf32, #tpu.memory_space<vmem>>) offsets(%dma_start3A_398 : memref<128xi32, #tpu.memory_space<vmem>>) semaphore(%arg11 : memref<!tpu.dma_semaphore, #tpu.memory_space<semaphore_mem>>)
      %dma_wait3A_402 = arith.constant 11 : i32
      %dma_wait3A_403 = arith.constant 0 : i32
      %dma_wait3A_404 = tpu.memref_slice %arg6[%dma_wait3A_402, %dma_wait3A_403] : memref<16x128xi32, #tpu.memory_space<vmem>> -> memref<1x128xi32, #tpu.memory_space<vmem>>
      %dma_wait3A_405 = tpu.memref_squeeze %dma_wait3A_404 : memref<1x128xi32, #tpu.memory_space<vmem>> -> memref<128xi32, #tpu.memory_space<vmem>>
      %dma_wait3A_406 = arith.constant 0 : i32
      %dma_wait3A_407 = arith.constant 0 : i32
      %dma_wait3A_408 = tpu.memref_slice %arg15[%dma_wait3A_406, %dma_wait3A_407] : memref<10112x128xf32, #tpu.memory_space<vmem_shared>> -> memref<10112x128xf32, #tpu.memory_space<vmem_shared>>
      tpu.wait_indirect_dma semaphore(%arg14 : memref<!tpu.dma_semaphore, #tpu.memory_space<semaphore_mem>>) src(%arg8 : memref<128x128xf32, #tpu.memory_space<vmem>>) dst(%dma_wait3A_408 : memref<10112x128xf32, #tpu.memory_space<vmem_shared>>)
      %dma_start3A_409 = arith.constant 5 : i32
      %dma_start3A_410 = arith.constant 0 : i32
      %dma_start3A_411 = tpu.memref_slice %arg6[%dma_start3A_409, %dma_start3A_410] : memref<16x128xi32, #tpu.memory_space<vmem>> -> memref<1x128xi32, #tpu.memory_space<vmem>>
      %dma_start3A_412 = tpu.memref_squeeze %dma_start3A_411 : memref<1x128xi32, #tpu.memory_space<vmem>> -> memref<128xi32, #tpu.memory_space<vmem>>
      %dma_start3A_413 = arith.constant 0 : i32
      %dma_start3A_414 = arith.constant 0 : i32
      %dma_start3A_415 = tpu.memref_slice %arg2[%dma_start3A_413, %dma_start3A_414] : memref<10112x128xf32, #tpu.memory_space<hbm>> -> memref<10112x128xf32, #tpu.memory_space<hbm>>
      tpu.enqueue_indirect_dma source(%dma_start3A_415 : memref<10112x128xf32, #tpu.memory_space<hbm>>) target(%arg8 : memref<128x128xf32, #tpu.memory_space<vmem>>) offsets(%dma_start3A_412 : memref<128xi32, #tpu.memory_space<vmem>>) semaphore(%arg12 : memref<!tpu.dma_semaphore, #tpu.memory_space<semaphore_mem>>)
      %dma_wait3A_416 = arith.constant 4 : i32
      %dma_wait3A_417 = arith.constant 0 : i32
      %dma_wait3A_418 = tpu.memref_slice %arg6[%dma_wait3A_416, %dma_wait3A_417] : memref<16x128xi32, #tpu.memory_space<vmem>> -> memref<1x128xi32, #tpu.memory_space<vmem>>
      %dma_wait3A_419 = tpu.memref_squeeze %dma_wait3A_418 : memref<1x128xi32, #tpu.memory_space<vmem>> -> memref<128xi32, #tpu.memory_space<vmem>>
      %dma_wait3A_420 = arith.constant 0 : i32
      %dma_wait3A_421 = arith.constant 0 : i32
      %dma_wait3A_422 = tpu.memref_slice %arg2[%dma_wait3A_420, %dma_wait3A_421] : memref<10112x128xf32, #tpu.memory_space<hbm>> -> memref<10112x128xf32, #tpu.memory_space<hbm>>
      tpu.wait_indirect_dma semaphore(%arg11 : memref<!tpu.dma_semaphore, #tpu.memory_space<semaphore_mem>>) src(%dma_wait3A_422 : memref<10112x128xf32, #tpu.memory_space<hbm>>) dst(%arg7 : memref<128x128xf32, #tpu.memory_space<vmem>>)
      %dma_start3A_423 = arith.constant 12 : i32
      %dma_start3A_424 = arith.constant 0 : i32
      %dma_start3A_425 = tpu.memref_slice %arg6[%dma_start3A_423, %dma_start3A_424] : memref<16x128xi32, #tpu.memory_space<vmem>> -> memref<1x128xi32, #tpu.memory_space<vmem>>
      %dma_start3A_426 = tpu.memref_squeeze %dma_start3A_425 : memref<1x128xi32, #tpu.memory_space<vmem>> -> memref<128xi32, #tpu.memory_space<vmem>>
      %dma_start3A_427 = arith.constant 0 : i32
      %dma_start3A_428 = arith.constant 0 : i32
      %dma_start3A_429 = tpu.memref_slice %arg15[%dma_start3A_427, %dma_start3A_428] : memref<10112x128xf32, #tpu.memory_space<vmem_shared>> -> memref<10112x128xf32, #tpu.memory_space<vmem_shared>>
      tpu.enqueue_indirect_dma source(%arg7 : memref<128x128xf32, #tpu.memory_space<vmem>>) target(%dma_start3A_429 : memref<10112x128xf32, #tpu.memory_space<vmem_shared>>) offsets(%dma_start3A_426 : memref<128xi32, #tpu.memory_space<vmem>>) semaphore(%arg13 : memref<!tpu.dma_semaphore, #tpu.memory_space<semaphore_mem>>) {add = true}
      %dma_wait3A_430 = arith.constant 5 : i32
      %dma_wait3A_431 = arith.constant 0 : i32
      %dma_wait3A_432 = tpu.memref_slice %arg6[%dma_wait3A_430, %dma_wait3A_431] : memref<16x128xi32, #tpu.memory_space<vmem>> -> memref<1x128xi32, #tpu.memory_space<vmem>>
      %dma_wait3A_433 = tpu.memref_squeeze %dma_wait3A_432 : memref<1x128xi32, #tpu.memory_space<vmem>> -> memref<128xi32, #tpu.memory_space<vmem>>
      %dma_wait3A_434 = arith.constant 0 : i32
      %dma_wait3A_435 = arith.constant 0 : i32
      %dma_wait3A_436 = tpu.memref_slice %arg2[%dma_wait3A_434, %dma_wait3A_435] : memref<10112x128xf32, #tpu.memory_space<hbm>> -> memref<10112x128xf32, #tpu.memory_space<hbm>>
      tpu.wait_indirect_dma semaphore(%arg12 : memref<!tpu.dma_semaphore, #tpu.memory_space<semaphore_mem>>) src(%dma_wait3A_436 : memref<10112x128xf32, #tpu.memory_space<hbm>>) dst(%arg8 : memref<128x128xf32, #tpu.memory_space<vmem>>)
      %dma_start3A_437 = arith.constant 13 : i32
      %dma_start3A_438 = arith.constant 0 : i32
      %dma_start3A_439 = tpu.memref_slice %arg6[%dma_start3A_437, %dma_start3A_438] : memref<16x128xi32, #tpu.memory_space<vmem>> -> memref<1x128xi32, #tpu.memory_space<vmem>>
      %dma_start3A_440 = tpu.memref_squeeze %dma_start3A_439 : memref<1x128xi32, #tpu.memory_space<vmem>> -> memref<128xi32, #tpu.memory_space<vmem>>
      %dma_start3A_441 = arith.constant 0 : i32
      %dma_start3A_442 = arith.constant 0 : i32
      %dma_start3A_443 = tpu.memref_slice %arg15[%dma_start3A_441, %dma_start3A_442] : memref<10112x128xf32, #tpu.memory_space<vmem_shared>> -> memref<10112x128xf32, #tpu.memory_space<vmem_shared>>
      tpu.enqueue_indirect_dma source(%arg8 : memref<128x128xf32, #tpu.memory_space<vmem>>) target(%dma_start3A_443 : memref<10112x128xf32, #tpu.memory_space<vmem_shared>>) offsets(%dma_start3A_440 : memref<128xi32, #tpu.memory_space<vmem>>) semaphore(%arg14 : memref<!tpu.dma_semaphore, #tpu.memory_space<semaphore_mem>>) {add = true}
      %dma_wait3A_444 = arith.constant 12 : i32
      %dma_wait3A_445 = arith.constant 0 : i32
      %dma_wait3A_446 = tpu.memref_slice %arg6[%dma_wait3A_444, %dma_wait3A_445] : memref<16x128xi32, #tpu.memory_space<vmem>> -> memref<1x128xi32, #tpu.memory_space<vmem>>
      %dma_wait3A_447 = tpu.memref_squeeze %dma_wait3A_446 : memref<1x128xi32, #tpu.memory_space<vmem>> -> memref<128xi32, #tpu.memory_space<vmem>>
      %dma_wait3A_448 = arith.constant 0 : i32
      %dma_wait3A_449 = arith.constant 0 : i32
      %dma_wait3A_450 = tpu.memref_slice %arg15[%dma_wait3A_448, %dma_wait3A_449] : memref<10112x128xf32, #tpu.memory_space<vmem_shared>> -> memref<10112x128xf32, #tpu.memory_space<vmem_shared>>
      tpu.wait_indirect_dma semaphore(%arg13 : memref<!tpu.dma_semaphore, #tpu.memory_space<semaphore_mem>>) src(%arg7 : memref<128x128xf32, #tpu.memory_space<vmem>>) dst(%dma_wait3A_450 : memref<10112x128xf32, #tpu.memory_space<vmem_shared>>)
      %dma_start3A_451 = arith.constant 6 : i32
      %dma_start3A_452 = arith.constant 0 : i32
      %dma_start3A_453 = tpu.memref_slice %arg6[%dma_start3A_451, %dma_start3A_452] : memref<16x128xi32, #tpu.memory_space<vmem>> -> memref<1x128xi32, #tpu.memory_space<vmem>>
      %dma_start3A_454 = tpu.memref_squeeze %dma_start3A_453 : memref<1x128xi32, #tpu.memory_space<vmem>> -> memref<128xi32, #tpu.memory_space<vmem>>
      %dma_start3A_455 = arith.constant 0 : i32
      %dma_start3A_456 = arith.constant 0 : i32
      %dma_start3A_457 = tpu.memref_slice %arg2[%dma_start3A_455, %dma_start3A_456] : memref<10112x128xf32, #tpu.memory_space<hbm>> -> memref<10112x128xf32, #tpu.memory_space<hbm>>
      tpu.enqueue_indirect_dma source(%dma_start3A_457 : memref<10112x128xf32, #tpu.memory_space<hbm>>) target(%arg7 : memref<128x128xf32, #tpu.memory_space<vmem>>) offsets(%dma_start3A_454 : memref<128xi32, #tpu.memory_space<vmem>>) semaphore(%arg11 : memref<!tpu.dma_semaphore, #tpu.memory_space<semaphore_mem>>)
      %dma_wait3A_458 = arith.constant 13 : i32
      %dma_wait3A_459 = arith.constant 0 : i32
      %dma_wait3A_460 = tpu.memref_slice %arg6[%dma_wait3A_458, %dma_wait3A_459] : memref<16x128xi32, #tpu.memory_space<vmem>> -> memref<1x128xi32, #tpu.memory_space<vmem>>
      %dma_wait3A_461 = tpu.memref_squeeze %dma_wait3A_460 : memref<1x128xi32, #tpu.memory_space<vmem>> -> memref<128xi32, #tpu.memory_space<vmem>>
      %dma_wait3A_462 = arith.constant 0 : i32
      %dma_wait3A_463 = arith.constant 0 : i32
      %dma_wait3A_464 = tpu.memref_slice %arg15[%dma_wait3A_462, %dma_wait3A_463] : memref<10112x128xf32, #tpu.memory_space<vmem_shared>> -> memref<10112x128xf32, #tpu.memory_space<vmem_shared>>
      tpu.wait_indirect_dma semaphore(%arg14 : memref<!tpu.dma_semaphore, #tpu.memory_space<semaphore_mem>>) src(%arg8 : memref<128x128xf32, #tpu.memory_space<vmem>>) dst(%dma_wait3A_464 : memref<10112x128xf32, #tpu.memory_space<vmem_shared>>)
      %dma_start3A_465 = arith.constant 7 : i32
      %dma_start3A_466 = arith.constant 0 : i32
      %dma_start3A_467 = tpu.memref_slice %arg6[%dma_start3A_465, %dma_start3A_466] : memref<16x128xi32, #tpu.memory_space<vmem>> -> memref<1x128xi32, #tpu.memory_space<vmem>>
      %dma_start3A_468 = tpu.memref_squeeze %dma_start3A_467 : memref<1x128xi32, #tpu.memory_space<vmem>> -> memref<128xi32, #tpu.memory_space<vmem>>
      %dma_start3A_469 = arith.constant 0 : i32
      %dma_start3A_470 = arith.constant 0 : i32
      %dma_start3A_471 = tpu.memref_slice %arg2[%dma_start3A_469, %dma_start3A_470] : memref<10112x128xf32, #tpu.memory_space<hbm>> -> memref<10112x128xf32, #tpu.memory_space<hbm>>
      tpu.enqueue_indirect_dma source(%dma_start3A_471 : memref<10112x128xf32, #tpu.memory_space<hbm>>) target(%arg8 : memref<128x128xf32, #tpu.memory_space<vmem>>) offsets(%dma_start3A_468 : memref<128xi32, #tpu.memory_space<vmem>>) semaphore(%arg12 : memref<!tpu.dma_semaphore, #tpu.memory_space<semaphore_mem>>)
      %dma_wait3A_472 = arith.constant 6 : i32
      %dma_wait3A_473 = arith.constant 0 : i32
      %dma_wait3A_474 = tpu.memref_slice %arg6[%dma_wait3A_472, %dma_wait3A_473] : memref<16x128xi32, #tpu.memory_space<vmem>> -> memref<1x128xi32, #tpu.memory_space<vmem>>
      %dma_wait3A_475 = tpu.memref_squeeze %dma_wait3A_474 : memref<1x128xi32, #tpu.memory_space<vmem>> -> memref<128xi32, #tpu.memory_space<vmem>>
      %dma_wait3A_476 = arith.constant 0 : i32
      %dma_wait3A_477 = arith.constant 0 : i32
      %dma_wait3A_478 = tpu.memref_slice %arg2[%dma_wait3A_476, %dma_wait3A_477] : memref<10112x128xf32, #tpu.memory_space<hbm>> -> memref<10112x128xf32, #tpu.memory_space<hbm>>
      tpu.wait_indirect_dma semaphore(%arg11 : memref<!tpu.dma_semaphore, #tpu.memory_space<semaphore_mem>>) src(%dma_wait3A_478 : memref<10112x128xf32, #tpu.memory_space<hbm>>) dst(%arg7 : memref<128x128xf32, #tpu.memory_space<vmem>>)
      %dma_start3A_479 = arith.constant 14 : i32
      %dma_start3A_480 = arith.constant 0 : i32
      %dma_start3A_481 = tpu.memref_slice %arg6[%dma_start3A_479, %dma_start3A_480] : memref<16x128xi32, #tpu.memory_space<vmem>> -> memref<1x128xi32, #tpu.memory_space<vmem>>
      %dma_start3A_482 = tpu.memref_squeeze %dma_start3A_481 : memref<1x128xi32, #tpu.memory_space<vmem>> -> memref<128xi32, #tpu.memory_space<vmem>>
      %dma_start3A_483 = arith.constant 0 : i32
      %dma_start3A_484 = arith.constant 0 : i32
      %dma_start3A_485 = tpu.memref_slice %arg15[%dma_start3A_483, %dma_start3A_484] : memref<10112x128xf32, #tpu.memory_space<vmem_shared>> -> memref<10112x128xf32, #tpu.memory_space<vmem_shared>>
      tpu.enqueue_indirect_dma source(%arg7 : memref<128x128xf32, #tpu.memory_space<vmem>>) target(%dma_start3A_485 : memref<10112x128xf32, #tpu.memory_space<vmem_shared>>) offsets(%dma_start3A_482 : memref<128xi32, #tpu.memory_space<vmem>>) semaphore(%arg13 : memref<!tpu.dma_semaphore, #tpu.memory_space<semaphore_mem>>) {add = true}
      %dma_wait3A_486 = arith.constant 7 : i32
      %dma_wait3A_487 = arith.constant 0 : i32
      %dma_wait3A_488 = tpu.memref_slice %arg6[%dma_wait3A_486, %dma_wait3A_487] : memref<16x128xi32, #tpu.memory_space<vmem>> -> memref<1x128xi32, #tpu.memory_space<vmem>>
      %dma_wait3A_489 = tpu.memref_squeeze %dma_wait3A_488 : memref<1x128xi32, #tpu.memory_space<vmem>> -> memref<128xi32, #tpu.memory_space<vmem>>
      %dma_wait3A_490 = arith.constant 0 : i32
      %dma_wait3A_491 = arith.constant 0 : i32
      %dma_wait3A_492 = tpu.memref_slice %arg2[%dma_wait3A_490, %dma_wait3A_491] : memref<10112x128xf32, #tpu.memory_space<hbm>> -> memref<10112x128xf32, #tpu.memory_space<hbm>>
      tpu.wait_indirect_dma semaphore(%arg12 : memref<!tpu.dma_semaphore, #tpu.memory_space<semaphore_mem>>) src(%dma_wait3A_492 : memref<10112x128xf32, #tpu.memory_space<hbm>>) dst(%arg8 : memref<128x128xf32, #tpu.memory_space<vmem>>)
      %dma_start3A_493 = arith.constant 15 : i32
      %dma_start3A_494 = arith.constant 0 : i32
      %dma_start3A_495 = tpu.memref_slice %arg6[%dma_start3A_493, %dma_start3A_494] : memref<16x128xi32, #tpu.memory_space<vmem>> -> memref<1x128xi32, #tpu.memory_space<vmem>>
      %dma_start3A_496 = tpu.memref_squeeze %dma_start3A_495 : memref<1x128xi32, #tpu.memory_space<vmem>> -> memref<128xi32, #tpu.memory_space<vmem>>
      %dma_start3A_497 = arith.constant 0 : i32
      %dma_start3A_498 = arith.constant 0 : i32
      %dma_start3A_499 = tpu.memref_slice %arg15[%dma_start3A_497, %dma_start3A_498] : memref<10112x128xf32, #tpu.memory_space<vmem_shared>> -> memref<10112x128xf32, #tpu.memory_space<vmem_shared>>
      tpu.enqueue_indirect_dma source(%arg8 : memref<128x128xf32, #tpu.memory_space<vmem>>) target(%dma_start3A_499 : memref<10112x128xf32, #tpu.memory_space<vmem_shared>>) offsets(%dma_start3A_496 : memref<128xi32, #tpu.memory_space<vmem>>) semaphore(%arg14 : memref<!tpu.dma_semaphore, #tpu.memory_space<semaphore_mem>>) {add = true}
      %dma_wait3A_500 = arith.constant 14 : i32
      %dma_wait3A_501 = arith.constant 0 : i32
      %dma_wait3A_502 = tpu.memref_slice %arg6[%dma_wait3A_500, %dma_wait3A_501] : memref<16x128xi32, #tpu.memory_space<vmem>> -> memref<1x128xi32, #tpu.memory_space<vmem>>
      %dma_wait3A_503 = tpu.memref_squeeze %dma_wait3A_502 : memref<1x128xi32, #tpu.memory_space<vmem>> -> memref<128xi32, #tpu.memory_space<vmem>>
      %dma_wait3A_504 = arith.constant 0 : i32
      %dma_wait3A_505 = arith.constant 0 : i32
      %dma_wait3A_506 = tpu.memref_slice %arg15[%dma_wait3A_504, %dma_wait3A_505] : memref<10112x128xf32, #tpu.memory_space<vmem_shared>> -> memref<10112x128xf32, #tpu.memory_space<vmem_shared>>
      tpu.wait_indirect_dma semaphore(%arg13 : memref<!tpu.dma_semaphore, #tpu.memory_space<semaphore_mem>>) src(%arg7 : memref<128x128xf32, #tpu.memory_space<vmem>>) dst(%dma_wait3A_506 : memref<10112x128xf32, #tpu.memory_space<vmem_shared>>)
      %add3A_507 = arith.constant 2 : i32
      %add3A_508 = arith.addi %add3A_65, %add3A_507 : i32
      %lt3A_509 = arith.constant 10 : i32
      %lt3A_510 = arith.cmpi slt, %add3A_508, %lt3A_509 : i32
      %convert_element_type3A_511 = arith.extui %lt3A_510 : i1 to i32
      %cond3A_512 = arith.constant 0 : i32
      %cond3A_513 = arith.cmpi ne, %convert_element_type3A_511, %cond3A_512 : i32
      scf.if %cond3A_513 {
        %add3A_535 = arith.constant 0 : i32
        %add3A_536 = arith.addi %mul3A_2, %add3A_535 : i32
        %mul3A_537 = arith.constant 2 : i32
        %mul3A_538 = arith.muli %add3A_536, %mul3A_537 : i32
        %mul3A_539 = arith.constant 8 : i32
        %mul3A_540 = arith.muli %mul3A_538, %mul3A_539 : i32
        %dma_wait3A_541 = arith.constant 0 : i32
        %dma_wait3A_542 = tpu.memref_slice %arg3[%mul3A_540, %dma_wait3A_541] : memref<5120x128xi32, #tpu.memory_space<hbm>> -> memref<16x128xi32, #tpu.memory_space<hbm>>
        %dma_wait3A_543 = arith.constant 0 : i32
        %dma_wait3A_544 = tpu.memref_slice %arg3[%mul3A_540, %dma_wait3A_543] : memref<5120x128xi32, #tpu.memory_space<hbm>> -> memref<16x128xi32, #tpu.memory_space<hbm>>
        tpu.wait_dma2 semaphore(%arg9 : memref<!tpu.dma_semaphore, #tpu.memory_space<semaphore_mem>>) src(%dma_wait3A_544 : memref<16x128xi32, #tpu.memory_space<hbm>>) dst(%arg5 : memref<16x128xi32, #tpu.memory_space<vmem>>)
        %dma_start3A_545 = arith.constant 0 : i32
        %dma_start3A_546 = arith.constant 0 : i32
        %dma_start3A_547 = tpu.memref_slice %arg5[%dma_start3A_545, %dma_start3A_546] : memref<16x128xi32, #tpu.memory_space<vmem>> -> memref<1x128xi32, #tpu.memory_space<vmem>>
        %dma_start3A_548 = tpu.memref_squeeze %dma_start3A_547 : memref<1x128xi32, #tpu.memory_space<vmem>> -> memref<128xi32, #tpu.memory_space<vmem>>
        %dma_start3A_549 = arith.constant 0 : i32
        %dma_start3A_550 = arith.constant 0 : i32
        %dma_start3A_551 = tpu.memref_slice %arg2[%dma_start3A_549, %dma_start3A_550] : memref<10112x128xf32, #tpu.memory_space<hbm>> -> memref<10112x128xf32, #tpu.memory_space<hbm>>
        tpu.enqueue_indirect_dma source(%dma_start3A_551 : memref<10112x128xf32, #tpu.memory_space<hbm>>) target(%arg7 : memref<128x128xf32, #tpu.memory_space<vmem>>) offsets(%dma_start3A_548 : memref<128xi32, #tpu.memory_space<vmem>>) semaphore(%arg11 : memref<!tpu.dma_semaphore, #tpu.memory_space<semaphore_mem>>)
      } else {
      }
      %dma_wait3A_514 = arith.constant 15 : i32
      %dma_wait3A_515 = arith.constant 0 : i32
      %dma_wait3A_516 = tpu.memref_slice %arg6[%dma_wait3A_514, %dma_wait3A_515] : memref<16x128xi32, #tpu.memory_space<vmem>> -> memref<1x128xi32, #tpu.memory_space<vmem>>
      %dma_wait3A_517 = tpu.memref_squeeze %dma_wait3A_516 : memref<1x128xi32, #tpu.memory_space<vmem>> -> memref<128xi32, #tpu.memory_space<vmem>>
      %dma_wait3A_518 = arith.constant 0 : i32
      %dma_wait3A_519 = arith.constant 0 : i32
      %dma_wait3A_520 = tpu.memref_slice %arg15[%dma_wait3A_518, %dma_wait3A_519] : memref<10112x128xf32, #tpu.memory_space<vmem_shared>> -> memref<10112x128xf32, #tpu.memory_space<vmem_shared>>
      tpu.wait_indirect_dma semaphore(%arg14 : memref<!tpu.dma_semaphore, #tpu.memory_space<semaphore_mem>>) src(%arg8 : memref<128x128xf32, #tpu.memory_space<vmem>>) dst(%dma_wait3A_520 : memref<10112x128xf32, #tpu.memory_space<vmem_shared>>)
      %add3A_521 = arith.constant 2 : i32
      %add3A_522 = arith.addi %add3A_65, %add3A_521 : i32
      %lt3A_523 = arith.constant 10 : i32
      %lt3A_524 = arith.cmpi slt, %add3A_522, %lt3A_523 : i32
      %convert_element_type3A_525 = arith.extui %lt3A_524 : i1 to i32
      %cond3A_526 = arith.constant 0 : i32
      %cond3A_527 = arith.cmpi ne, %convert_element_type3A_525, %cond3A_526 : i32
      scf.if %cond3A_527 {
        %dma_start3A_535 = arith.constant 1 : i32
        %dma_start3A_536 = arith.constant 0 : i32
        %dma_start3A_537 = tpu.memref_slice %arg5[%dma_start3A_535, %dma_start3A_536] : memref<16x128xi32, #tpu.memory_space<vmem>> -> memref<1x128xi32, #tpu.memory_space<vmem>>
        %dma_start3A_538 = tpu.memref_squeeze %dma_start3A_537 : memref<1x128xi32, #tpu.memory_space<vmem>> -> memref<128xi32, #tpu.memory_space<vmem>>
        %dma_start3A_539 = arith.constant 0 : i32
        %dma_start3A_540 = arith.constant 0 : i32
        %dma_start3A_541 = tpu.memref_slice %arg2[%dma_start3A_539, %dma_start3A_540] : memref<10112x128xf32, #tpu.memory_space<hbm>> -> memref<10112x128xf32, #tpu.memory_space<hbm>>
        tpu.enqueue_indirect_dma source(%dma_start3A_541 : memref<10112x128xf32, #tpu.memory_space<hbm>>) target(%arg8 : memref<128x128xf32, #tpu.memory_space<vmem>>) offsets(%dma_start3A_538 : memref<128xi32, #tpu.memory_space<vmem>>) semaphore(%arg12 : memref<!tpu.dma_semaphore, #tpu.memory_space<semaphore_mem>>)
      } else {
      }
      %add3A_528 = arith.constant 3 : i32
      %add3A_529 = arith.addi %add3A_65, %add3A_528 : i32
      %lt3A_530 = arith.constant 10 : i32
      %lt3A_531 = arith.cmpi slt, %add3A_529, %lt3A_530 : i32
      %convert_element_type3A_532 = arith.extui %lt3A_531 : i1 to i32
      %cond3A_533 = arith.constant 0 : i32
      %cond3A_534 = arith.cmpi ne, %convert_element_type3A_532, %cond3A_533 : i32
      scf.if %cond3A_534 {
        %add3A_535 = arith.constant 3 : i32
        %add3A_536 = arith.addi %add3A_65, %add3A_535 : i32
        %add3A_537 = arith.addi %mul3A_2, %add3A_536 : i32
        %mul3A_538 = arith.constant 2 : i32
        %mul3A_539 = arith.muli %add3A_537, %mul3A_538 : i32
        %mul3A_540 = arith.constant 8 : i32
        %mul3A_541 = arith.muli %mul3A_539, %mul3A_540 : i32
        %dma_start3A_542 = arith.constant 0 : i32
        %dma_start3A_543 = tpu.memref_slice %arg3[%mul3A_541, %dma_start3A_542] : memref<5120x128xi32, #tpu.memory_space<hbm>> -> memref<16x128xi32, #tpu.memory_space<hbm>>
        %dma_start3A_544 = arith.constant 0 : i32
        %dma_start3A_545 = tpu.memref_slice %arg3[%mul3A_541, %dma_start3A_544] : memref<5120x128xi32, #tpu.memory_space<hbm>> -> memref<16x128xi32, #tpu.memory_space<hbm>>
        tpu.enqueue_dma source(%dma_start3A_545 : memref<16x128xi32, #tpu.memory_space<hbm>>) target(%arg6 : memref<16x128xi32, #tpu.memory_space<vmem>>) target_semaphore(%arg10 : memref<!tpu.dma_semaphore, #tpu.memory_space<semaphore_mem>>)
      } else {
      }
    }
    %scan3A_52 = arith.constant 5 : i32
    %barrier3A_53 = arith.constant 0 : index
    tpu.barrier barrier_id(%barrier3A_53)
    %mul3A_54 = arith.constant 632 : i32
    %mul3A_55 = arith.muli %arg1, %mul3A_54 : i32
    %mul3A_56 = arith.constant 10112 : i32
    %mul3A_57 = arith.muli %arg0, %mul3A_56 : i32
    %mul3A_58 = arith.constant 632 : i32
    %mul3A_59 = arith.muli %arg1, %mul3A_58 : i32
    %add3A_60 = arith.addi %mul3A_57, %mul3A_59 : i32
    "tpu.region"() ({
      %run_scoped3A = tpu.sem_alloc : memref<!tpu.dma_semaphore, #tpu.memory_space<semaphore_mem>>
      %dma_start3A_61 = arith.constant 0 : i32
      %dma_start3A_62 = tpu.memref_slice %arg4[%add3A_60, %dma_start3A_61] : memref<20224x128xf32, #tpu.memory_space<hbm>> -> memref<632x128xf32, #tpu.memory_space<hbm>>
      %dma_start3A_63 = arith.constant 0 : i32
      %dma_start3A_64 = tpu.memref_slice %arg15[%mul3A_55, %dma_start3A_63] : memref<10112x128xf32, #tpu.memory_space<vmem_shared>> -> memref<632x128xf32, #tpu.memory_space<vmem_shared>>
      tpu.enqueue_dma source(%dma_start3A_64 : memref<632x128xf32, #tpu.memory_space<vmem_shared>>) target(%dma_start3A_62 : memref<632x128xf32, #tpu.memory_space<hbm>>) target_semaphore(%run_scoped3A : memref<!tpu.dma_semaphore, #tpu.memory_space<semaphore_mem>>)
      %dma_wait3A_65 = arith.constant 0 : i32
      %dma_wait3A_66 = tpu.memref_slice %arg4[%add3A_60, %dma_wait3A_65] : memref<20224x128xf32, #tpu.memory_space<hbm>> -> memref<632x128xf32, #tpu.memory_space<hbm>>
      %dma_wait3A_67 = arith.constant 0 : i32
      %dma_wait3A_68 = tpu.memref_slice %arg15[%mul3A_55, %dma_wait3A_67] : memref<10112x128xf32, #tpu.memory_space<vmem_shared>> -> memref<632x128xf32, #tpu.memory_space<vmem_shared>>
      tpu.wait_dma2 semaphore(%run_scoped3A : memref<!tpu.dma_semaphore, #tpu.memory_space<semaphore_mem>>) src(%dma_wait3A_68 : memref<632x128xf32, #tpu.memory_space<vmem_shared>>) dst(%dma_wait3A_66 : memref<632x128xf32, #tpu.memory_space<hbm>>)
      tpu.yield
    }) : () -> ()
    return
  }
}

#map = affine_map<(d0, d1) -> (0, 0)>
module attributes {stable_mosaic.version = 14 : i64} {
  func.func @agg(%arg0: i32, %arg1: i32, %arg2: memref<10112x128xf32, #tpu.memory_space<hbm>>, %arg3: memref<5120x128xi32, #tpu.memory_space<hbm>>, %arg4: memref<20224x128xf32, #tpu.memory_space<hbm>>, %arg5: memref<16x128xi32, #tpu.memory_space<vmem>>, %arg6: memref<16x128xi32, #tpu.memory_space<vmem>>, %arg7: memref<128x128xf32, #tpu.memory_space<vmem>>, %arg8: memref<128x128xf32, #tpu.memory_space<vmem>>, %arg9: memref<!tpu.dma_semaphore, #tpu.memory_space<semaphore_mem>>, %arg10: memref<!tpu.dma_semaphore, #tpu.memory_space<semaphore_mem>>, %arg11: memref<!tpu.dma_semaphore, #tpu.memory_space<semaphore_mem>>, %arg12: memref<!tpu.dma_semaphore, #tpu.memory_space<semaphore_mem>>, %arg13: memref<!tpu.dma_semaphore, #tpu.memory_space<semaphore_mem>>, %arg14: memref<!tpu.dma_semaphore, #tpu.memory_space<semaphore_mem>>, %arg15: memref<10112x128xf32, #tpu.memory_space<vmem_shared>>) attributes {dimension_semantics = [#tpu.dimension_semantics<core_parallel>, #tpu.dimension_semantics<subcore_parallel>], iteration_bounds = array<i64: 2, 16>, scalar_prefetch = 0 : i64, scratch_operands = 11 : i64, tpu.core_type = #tpu.core_type<sc_vector_subcore>, window_params = [{transform_indices = #map}, {transform_indices = #map}, {transform_indices = #map}]} {
    %mul3A = arith.constant 16 : i32
    %mul3A_0 = arith.muli %arg0, %mul3A : i32
    %add3A = arith.addi %mul3A_0, %arg1 : i32
    %mul3A_1 = arith.constant 10 : i32
    %mul3A_2 = arith.muli %add3A, %mul3A_1 : i32
    %add3A_3 = arith.constant 0 : i32
    %add3A_4 = arith.addi %mul3A_2, %add3A_3 : i32
    %mul3A_5 = arith.constant 2 : i32
    %mul3A_6 = arith.muli %add3A_4, %mul3A_5 : i32
    %mul3A_7 = arith.constant 8 : i32
    %mul3A_8 = arith.muli %mul3A_6, %mul3A_7 : i32
    %dma_start3A = arith.constant 0 : i32
    %dma_start3A_9 = tpu.memref_slice %arg3[%mul3A_8, %dma_start3A] : memref<5120x128xi32, #tpu.memory_space<hbm>> -> memref<16x128xi32, #tpu.memory_space<hbm>>
    %dma_start3A_10 = arith.constant 0 : i32
    %dma_start3A_11 = tpu.memref_slice %arg3[%mul3A_8, %dma_start3A_10] : memref<5120x128xi32, #tpu.memory_space<hbm>> -> memref<16x128xi32, #tpu.memory_space<hbm>>
    tpu.enqueue_dma source(%dma_start3A_11 : memref<16x128xi32, #tpu.memory_space<hbm>>) target(%arg5 : memref<16x128xi32, #tpu.memory_space<vmem>>) target_semaphore(%arg9 : memref<!tpu.dma_semaphore, #tpu.memory_space<semaphore_mem>>)
    %add3A_12 = arith.constant 1 : i32
    %add3A_13 = arith.addi %mul3A_2, %add3A_12 : i32
    %mul3A_14 = arith.constant 2 : i32
    %mul3A_15 = arith.muli %add3A_13, %mul3A_14 : i32
    %mul3A_16 = arith.constant 8 : i32
    %mul3A_17 = arith.muli %mul3A_15, %mul3A_16 : i32
    %dma_start3A_18 = arith.constant 0 : i32
    %dma_start3A_19 = tpu.memref_slice %arg3[%mul3A_17, %dma_start3A_18] : memref<5120x128xi32, #tpu.memory_space<hbm>> -> memref<16x128xi32, #tpu.memory_space<hbm>>
    %dma_start3A_20 = arith.constant 0 : i32
    %dma_start3A_21 = tpu.memref_slice %arg3[%mul3A_17, %dma_start3A_20] : memref<5120x128xi32, #tpu.memory_space<hbm>> -> memref<16x128xi32, #tpu.memory_space<hbm>>
    tpu.enqueue_dma source(%dma_start3A_21 : memref<16x128xi32, #tpu.memory_space<hbm>>) target(%arg6 : memref<16x128xi32, #tpu.memory_space<vmem>>) target_semaphore(%arg10 : memref<!tpu.dma_semaphore, #tpu.memory_space<semaphore_mem>>)
    %add3A_22 = arith.constant 0 : i32
    %add3A_23 = arith.addi %mul3A_2, %add3A_22 : i32
    %mul3A_24 = arith.constant 2 : i32
    %mul3A_25 = arith.muli %add3A_23, %mul3A_24 : i32
    %mul3A_26 = arith.constant 8 : i32
    %mul3A_27 = arith.muli %mul3A_25, %mul3A_26 : i32
    %dma_wait3A = arith.constant 0 : i32
    %dma_wait3A_28 = tpu.memref_slice %arg3[%mul3A_27, %dma_wait3A] : memref<5120x128xi32, #tpu.memory_space<hbm>> -> memref<16x128xi32, #tpu.memory_space<hbm>>
    %dma_wait3A_29 = arith.constant 0 : i32
    %dma_wait3A_30 = tpu.memref_slice %arg3[%mul3A_27, %dma_wait3A_29] : memref<5120x128xi32, #tpu.memory_space<hbm>> -> memref<16x128xi32, #tpu.memory_space<hbm>>
    tpu.wait_dma2 semaphore(%arg9 : memref<!tpu.dma_semaphore, #tpu.memory_space<semaphore_mem>>) src(%dma_wait3A_30 : memref<16x128xi32, #tpu.memory_space<hbm>>) dst(%arg5 : memref<16x128xi32, #tpu.memory_space<vmem>>)
    %dma_start3A_31 = arith.constant 0 : i32
    %dma_start3A_32 = arith.constant 0 : i32
    %dma_start3A_33 = tpu.memref_slice %arg5[%dma_start3A_31, %dma_start3A_32] : memref<16x128xi32, #tpu.memory_space<vmem>> -> memref<1x128xi32, #tpu.memory_space<vmem>>
    %dma_start3A_34 = tpu.memref_squeeze %dma_start3A_33 : memref<1x128xi32, #tpu.memory_space<vmem>> -> memref<128xi32, #tpu.memory_space<vmem>>
    %dma_start3A_35 = arith.constant 0 : i32
    %dma_start3A_36 = arith.constant 0 : i32
    %dma_start3A_37 = tpu.memref_slice %arg2[%dma_start3A_35, %dma_start3A_36] : memref<10112x128xf32, #tpu.memory_space<hbm>> -> memref<10112x128xf32, #tpu.memory_space<hbm>>
    tpu.enqueue_indirect_dma source(%dma_start3A_37 : memref<10112x128xf32, #tpu.memory_space<hbm>>) target(%arg7 : memref<128x128xf32, #tpu.memory_space<vmem>>) offsets(%dma_start3A_34 : memref<128xi32, #tpu.memory_space<vmem>>) semaphore(%arg11 : memref<!tpu.dma_semaphore, #tpu.memory_space<semaphore_mem>>)
    %dma_start3A_38 = arith.constant 1 : i32
    %dma_start3A_39 = arith.constant 0 : i32
    %dma_start3A_40 = tpu.memref_slice %arg5[%dma_start3A_38, %dma_start3A_39] : memref<16x128xi32, #tpu.memory_space<vmem>> -> memref<1x128xi32, #tpu.memory_space<vmem>>
    %dma_start3A_41 = tpu.memref_squeeze %dma_start3A_40 : memref<1x128xi32, #tpu.memory_space<vmem>> -> memref<128xi32, #tpu.memory_space<vmem>>
    %dma_start3A_42 = arith.constant 0 : i32
    %dma_start3A_43 = arith.constant 0 : i32
    %dma_start3A_44 = tpu.memref_slice %arg2[%dma_start3A_42, %dma_start3A_43] : memref<10112x128xf32, #tpu.memory_space<hbm>> -> memref<10112x128xf32, #tpu.memory_space<hbm>>
    tpu.enqueue_indirect_dma source(%dma_start3A_44 : memref<10112x128xf32, #tpu.memory_space<hbm>>) target(%arg8 : memref<128x128xf32, #tpu.memory_space<vmem>>) offsets(%dma_start3A_41 : memref<128xi32, #tpu.memory_space<vmem>>) semaphore(%arg12 : memref<!tpu.dma_semaphore, #tpu.memory_space<semaphore_mem>>)
    %mul3A_45 = arith.constant 632 : i32
    %mul3A_46 = arith.muli %arg1, %mul3A_45 : i32
    %mul3A_47 = arith.constant 632 : i32
    %mul3A_48 = arith.muli %arg1, %mul3A_47 : i32
    "tpu.region"() ({
      %run_scoped3A = tpu.sem_alloc : memref<!tpu.dma_semaphore, #tpu.memory_space<semaphore_mem>>
      %dma_start3A_61 = arith.constant 0 : i32
      %dma_start3A_62 = tpu.memref_slice %arg15[%mul3A_48, %dma_start3A_61] : memref<10112x128xf32, #tpu.memory_space<vmem_shared>> -> memref<632x128xf32, #tpu.memory_space<vmem_shared>>
      %dma_start3A_63 = arith.constant 0 : i32
      %dma_start3A_64 = tpu.memref_slice %arg2[%mul3A_46, %dma_start3A_63] : memref<10112x128xf32, #tpu.memory_space<hbm>> -> memref<632x128xf32, #tpu.memory_space<hbm>>
      tpu.enqueue_dma source(%dma_start3A_64 : memref<632x128xf32, #tpu.memory_space<hbm>>) target(%dma_start3A_62 : memref<632x128xf32, #tpu.memory_space<vmem_shared>>) target_semaphore(%run_scoped3A : memref<!tpu.dma_semaphore, #tpu.memory_space<semaphore_mem>>)
      %dma_wait3A_65 = arith.constant 0 : i32
      %dma_wait3A_66 = tpu.memref_slice %arg15[%mul3A_48, %dma_wait3A_65] : memref<10112x128xf32, #tpu.memory_space<vmem_shared>> -> memref<632x128xf32, #tpu.memory_space<vmem_shared>>
      %dma_wait3A_67 = arith.constant 0 : i32
      %dma_wait3A_68 = tpu.memref_slice %arg2[%mul3A_46, %dma_wait3A_67] : memref<10112x128xf32, #tpu.memory_space<hbm>> -> memref<632x128xf32, #tpu.memory_space<hbm>>
      tpu.wait_dma2 semaphore(%run_scoped3A : memref<!tpu.dma_semaphore, #tpu.memory_space<semaphore_mem>>) src(%dma_wait3A_68 : memref<632x128xf32, #tpu.memory_space<hbm>>) dst(%dma_wait3A_66 : memref<632x128xf32, #tpu.memory_space<vmem_shared>>)
      tpu.yield
    }) : () -> ()
    %barrier3A = arith.constant 0 : index
    tpu.barrier barrier_id(%barrier3A)
    %scan3A = arith.constant 0 : i32
    %scan3A_49 = arith.constant 5 : i32
    %scan3A_50 = arith.addi %scan3A, %scan3A_49 : i32
    %scan3A_51 = arith.constant 1 : i32
    scf.for %scan3A_61 = %scan3A to %scan3A_50 step %scan3A_51  : i32 {
      %mul3A_62 = arith.constant 2 : i32
      %mul3A_63 = arith.muli %scan3A_61, %mul3A_62 : i32
      %add3A_64 = arith.constant 0 : i32
      %add3A_65 = arith.addi %add3A_64, %mul3A_63 : i32
      %dma_wait3A_66 = arith.constant 0 : i32
      %dma_wait3A_67 = arith.constant 0 : i32
      %dma_wait3A_68 = tpu.memref_slice %arg5[%dma_wait3A_66, %dma_wait3A_67] : memref<16x128xi32, #tpu.memory_space<vmem>> -> memref<1x128xi32, #tpu.memory_space<vmem>>
      %dma_wait3A_69 = tpu.memref_squeeze %dma_wait3A_68 : memref<1x128xi32, #tpu.memory_space<vmem>> -> memref<128xi32, #tpu.memory_space<vmem>>
      %dma_wait3A_70 = arith.constant 0 : i32
      %dma_wait3A_71 = arith.constant 0 : i32
      %dma_wait3A_72 = tpu.memref_slice %arg2[%dma_wait3A_70, %dma_wait3A_71] : memref<10112x128xf32, #tpu.memory_space<hbm>> -> memref<10112x128xf32, #tpu.memory_space<hbm>>
      tpu.wait_indirect_dma semaphore(%arg11 : memref<!tpu.dma_semaphore, #tpu.memory_space<semaphore_mem>>) src(%dma_wait3A_72 : memref<10112x128xf32, #tpu.memory_space<hbm>>) dst(%arg7 : memref<128x128xf32, #tpu.memory_space<vmem>>)
      %dma_start3A_73 = arith.constant 8 : i32
      %dma_start3A_74 = arith.constant 0 : i32
      %dma_start3A_75 = tpu.memref_slice %arg5[%dma_start3A_73, %dma_start3A_74] : memref<16x128xi32, #tpu.memory_space<vmem>> -> memref<1x128xi32, #tpu.memory_space<vmem>>
      %dma_start3A_76 = tpu.memref_squeeze %dma_start3A_75 : memref<1x128xi32, #tpu.memory_space<vmem>> -> memref<128xi32, #tpu.memory_space<vmem>>
      %dma_start3A_77 = arith.constant 0 : i32
      %dma_start3A_78 = arith.constant 0 : i32
      %dma_start3A_79 = tpu.memref_slice %arg15[%dma_start3A_77, %dma_start3A_78] : memref<10112x128xf32, #tpu.memory_space<vmem_shared>> -> memref<10112x128xf32, #tpu.memory_space<vmem_shared>>
      tpu.enqueue_indirect_dma source(%arg7 : memref<128x128xf32, #tpu.memory_space<vmem>>) target(%dma_start3A_79 : memref<10112x128xf32, #tpu.memory_space<vmem_shared>>) offsets(%dma_start3A_76 : memref<128xi32, #tpu.memory_space<vmem>>) semaphore(%arg13 : memref<!tpu.dma_semaphore, #tpu.memory_space<semaphore_mem>>) {add = true}
      %dma_wait3A_80 = arith.constant 1 : i32
      %dma_wait3A_81 = arith.constant 0 : i32
      %dma_wait3A_82 = tpu.memref_slice %arg5[%dma_wait3A_80, %dma_wait3A_81] : memref<16x128xi32, #tpu.memory_space<vmem>> -> memref<1x128xi32, #tpu.memory_space<vmem>>
      %dma_wait3A_83 = tpu.memref_squeeze %dma_wait3A_82 : memref<1x128xi32, #tpu.memory_space<vmem>> -> memref<128xi32, #tpu.memory_space<vmem>>
      %dma_wait3A_84 = arith.constant 0 : i32
      %dma_wait3A_85 = arith.constant 0 : i32
      %dma_wait3A_86 = tpu.memref_slice %arg2[%dma_wait3A_84, %dma_wait3A_85] : memref<10112x128xf32, #tpu.memory_space<hbm>> -> memref<10112x128xf32, #tpu.memory_space<hbm>>
      tpu.wait_indirect_dma semaphore(%arg12 : memref<!tpu.dma_semaphore, #tpu.memory_space<semaphore_mem>>) src(%dma_wait3A_86 : memref<10112x128xf32, #tpu.memory_space<hbm>>) dst(%arg8 : memref<128x128xf32, #tpu.memory_space<vmem>>)
      %dma_start3A_87 = arith.constant 9 : i32
      %dma_start3A_88 = arith.constant 0 : i32
      %dma_start3A_89 = tpu.memref_slice %arg5[%dma_start3A_87, %dma_start3A_88] : memref<16x128xi32, #tpu.memory_space<vmem>> -> memref<1x128xi32, #tpu.memory_space<vmem>>
      %dma_start3A_90 = tpu.memref_squeeze %dma_start3A_89 : memref<1x128xi32, #tpu.memory_space<vmem>> -> memref<128xi32, #tpu.memory_space<vmem>>
      %dma_start3A_91 = arith.constant 0 : i32
      %dma_start3A_92 = arith.constant 0 : i32
      %dma_start3A_93 = tpu.memref_slice %arg15[%dma_start3A_91, %dma_start3A_92] : memref<10112x128xf32, #tpu.memory_space<vmem_shared>> -> memref<10112x128xf32, #tpu.memory_space<vmem_shared>>
      tpu.enqueue_indirect_dma source(%arg8 : memref<128x128xf32, #tpu.memory_space<vmem>>) target(%dma_start3A_93 : memref<10112x128xf32, #tpu.memory_space<vmem_shared>>) offsets(%dma_start3A_90 : memref<128xi32, #tpu.memory_space<vmem>>) semaphore(%arg14 : memref<!tpu.dma_semaphore, #tpu.memory_space<semaphore_mem>>) {add = true}
      %dma_wait3A_94 = arith.constant 8 : i32
      %dma_wait3A_95 = arith.constant 0 : i32
      %dma_wait3A_96 = tpu.memref_slice %arg5[%dma_wait3A_94, %dma_wait3A_95] : memref<16x128xi32, #tpu.memory_space<vmem>> -> memref<1x128xi32, #tpu.memory_space<vmem>>
      %dma_wait3A_97 = tpu.memref_squeeze %dma_wait3A_96 : memref<1x128xi32, #tpu.memory_space<vmem>> -> memref<128xi32, #tpu.memory_space<vmem>>
      %dma_wait3A_98 = arith.constant 0 : i32
      %dma_wait3A_99 = arith.constant 0 : i32
      %dma_wait3A_100 = tpu.memref_slice %arg15[%dma_wait3A_98, %dma_wait3A_99] : memref<10112x128xf32, #tpu.memory_space<vmem_shared>> -> memref<10112x128xf32, #tpu.memory_space<vmem_shared>>
      tpu.wait_indirect_dma semaphore(%arg13 : memref<!tpu.dma_semaphore, #tpu.memory_space<semaphore_mem>>) src(%arg7 : memref<128x128xf32, #tpu.memory_space<vmem>>) dst(%dma_wait3A_100 : memref<10112x128xf32, #tpu.memory_space<vmem_shared>>)
      %dma_start3A_101 = arith.constant 2 : i32
      %dma_start3A_102 = arith.constant 0 : i32
      %dma_start3A_103 = tpu.memref_slice %arg5[%dma_start3A_101, %dma_start3A_102] : memref<16x128xi32, #tpu.memory_space<vmem>> -> memref<1x128xi32, #tpu.memory_space<vmem>>
      %dma_start3A_104 = tpu.memref_squeeze %dma_start3A_103 : memref<1x128xi32, #tpu.memory_space<vmem>> -> memref<128xi32, #tpu.memory_space<vmem>>
      %dma_start3A_105 = arith.constant 0 : i32
      %dma_start3A_106 = arith.constant 0 : i32
      %dma_start3A_107 = tpu.memref_slice %arg2[%dma_start3A_105, %dma_start3A_106] : memref<10112x128xf32, #tpu.memory_space<hbm>> -> memref<10112x128xf32, #tpu.memory_space<hbm>>
      tpu.enqueue_indirect_dma source(%dma_start3A_107 : memref<10112x128xf32, #tpu.memory_space<hbm>>) target(%arg7 : memref<128x128xf32, #tpu.memory_space<vmem>>) offsets(%dma_start3A_104 : memref<128xi32, #tpu.memory_space<vmem>>) semaphore(%arg11 : memref<!tpu.dma_semaphore, #tpu.memory_space<semaphore_mem>>)
      %dma_wait3A_108 = arith.constant 9 : i32
      %dma_wait3A_109 = arith.constant 0 : i32
      %dma_wait3A_110 = tpu.memref_slice %arg5[%dma_wait3A_108, %dma_wait3A_109] : memref<16x128xi32, #tpu.memory_space<vmem>> -> memref<1x128xi32, #tpu.memory_space<vmem>>
      %dma_wait3A_111 = tpu.memref_squeeze %dma_wait3A_110 : memref<1x128xi32, #tpu.memory_space<vmem>> -> memref<128xi32, #tpu.memory_space<vmem>>
      %dma_wait3A_112 = arith.constant 0 : i32
      %dma_wait3A_113 = arith.constant 0 : i32
      %dma_wait3A_114 = tpu.memref_slice %arg15[%dma_wait3A_112, %dma_wait3A_113] : memref<10112x128xf32, #tpu.memory_space<vmem_shared>> -> memref<10112x128xf32, #tpu.memory_space<vmem_shared>>
      tpu.wait_indirect_dma semaphore(%arg14 : memref<!tpu.dma_semaphore, #tpu.memory_space<semaphore_mem>>) src(%arg8 : memref<128x128xf32, #tpu.memory_space<vmem>>) dst(%dma_wait3A_114 : memref<10112x128xf32, #tpu.memory_space<vmem_shared>>)
      %dma_start3A_115 = arith.constant 3 : i32
      %dma_start3A_116 = arith.constant 0 : i32
      %dma_start3A_117 = tpu.memref_slice %arg5[%dma_start3A_115, %dma_start3A_116] : memref<16x128xi32, #tpu.memory_space<vmem>> -> memref<1x128xi32, #tpu.memory_space<vmem>>
      %dma_start3A_118 = tpu.memref_squeeze %dma_start3A_117 : memref<1x128xi32, #tpu.memory_space<vmem>> -> memref<128xi32, #tpu.memory_space<vmem>>
      %dma_start3A_119 = arith.constant 0 : i32
      %dma_start3A_120 = arith.constant 0 : i32
      %dma_start3A_121 = tpu.memref_slice %arg2[%dma_start3A_119, %dma_start3A_120] : memref<10112x128xf32, #tpu.memory_space<hbm>> -> memref<10112x128xf32, #tpu.memory_space<hbm>>
      tpu.enqueue_indirect_dma source(%dma_start3A_121 : memref<10112x128xf32, #tpu.memory_space<hbm>>) target(%arg8 : memref<128x128xf32, #tpu.memory_space<vmem>>) offsets(%dma_start3A_118 : memref<128xi32, #tpu.memory_space<vmem>>) semaphore(%arg12 : memref<!tpu.dma_semaphore, #tpu.memory_space<semaphore_mem>>)
      %dma_wait3A_122 = arith.constant 2 : i32
      %dma_wait3A_123 = arith.constant 0 : i32
      %dma_wait3A_124 = tpu.memref_slice %arg5[%dma_wait3A_122, %dma_wait3A_123] : memref<16x128xi32, #tpu.memory_space<vmem>> -> memref<1x128xi32, #tpu.memory_space<vmem>>
      %dma_wait3A_125 = tpu.memref_squeeze %dma_wait3A_124 : memref<1x128xi32, #tpu.memory_space<vmem>> -> memref<128xi32, #tpu.memory_space<vmem>>
      %dma_wait3A_126 = arith.constant 0 : i32
      %dma_wait3A_127 = arith.constant 0 : i32
      %dma_wait3A_128 = tpu.memref_slice %arg2[%dma_wait3A_126, %dma_wait3A_127] : memref<10112x128xf32, #tpu.memory_space<hbm>> -> memref<10112x128xf32, #tpu.memory_space<hbm>>
      tpu.wait_indirect_dma semaphore(%arg11 : memref<!tpu.dma_semaphore, #tpu.memory_space<semaphore_mem>>) src(%dma_wait3A_128 : memref<10112x128xf32, #tpu.memory_space<hbm>>) dst(%arg7 : memref<128x128xf32, #tpu.memory_space<vmem>>)
      %dma_start3A_129 = arith.constant 10 : i32
      %dma_start3A_130 = arith.constant 0 : i32
      %dma_start3A_131 = tpu.memref_slice %arg5[%dma_start3A_129, %dma_start3A_130] : memref<16x128xi32, #tpu.memory_space<vmem>> -> memref<1x128xi32, #tpu.memory_space<vmem>>
      %dma_start3A_132 = tpu.memref_squeeze %dma_start3A_131 : memref<1x128xi32, #tpu.memory_space<vmem>> -> memref<128xi32, #tpu.memory_space<vmem>>
      %dma_start3A_133 = arith.constant 0 : i32
      %dma_start3A_134 = arith.constant 0 : i32
      %dma_start3A_135 = tpu.memref_slice %arg15[%dma_start3A_133, %dma_start3A_134] : memref<10112x128xf32, #tpu.memory_space<vmem_shared>> -> memref<10112x128xf32, #tpu.memory_space<vmem_shared>>
      tpu.enqueue_indirect_dma source(%arg7 : memref<128x128xf32, #tpu.memory_space<vmem>>) target(%dma_start3A_135 : memref<10112x128xf32, #tpu.memory_space<vmem_shared>>) offsets(%dma_start3A_132 : memref<128xi32, #tpu.memory_space<vmem>>) semaphore(%arg13 : memref<!tpu.dma_semaphore, #tpu.memory_space<semaphore_mem>>) {add = true}
      %dma_wait3A_136 = arith.constant 3 : i32
      %dma_wait3A_137 = arith.constant 0 : i32
      %dma_wait3A_138 = tpu.memref_slice %arg5[%dma_wait3A_136, %dma_wait3A_137] : memref<16x128xi32, #tpu.memory_space<vmem>> -> memref<1x128xi32, #tpu.memory_space<vmem>>
      %dma_wait3A_139 = tpu.memref_squeeze %dma_wait3A_138 : memref<1x128xi32, #tpu.memory_space<vmem>> -> memref<128xi32, #tpu.memory_space<vmem>>
      %dma_wait3A_140 = arith.constant 0 : i32
      %dma_wait3A_141 = arith.constant 0 : i32
      %dma_wait3A_142 = tpu.memref_slice %arg2[%dma_wait3A_140, %dma_wait3A_141] : memref<10112x128xf32, #tpu.memory_space<hbm>> -> memref<10112x128xf32, #tpu.memory_space<hbm>>
      tpu.wait_indirect_dma semaphore(%arg12 : memref<!tpu.dma_semaphore, #tpu.memory_space<semaphore_mem>>) src(%dma_wait3A_142 : memref<10112x128xf32, #tpu.memory_space<hbm>>) dst(%arg8 : memref<128x128xf32, #tpu.memory_space<vmem>>)
      %dma_start3A_143 = arith.constant 11 : i32
      %dma_start3A_144 = arith.constant 0 : i32
      %dma_start3A_145 = tpu.memref_slice %arg5[%dma_start3A_143, %dma_start3A_144] : memref<16x128xi32, #tpu.memory_space<vmem>> -> memref<1x128xi32, #tpu.memory_space<vmem>>
      %dma_start3A_146 = tpu.memref_squeeze %dma_start3A_145 : memref<1x128xi32, #tpu.memory_space<vmem>> -> memref<128xi32, #tpu.memory_space<vmem>>
      %dma_start3A_147 = arith.constant 0 : i32
      %dma_start3A_148 = arith.constant 0 : i32
      %dma_start3A_149 = tpu.memref_slice %arg15[%dma_start3A_147, %dma_start3A_148] : memref<10112x128xf32, #tpu.memory_space<vmem_shared>> -> memref<10112x128xf32, #tpu.memory_space<vmem_shared>>
      tpu.enqueue_indirect_dma source(%arg8 : memref<128x128xf32, #tpu.memory_space<vmem>>) target(%dma_start3A_149 : memref<10112x128xf32, #tpu.memory_space<vmem_shared>>) offsets(%dma_start3A_146 : memref<128xi32, #tpu.memory_space<vmem>>) semaphore(%arg14 : memref<!tpu.dma_semaphore, #tpu.memory_space<semaphore_mem>>) {add = true}
      %dma_wait3A_150 = arith.constant 10 : i32
      %dma_wait3A_151 = arith.constant 0 : i32
      %dma_wait3A_152 = tpu.memref_slice %arg5[%dma_wait3A_150, %dma_wait3A_151] : memref<16x128xi32, #tpu.memory_space<vmem>> -> memref<1x128xi32, #tpu.memory_space<vmem>>
      %dma_wait3A_153 = tpu.memref_squeeze %dma_wait3A_152 : memref<1x128xi32, #tpu.memory_space<vmem>> -> memref<128xi32, #tpu.memory_space<vmem>>
      %dma_wait3A_154 = arith.constant 0 : i32
      %dma_wait3A_155 = arith.constant 0 : i32
      %dma_wait3A_156 = tpu.memref_slice %arg15[%dma_wait3A_154, %dma_wait3A_155] : memref<10112x128xf32, #tpu.memory_space<vmem_shared>> -> memref<10112x128xf32, #tpu.memory_space<vmem_shared>>
      tpu.wait_indirect_dma semaphore(%arg13 : memref<!tpu.dma_semaphore, #tpu.memory_space<semaphore_mem>>) src(%arg7 : memref<128x128xf32, #tpu.memory_space<vmem>>) dst(%dma_wait3A_156 : memref<10112x128xf32, #tpu.memory_space<vmem_shared>>)
      %dma_start3A_157 = arith.constant 4 : i32
      %dma_start3A_158 = arith.constant 0 : i32
      %dma_start3A_159 = tpu.memref_slice %arg5[%dma_start3A_157, %dma_start3A_158] : memref<16x128xi32, #tpu.memory_space<vmem>> -> memref<1x128xi32, #tpu.memory_space<vmem>>
      %dma_start3A_160 = tpu.memref_squeeze %dma_start3A_159 : memref<1x128xi32, #tpu.memory_space<vmem>> -> memref<128xi32, #tpu.memory_space<vmem>>
      %dma_start3A_161 = arith.constant 0 : i32
      %dma_start3A_162 = arith.constant 0 : i32
      %dma_start3A_163 = tpu.memref_slice %arg2[%dma_start3A_161, %dma_start3A_162] : memref<10112x128xf32, #tpu.memory_space<hbm>> -> memref<10112x128xf32, #tpu.memory_space<hbm>>
      tpu.enqueue_indirect_dma source(%dma_start3A_163 : memref<10112x128xf32, #tpu.memory_space<hbm>>) target(%arg7 : memref<128x128xf32, #tpu.memory_space<vmem>>) offsets(%dma_start3A_160 : memref<128xi32, #tpu.memory_space<vmem>>) semaphore(%arg11 : memref<!tpu.dma_semaphore, #tpu.memory_space<semaphore_mem>>)
      %dma_wait3A_164 = arith.constant 11 : i32
      %dma_wait3A_165 = arith.constant 0 : i32
      %dma_wait3A_166 = tpu.memref_slice %arg5[%dma_wait3A_164, %dma_wait3A_165] : memref<16x128xi32, #tpu.memory_space<vmem>> -> memref<1x128xi32, #tpu.memory_space<vmem>>
      %dma_wait3A_167 = tpu.memref_squeeze %dma_wait3A_166 : memref<1x128xi32, #tpu.memory_space<vmem>> -> memref<128xi32, #tpu.memory_space<vmem>>
      %dma_wait3A_168 = arith.constant 0 : i32
      %dma_wait3A_169 = arith.constant 0 : i32
      %dma_wait3A_170 = tpu.memref_slice %arg15[%dma_wait3A_168, %dma_wait3A_169] : memref<10112x128xf32, #tpu.memory_space<vmem_shared>> -> memref<10112x128xf32, #tpu.memory_space<vmem_shared>>
      tpu.wait_indirect_dma semaphore(%arg14 : memref<!tpu.dma_semaphore, #tpu.memory_space<semaphore_mem>>) src(%arg8 : memref<128x128xf32, #tpu.memory_space<vmem>>) dst(%dma_wait3A_170 : memref<10112x128xf32, #tpu.memory_space<vmem_shared>>)
      %dma_start3A_171 = arith.constant 5 : i32
      %dma_start3A_172 = arith.constant 0 : i32
      %dma_start3A_173 = tpu.memref_slice %arg5[%dma_start3A_171, %dma_start3A_172] : memref<16x128xi32, #tpu.memory_space<vmem>> -> memref<1x128xi32, #tpu.memory_space<vmem>>
      %dma_start3A_174 = tpu.memref_squeeze %dma_start3A_173 : memref<1x128xi32, #tpu.memory_space<vmem>> -> memref<128xi32, #tpu.memory_space<vmem>>
      %dma_start3A_175 = arith.constant 0 : i32
      %dma_start3A_176 = arith.constant 0 : i32
      %dma_start3A_177 = tpu.memref_slice %arg2[%dma_start3A_175, %dma_start3A_176] : memref<10112x128xf32, #tpu.memory_space<hbm>> -> memref<10112x128xf32, #tpu.memory_space<hbm>>
      tpu.enqueue_indirect_dma source(%dma_start3A_177 : memref<10112x128xf32, #tpu.memory_space<hbm>>) target(%arg8 : memref<128x128xf32, #tpu.memory_space<vmem>>) offsets(%dma_start3A_174 : memref<128xi32, #tpu.memory_space<vmem>>) semaphore(%arg12 : memref<!tpu.dma_semaphore, #tpu.memory_space<semaphore_mem>>)
      %dma_wait3A_178 = arith.constant 4 : i32
      %dma_wait3A_179 = arith.constant 0 : i32
      %dma_wait3A_180 = tpu.memref_slice %arg5[%dma_wait3A_178, %dma_wait3A_179] : memref<16x128xi32, #tpu.memory_space<vmem>> -> memref<1x128xi32, #tpu.memory_space<vmem>>
      %dma_wait3A_181 = tpu.memref_squeeze %dma_wait3A_180 : memref<1x128xi32, #tpu.memory_space<vmem>> -> memref<128xi32, #tpu.memory_space<vmem>>
      %dma_wait3A_182 = arith.constant 0 : i32
      %dma_wait3A_183 = arith.constant 0 : i32
      %dma_wait3A_184 = tpu.memref_slice %arg2[%dma_wait3A_182, %dma_wait3A_183] : memref<10112x128xf32, #tpu.memory_space<hbm>> -> memref<10112x128xf32, #tpu.memory_space<hbm>>
      tpu.wait_indirect_dma semaphore(%arg11 : memref<!tpu.dma_semaphore, #tpu.memory_space<semaphore_mem>>) src(%dma_wait3A_184 : memref<10112x128xf32, #tpu.memory_space<hbm>>) dst(%arg7 : memref<128x128xf32, #tpu.memory_space<vmem>>)
      %dma_start3A_185 = arith.constant 12 : i32
      %dma_start3A_186 = arith.constant 0 : i32
      %dma_start3A_187 = tpu.memref_slice %arg5[%dma_start3A_185, %dma_start3A_186] : memref<16x128xi32, #tpu.memory_space<vmem>> -> memref<1x128xi32, #tpu.memory_space<vmem>>
      %dma_start3A_188 = tpu.memref_squeeze %dma_start3A_187 : memref<1x128xi32, #tpu.memory_space<vmem>> -> memref<128xi32, #tpu.memory_space<vmem>>
      %dma_start3A_189 = arith.constant 0 : i32
      %dma_start3A_190 = arith.constant 0 : i32
      %dma_start3A_191 = tpu.memref_slice %arg15[%dma_start3A_189, %dma_start3A_190] : memref<10112x128xf32, #tpu.memory_space<vmem_shared>> -> memref<10112x128xf32, #tpu.memory_space<vmem_shared>>
      tpu.enqueue_indirect_dma source(%arg7 : memref<128x128xf32, #tpu.memory_space<vmem>>) target(%dma_start3A_191 : memref<10112x128xf32, #tpu.memory_space<vmem_shared>>) offsets(%dma_start3A_188 : memref<128xi32, #tpu.memory_space<vmem>>) semaphore(%arg13 : memref<!tpu.dma_semaphore, #tpu.memory_space<semaphore_mem>>) {add = true}
      %dma_wait3A_192 = arith.constant 5 : i32
      %dma_wait3A_193 = arith.constant 0 : i32
      %dma_wait3A_194 = tpu.memref_slice %arg5[%dma_wait3A_192, %dma_wait3A_193] : memref<16x128xi32, #tpu.memory_space<vmem>> -> memref<1x128xi32, #tpu.memory_space<vmem>>
      %dma_wait3A_195 = tpu.memref_squeeze %dma_wait3A_194 : memref<1x128xi32, #tpu.memory_space<vmem>> -> memref<128xi32, #tpu.memory_space<vmem>>
      %dma_wait3A_196 = arith.constant 0 : i32
      %dma_wait3A_197 = arith.constant 0 : i32
      %dma_wait3A_198 = tpu.memref_slice %arg2[%dma_wait3A_196, %dma_wait3A_197] : memref<10112x128xf32, #tpu.memory_space<hbm>> -> memref<10112x128xf32, #tpu.memory_space<hbm>>
      tpu.wait_indirect_dma semaphore(%arg12 : memref<!tpu.dma_semaphore, #tpu.memory_space<semaphore_mem>>) src(%dma_wait3A_198 : memref<10112x128xf32, #tpu.memory_space<hbm>>) dst(%arg8 : memref<128x128xf32, #tpu.memory_space<vmem>>)
      %dma_start3A_199 = arith.constant 13 : i32
      %dma_start3A_200 = arith.constant 0 : i32
      %dma_start3A_201 = tpu.memref_slice %arg5[%dma_start3A_199, %dma_start3A_200] : memref<16x128xi32, #tpu.memory_space<vmem>> -> memref<1x128xi32, #tpu.memory_space<vmem>>
      %dma_start3A_202 = tpu.memref_squeeze %dma_start3A_201 : memref<1x128xi32, #tpu.memory_space<vmem>> -> memref<128xi32, #tpu.memory_space<vmem>>
      %dma_start3A_203 = arith.constant 0 : i32
      %dma_start3A_204 = arith.constant 0 : i32
      %dma_start3A_205 = tpu.memref_slice %arg15[%dma_start3A_203, %dma_start3A_204] : memref<10112x128xf32, #tpu.memory_space<vmem_shared>> -> memref<10112x128xf32, #tpu.memory_space<vmem_shared>>
      tpu.enqueue_indirect_dma source(%arg8 : memref<128x128xf32, #tpu.memory_space<vmem>>) target(%dma_start3A_205 : memref<10112x128xf32, #tpu.memory_space<vmem_shared>>) offsets(%dma_start3A_202 : memref<128xi32, #tpu.memory_space<vmem>>) semaphore(%arg14 : memref<!tpu.dma_semaphore, #tpu.memory_space<semaphore_mem>>) {add = true}
      %dma_wait3A_206 = arith.constant 12 : i32
      %dma_wait3A_207 = arith.constant 0 : i32
      %dma_wait3A_208 = tpu.memref_slice %arg5[%dma_wait3A_206, %dma_wait3A_207] : memref<16x128xi32, #tpu.memory_space<vmem>> -> memref<1x128xi32, #tpu.memory_space<vmem>>
      %dma_wait3A_209 = tpu.memref_squeeze %dma_wait3A_208 : memref<1x128xi32, #tpu.memory_space<vmem>> -> memref<128xi32, #tpu.memory_space<vmem>>
      %dma_wait3A_210 = arith.constant 0 : i32
      %dma_wait3A_211 = arith.constant 0 : i32
      %dma_wait3A_212 = tpu.memref_slice %arg15[%dma_wait3A_210, %dma_wait3A_211] : memref<10112x128xf32, #tpu.memory_space<vmem_shared>> -> memref<10112x128xf32, #tpu.memory_space<vmem_shared>>
      tpu.wait_indirect_dma semaphore(%arg13 : memref<!tpu.dma_semaphore, #tpu.memory_space<semaphore_mem>>) src(%arg7 : memref<128x128xf32, #tpu.memory_space<vmem>>) dst(%dma_wait3A_212 : memref<10112x128xf32, #tpu.memory_space<vmem_shared>>)
      %dma_start3A_213 = arith.constant 6 : i32
      %dma_start3A_214 = arith.constant 0 : i32
      %dma_start3A_215 = tpu.memref_slice %arg5[%dma_start3A_213, %dma_start3A_214] : memref<16x128xi32, #tpu.memory_space<vmem>> -> memref<1x128xi32, #tpu.memory_space<vmem>>
      %dma_start3A_216 = tpu.memref_squeeze %dma_start3A_215 : memref<1x128xi32, #tpu.memory_space<vmem>> -> memref<128xi32, #tpu.memory_space<vmem>>
      %dma_start3A_217 = arith.constant 0 : i32
      %dma_start3A_218 = arith.constant 0 : i32
      %dma_start3A_219 = tpu.memref_slice %arg2[%dma_start3A_217, %dma_start3A_218] : memref<10112x128xf32, #tpu.memory_space<hbm>> -> memref<10112x128xf32, #tpu.memory_space<hbm>>
      tpu.enqueue_indirect_dma source(%dma_start3A_219 : memref<10112x128xf32, #tpu.memory_space<hbm>>) target(%arg7 : memref<128x128xf32, #tpu.memory_space<vmem>>) offsets(%dma_start3A_216 : memref<128xi32, #tpu.memory_space<vmem>>) semaphore(%arg11 : memref<!tpu.dma_semaphore, #tpu.memory_space<semaphore_mem>>)
      %dma_wait3A_220 = arith.constant 13 : i32
      %dma_wait3A_221 = arith.constant 0 : i32
      %dma_wait3A_222 = tpu.memref_slice %arg5[%dma_wait3A_220, %dma_wait3A_221] : memref<16x128xi32, #tpu.memory_space<vmem>> -> memref<1x128xi32, #tpu.memory_space<vmem>>
      %dma_wait3A_223 = tpu.memref_squeeze %dma_wait3A_222 : memref<1x128xi32, #tpu.memory_space<vmem>> -> memref<128xi32, #tpu.memory_space<vmem>>
      %dma_wait3A_224 = arith.constant 0 : i32
      %dma_wait3A_225 = arith.constant 0 : i32
      %dma_wait3A_226 = tpu.memref_slice %arg15[%dma_wait3A_224, %dma_wait3A_225] : memref<10112x128xf32, #tpu.memory_space<vmem_shared>> -> memref<10112x128xf32, #tpu.memory_space<vmem_shared>>
      tpu.wait_indirect_dma semaphore(%arg14 : memref<!tpu.dma_semaphore, #tpu.memory_space<semaphore_mem>>) src(%arg8 : memref<128x128xf32, #tpu.memory_space<vmem>>) dst(%dma_wait3A_226 : memref<10112x128xf32, #tpu.memory_space<vmem_shared>>)
      %dma_start3A_227 = arith.constant 7 : i32
      %dma_start3A_228 = arith.constant 0 : i32
      %dma_start3A_229 = tpu.memref_slice %arg5[%dma_start3A_227, %dma_start3A_228] : memref<16x128xi32, #tpu.memory_space<vmem>> -> memref<1x128xi32, #tpu.memory_space<vmem>>
      %dma_start3A_230 = tpu.memref_squeeze %dma_start3A_229 : memref<1x128xi32, #tpu.memory_space<vmem>> -> memref<128xi32, #tpu.memory_space<vmem>>
      %dma_start3A_231 = arith.constant 0 : i32
      %dma_start3A_232 = arith.constant 0 : i32
      %dma_start3A_233 = tpu.memref_slice %arg2[%dma_start3A_231, %dma_start3A_232] : memref<10112x128xf32, #tpu.memory_space<hbm>> -> memref<10112x128xf32, #tpu.memory_space<hbm>>
      tpu.enqueue_indirect_dma source(%dma_start3A_233 : memref<10112x128xf32, #tpu.memory_space<hbm>>) target(%arg8 : memref<128x128xf32, #tpu.memory_space<vmem>>) offsets(%dma_start3A_230 : memref<128xi32, #tpu.memory_space<vmem>>) semaphore(%arg12 : memref<!tpu.dma_semaphore, #tpu.memory_space<semaphore_mem>>)
      %dma_wait3A_234 = arith.constant 6 : i32
      %dma_wait3A_235 = arith.constant 0 : i32
      %dma_wait3A_236 = tpu.memref_slice %arg5[%dma_wait3A_234, %dma_wait3A_235] : memref<16x128xi32, #tpu.memory_space<vmem>> -> memref<1x128xi32, #tpu.memory_space<vmem>>
      %dma_wait3A_237 = tpu.memref_squeeze %dma_wait3A_236 : memref<1x128xi32, #tpu.memory_space<vmem>> -> memref<128xi32, #tpu.memory_space<vmem>>
      %dma_wait3A_238 = arith.constant 0 : i32
      %dma_wait3A_239 = arith.constant 0 : i32
      %dma_wait3A_240 = tpu.memref_slice %arg2[%dma_wait3A_238, %dma_wait3A_239] : memref<10112x128xf32, #tpu.memory_space<hbm>> -> memref<10112x128xf32, #tpu.memory_space<hbm>>
      tpu.wait_indirect_dma semaphore(%arg11 : memref<!tpu.dma_semaphore, #tpu.memory_space<semaphore_mem>>) src(%dma_wait3A_240 : memref<10112x128xf32, #tpu.memory_space<hbm>>) dst(%arg7 : memref<128x128xf32, #tpu.memory_space<vmem>>)
      %dma_start3A_241 = arith.constant 14 : i32
      %dma_start3A_242 = arith.constant 0 : i32
      %dma_start3A_243 = tpu.memref_slice %arg5[%dma_start3A_241, %dma_start3A_242] : memref<16x128xi32, #tpu.memory_space<vmem>> -> memref<1x128xi32, #tpu.memory_space<vmem>>
      %dma_start3A_244 = tpu.memref_squeeze %dma_start3A_243 : memref<1x128xi32, #tpu.memory_space<vmem>> -> memref<128xi32, #tpu.memory_space<vmem>>
      %dma_start3A_245 = arith.constant 0 : i32
      %dma_start3A_246 = arith.constant 0 : i32
      %dma_start3A_247 = tpu.memref_slice %arg15[%dma_start3A_245, %dma_start3A_246] : memref<10112x128xf32, #tpu.memory_space<vmem_shared>> -> memref<10112x128xf32, #tpu.memory_space<vmem_shared>>
      tpu.enqueue_indirect_dma source(%arg7 : memref<128x128xf32, #tpu.memory_space<vmem>>) target(%dma_start3A_247 : memref<10112x128xf32, #tpu.memory_space<vmem_shared>>) offsets(%dma_start3A_244 : memref<128xi32, #tpu.memory_space<vmem>>) semaphore(%arg13 : memref<!tpu.dma_semaphore, #tpu.memory_space<semaphore_mem>>) {add = true}
      %dma_wait3A_248 = arith.constant 7 : i32
      %dma_wait3A_249 = arith.constant 0 : i32
      %dma_wait3A_250 = tpu.memref_slice %arg5[%dma_wait3A_248, %dma_wait3A_249] : memref<16x128xi32, #tpu.memory_space<vmem>> -> memref<1x128xi32, #tpu.memory_space<vmem>>
      %dma_wait3A_251 = tpu.memref_squeeze %dma_wait3A_250 : memref<1x128xi32, #tpu.memory_space<vmem>> -> memref<128xi32, #tpu.memory_space<vmem>>
      %dma_wait3A_252 = arith.constant 0 : i32
      %dma_wait3A_253 = arith.constant 0 : i32
      %dma_wait3A_254 = tpu.memref_slice %arg2[%dma_wait3A_252, %dma_wait3A_253] : memref<10112x128xf32, #tpu.memory_space<hbm>> -> memref<10112x128xf32, #tpu.memory_space<hbm>>
      tpu.wait_indirect_dma semaphore(%arg12 : memref<!tpu.dma_semaphore, #tpu.memory_space<semaphore_mem>>) src(%dma_wait3A_254 : memref<10112x128xf32, #tpu.memory_space<hbm>>) dst(%arg8 : memref<128x128xf32, #tpu.memory_space<vmem>>)
      %dma_start3A_255 = arith.constant 15 : i32
      %dma_start3A_256 = arith.constant 0 : i32
      %dma_start3A_257 = tpu.memref_slice %arg5[%dma_start3A_255, %dma_start3A_256] : memref<16x128xi32, #tpu.memory_space<vmem>> -> memref<1x128xi32, #tpu.memory_space<vmem>>
      %dma_start3A_258 = tpu.memref_squeeze %dma_start3A_257 : memref<1x128xi32, #tpu.memory_space<vmem>> -> memref<128xi32, #tpu.memory_space<vmem>>
      %dma_start3A_259 = arith.constant 0 : i32
      %dma_start3A_260 = arith.constant 0 : i32
      %dma_start3A_261 = tpu.memref_slice %arg15[%dma_start3A_259, %dma_start3A_260] : memref<10112x128xf32, #tpu.memory_space<vmem_shared>> -> memref<10112x128xf32, #tpu.memory_space<vmem_shared>>
      tpu.enqueue_indirect_dma source(%arg8 : memref<128x128xf32, #tpu.memory_space<vmem>>) target(%dma_start3A_261 : memref<10112x128xf32, #tpu.memory_space<vmem_shared>>) offsets(%dma_start3A_258 : memref<128xi32, #tpu.memory_space<vmem>>) semaphore(%arg14 : memref<!tpu.dma_semaphore, #tpu.memory_space<semaphore_mem>>) {add = true}
      %add3A_262 = arith.constant 0 : i32
      %add3A_263 = arith.addi %mul3A_2, %add3A_262 : i32
      %mul3A_264 = arith.constant 2 : i32
      %mul3A_265 = arith.muli %add3A_263, %mul3A_264 : i32
      %mul3A_266 = arith.constant 8 : i32
      %mul3A_267 = arith.muli %mul3A_265, %mul3A_266 : i32
      %dma_wait3A_268 = arith.constant 0 : i32
      %dma_wait3A_269 = tpu.memref_slice %arg3[%mul3A_267, %dma_wait3A_268] : memref<5120x128xi32, #tpu.memory_space<hbm>> -> memref<16x128xi32, #tpu.memory_space<hbm>>
      %dma_wait3A_270 = arith.constant 0 : i32
      %dma_wait3A_271 = tpu.memref_slice %arg3[%mul3A_267, %dma_wait3A_270] : memref<5120x128xi32, #tpu.memory_space<hbm>> -> memref<16x128xi32, #tpu.memory_space<hbm>>
      tpu.wait_dma2 semaphore(%arg10 : memref<!tpu.dma_semaphore, #tpu.memory_space<semaphore_mem>>) src(%dma_wait3A_271 : memref<16x128xi32, #tpu.memory_space<hbm>>) dst(%arg6 : memref<16x128xi32, #tpu.memory_space<vmem>>)
      %dma_wait3A_272 = arith.constant 14 : i32
      %dma_wait3A_273 = arith.constant 0 : i32
      %dma_wait3A_274 = tpu.memref_slice %arg5[%dma_wait3A_272, %dma_wait3A_273] : memref<16x128xi32, #tpu.memory_space<vmem>> -> memref<1x128xi32, #tpu.memory_space<vmem>>
      %dma_wait3A_275 = tpu.memref_squeeze %dma_wait3A_274 : memref<1x128xi32, #tpu.memory_space<vmem>> -> memref<128xi32, #tpu.memory_space<vmem>>
      %dma_wait3A_276 = arith.constant 0 : i32
      %dma_wait3A_277 = arith.constant 0 : i32
      %dma_wait3A_278 = tpu.memref_slice %arg15[%dma_wait3A_276, %dma_wait3A_277] : memref<10112x128xf32, #tpu.memory_space<vmem_shared>> -> memref<10112x128xf32, #tpu.memory_space<vmem_shared>>
      tpu.wait_indirect_dma semaphore(%arg13 : memref<!tpu.dma_semaphore, #tpu.memory_space<semaphore_mem>>) src(%arg7 : memref<128x128xf32, #tpu.memory_space<vmem>>) dst(%dma_wait3A_278 : memref<10112x128xf32, #tpu.memory_space<vmem_shared>>)
      %dma_start3A_279 = arith.constant 0 : i32
      %dma_start3A_280 = arith.constant 0 : i32
      %dma_start3A_281 = tpu.memref_slice %arg6[%dma_start3A_279, %dma_start3A_280] : memref<16x128xi32, #tpu.memory_space<vmem>> -> memref<1x128xi32, #tpu.memory_space<vmem>>
      %dma_start3A_282 = tpu.memref_squeeze %dma_start3A_281 : memref<1x128xi32, #tpu.memory_space<vmem>> -> memref<128xi32, #tpu.memory_space<vmem>>
      %dma_start3A_283 = arith.constant 0 : i32
      %dma_start3A_284 = arith.constant 0 : i32
      %dma_start3A_285 = tpu.memref_slice %arg2[%dma_start3A_283, %dma_start3A_284] : memref<10112x128xf32, #tpu.memory_space<hbm>> -> memref<10112x128xf32, #tpu.memory_space<hbm>>
      tpu.enqueue_indirect_dma source(%dma_start3A_285 : memref<10112x128xf32, #tpu.memory_space<hbm>>) target(%arg7 : memref<128x128xf32, #tpu.memory_space<vmem>>) offsets(%dma_start3A_282 : memref<128xi32, #tpu.memory_space<vmem>>) semaphore(%arg11 : memref<!tpu.dma_semaphore, #tpu.memory_space<semaphore_mem>>)
      %dma_wait3A_286 = arith.constant 15 : i32
      %dma_wait3A_287 = arith.constant 0 : i32
      %dma_wait3A_288 = tpu.memref_slice %arg5[%dma_wait3A_286, %dma_wait3A_287] : memref<16x128xi32, #tpu.memory_space<vmem>> -> memref<1x128xi32, #tpu.memory_space<vmem>>
      %dma_wait3A_289 = tpu.memref_squeeze %dma_wait3A_288 : memref<1x128xi32, #tpu.memory_space<vmem>> -> memref<128xi32, #tpu.memory_space<vmem>>
      %dma_wait3A_290 = arith.constant 0 : i32
      %dma_wait3A_291 = arith.constant 0 : i32
      %dma_wait3A_292 = tpu.memref_slice %arg15[%dma_wait3A_290, %dma_wait3A_291] : memref<10112x128xf32, #tpu.memory_space<vmem_shared>> -> memref<10112x128xf32, #tpu.memory_space<vmem_shared>>
      tpu.wait_indirect_dma semaphore(%arg14 : memref<!tpu.dma_semaphore, #tpu.memory_space<semaphore_mem>>) src(%arg8 : memref<128x128xf32, #tpu.memory_space<vmem>>) dst(%dma_wait3A_292 : memref<10112x128xf32, #tpu.memory_space<vmem_shared>>)
      %dma_start3A_293 = arith.constant 1 : i32
      %dma_start3A_294 = arith.constant 0 : i32
      %dma_start3A_295 = tpu.memref_slice %arg6[%dma_start3A_293, %dma_start3A_294] : memref<16x128xi32, #tpu.memory_space<vmem>> -> memref<1x128xi32, #tpu.memory_space<vmem>>
      %dma_start3A_296 = tpu.memref_squeeze %dma_start3A_295 : memref<1x128xi32, #tpu.memory_space<vmem>> -> memref<128xi32, #tpu.memory_space<vmem>>
      %dma_start3A_297 = arith.constant 0 : i32
      %dma_start3A_298 = arith.constant 0 : i32
      %dma_start3A_299 = tpu.memref_slice %arg2[%dma_start3A_297, %dma_start3A_298] : memref<10112x128xf32, #tpu.memory_space<hbm>> -> memref<10112x128xf32, #tpu.memory_space<hbm>>
      tpu.enqueue_indirect_dma source(%dma_start3A_299 : memref<10112x128xf32, #tpu.memory_space<hbm>>) target(%arg8 : memref<128x128xf32, #tpu.memory_space<vmem>>) offsets(%dma_start3A_296 : memref<128xi32, #tpu.memory_space<vmem>>) semaphore(%arg12 : memref<!tpu.dma_semaphore, #tpu.memory_space<semaphore_mem>>)
      %add3A_300 = arith.constant 2 : i32
      %add3A_301 = arith.addi %add3A_65, %add3A_300 : i32
      %lt3A = arith.constant 10 : i32
      %lt3A_302 = arith.cmpi slt, %add3A_301, %lt3A : i32
      %convert_element_type3A = arith.extui %lt3A_302 : i1 to i32
      %cond3A = arith.constant 0 : i32
      %cond3A_303 = arith.cmpi ne, %convert_element_type3A, %cond3A : i32
      scf.if %cond3A_303 {
        %add3A_535 = arith.constant 2 : i32
        %add3A_536 = arith.addi %add3A_65, %add3A_535 : i32
        %add3A_537 = arith.addi %mul3A_2, %add3A_536 : i32
        %mul3A_538 = arith.constant 2 : i32
        %mul3A_539 = arith.muli %add3A_537, %mul3A_538 : i32
        %mul3A_540 = arith.constant 8 : i32
        %mul3A_541 = arith.muli %mul3A_539, %mul3A_540 : i32
        %dma_start3A_542 = arith.constant 0 : i32
        %dma_start3A_543 = tpu.memref_slice %arg3[%mul3A_541, %dma_start3A_542] : memref<5120x128xi32, #tpu.memory_space<hbm>> -> memref<16x128xi32, #tpu.memory_space<hbm>>
        %dma_start3A_544 = arith.constant 0 : i32
        %dma_start3A_545 = tpu.memref_slice %arg3[%mul3A_541, %dma_start3A_544] : memref<5120x128xi32, #tpu.memory_space<hbm>> -> memref<16x128xi32, #tpu.memory_space<hbm>>
        tpu.enqueue_dma source(%dma_start3A_545 : memref<16x128xi32, #tpu.memory_space<hbm>>) target(%arg5 : memref<16x128xi32, #tpu.memory_space<vmem>>) target_semaphore(%arg9 : memref<!tpu.dma_semaphore, #tpu.memory_space<semaphore_mem>>)
      } else {
      }
      %dma_wait3A_304 = arith.constant 0 : i32
      %dma_wait3A_305 = arith.constant 0 : i32
      %dma_wait3A_306 = tpu.memref_slice %arg6[%dma_wait3A_304, %dma_wait3A_305] : memref<16x128xi32, #tpu.memory_space<vmem>> -> memref<1x128xi32, #tpu.memory_space<vmem>>
      %dma_wait3A_307 = tpu.memref_squeeze %dma_wait3A_306 : memref<1x128xi32, #tpu.memory_space<vmem>> -> memref<128xi32, #tpu.memory_space<vmem>>
      %dma_wait3A_308 = arith.constant 0 : i32
      %dma_wait3A_309 = arith.constant 0 : i32
      %dma_wait3A_310 = tpu.memref_slice %arg2[%dma_wait3A_308, %dma_wait3A_309] : memref<10112x128xf32, #tpu.memory_space<hbm>> -> memref<10112x128xf32, #tpu.memory_space<hbm>>
      tpu.wait_indirect_dma semaphore(%arg11 : memref<!tpu.dma_semaphore, #tpu.memory_space<semaphore_mem>>) src(%dma_wait3A_310 : memref<10112x128xf32, #tpu.memory_space<hbm>>) dst(%arg7 : memref<128x128xf32, #tpu.memory_space<vmem>>)
      %dma_start3A_311 = arith.constant 8 : i32
      %dma_start3A_312 = arith.constant 0 : i32
      %dma_start3A_313 = tpu.memref_slice %arg6[%dma_start3A_311, %dma_start3A_312] : memref<16x128xi32, #tpu.memory_space<vmem>> -> memref<1x128xi32, #tpu.memory_space<vmem>>
      %dma_start3A_314 = tpu.memref_squeeze %dma_start3A_313 : memref<1x128xi32, #tpu.memory_space<vmem>> -> memref<128xi32, #tpu.memory_space<vmem>>
      %dma_start3A_315 = arith.constant 0 : i32
      %dma_start3A_316 = arith.constant 0 : i32
      %dma_start3A_317 = tpu.memref_slice %arg15[%dma_start3A_315, %dma_start3A_316] : memref<10112x128xf32, #tpu.memory_space<vmem_shared>> -> memref<10112x128xf32, #tpu.memory_space<vmem_shared>>
      tpu.enqueue_indirect_dma source(%arg7 : memref<128x128xf32, #tpu.memory_space<vmem>>) target(%dma_start3A_317 : memref<10112x128xf32, #tpu.memory_space<vmem_shared>>) offsets(%dma_start3A_314 : memref<128xi32, #tpu.memory_space<vmem>>) semaphore(%arg13 : memref<!tpu.dma_semaphore, #tpu.memory_space<semaphore_mem>>) {add = true}
      %dma_wait3A_318 = arith.constant 1 : i32
      %dma_wait3A_319 = arith.constant 0 : i32
      %dma_wait3A_320 = tpu.memref_slice %arg6[%dma_wait3A_318, %dma_wait3A_319] : memref<16x128xi32, #tpu.memory_space<vmem>> -> memref<1x128xi32, #tpu.memory_space<vmem>>
      %dma_wait3A_321 = tpu.memref_squeeze %dma_wait3A_320 : memref<1x128xi32, #tpu.memory_space<vmem>> -> memref<128xi32, #tpu.memory_space<vmem>>
      %dma_wait3A_322 = arith.constant 0 : i32
      %dma_wait3A_323 = arith.constant 0 : i32
      %dma_wait3A_324 = tpu.memref_slice %arg2[%dma_wait3A_322, %dma_wait3A_323] : memref<10112x128xf32, #tpu.memory_space<hbm>> -> memref<10112x128xf32, #tpu.memory_space<hbm>>
      tpu.wait_indirect_dma semaphore(%arg12 : memref<!tpu.dma_semaphore, #tpu.memory_space<semaphore_mem>>) src(%dma_wait3A_324 : memref<10112x128xf32, #tpu.memory_space<hbm>>) dst(%arg8 : memref<128x128xf32, #tpu.memory_space<vmem>>)
      %dma_start3A_325 = arith.constant 9 : i32
      %dma_start3A_326 = arith.constant 0 : i32
      %dma_start3A_327 = tpu.memref_slice %arg6[%dma_start3A_325, %dma_start3A_326] : memref<16x128xi32, #tpu.memory_space<vmem>> -> memref<1x128xi32, #tpu.memory_space<vmem>>
      %dma_start3A_328 = tpu.memref_squeeze %dma_start3A_327 : memref<1x128xi32, #tpu.memory_space<vmem>> -> memref<128xi32, #tpu.memory_space<vmem>>
      %dma_start3A_329 = arith.constant 0 : i32
      %dma_start3A_330 = arith.constant 0 : i32
      %dma_start3A_331 = tpu.memref_slice %arg15[%dma_start3A_329, %dma_start3A_330] : memref<10112x128xf32, #tpu.memory_space<vmem_shared>> -> memref<10112x128xf32, #tpu.memory_space<vmem_shared>>
      tpu.enqueue_indirect_dma source(%arg8 : memref<128x128xf32, #tpu.memory_space<vmem>>) target(%dma_start3A_331 : memref<10112x128xf32, #tpu.memory_space<vmem_shared>>) offsets(%dma_start3A_328 : memref<128xi32, #tpu.memory_space<vmem>>) semaphore(%arg14 : memref<!tpu.dma_semaphore, #tpu.memory_space<semaphore_mem>>) {add = true}
      %dma_wait3A_332 = arith.constant 8 : i32
      %dma_wait3A_333 = arith.constant 0 : i32
      %dma_wait3A_334 = tpu.memref_slice %arg6[%dma_wait3A_332, %dma_wait3A_333] : memref<16x128xi32, #tpu.memory_space<vmem>> -> memref<1x128xi32, #tpu.memory_space<vmem>>
      %dma_wait3A_335 = tpu.memref_squeeze %dma_wait3A_334 : memref<1x128xi32, #tpu.memory_space<vmem>> -> memref<128xi32, #tpu.memory_space<vmem>>
      %dma_wait3A_336 = arith.constant 0 : i32
      %dma_wait3A_337 = arith.constant 0 : i32
      %dma_wait3A_338 = tpu.memref_slice %arg15[%dma_wait3A_336, %dma_wait3A_337] : memref<10112x128xf32, #tpu.memory_space<vmem_shared>> -> memref<10112x128xf32, #tpu.memory_space<vmem_shared>>
      tpu.wait_indirect_dma semaphore(%arg13 : memref<!tpu.dma_semaphore, #tpu.memory_space<semaphore_mem>>) src(%arg7 : memref<128x128xf32, #tpu.memory_space<vmem>>) dst(%dma_wait3A_338 : memref<10112x128xf32, #tpu.memory_space<vmem_shared>>)
      %dma_start3A_339 = arith.constant 2 : i32
      %dma_start3A_340 = arith.constant 0 : i32
      %dma_start3A_341 = tpu.memref_slice %arg6[%dma_start3A_339, %dma_start3A_340] : memref<16x128xi32, #tpu.memory_space<vmem>> -> memref<1x128xi32, #tpu.memory_space<vmem>>
      %dma_start3A_342 = tpu.memref_squeeze %dma_start3A_341 : memref<1x128xi32, #tpu.memory_space<vmem>> -> memref<128xi32, #tpu.memory_space<vmem>>
      %dma_start3A_343 = arith.constant 0 : i32
      %dma_start3A_344 = arith.constant 0 : i32
      %dma_start3A_345 = tpu.memref_slice %arg2[%dma_start3A_343, %dma_start3A_344] : memref<10112x128xf32, #tpu.memory_space<hbm>> -> memref<10112x128xf32, #tpu.memory_space<hbm>>
      tpu.enqueue_indirect_dma source(%dma_start3A_345 : memref<10112x128xf32, #tpu.memory_space<hbm>>) target(%arg7 : memref<128x128xf32, #tpu.memory_space<vmem>>) offsets(%dma_start3A_342 : memref<128xi32, #tpu.memory_space<vmem>>) semaphore(%arg11 : memref<!tpu.dma_semaphore, #tpu.memory_space<semaphore_mem>>)
      %dma_wait3A_346 = arith.constant 9 : i32
      %dma_wait3A_347 = arith.constant 0 : i32
      %dma_wait3A_348 = tpu.memref_slice %arg6[%dma_wait3A_346, %dma_wait3A_347] : memref<16x128xi32, #tpu.memory_space<vmem>> -> memref<1x128xi32, #tpu.memory_space<vmem>>
      %dma_wait3A_349 = tpu.memref_squeeze %dma_wait3A_348 : memref<1x128xi32, #tpu.memory_space<vmem>> -> memref<128xi32, #tpu.memory_space<vmem>>
      %dma_wait3A_350 = arith.constant 0 : i32
      %dma_wait3A_351 = arith.constant 0 : i32
      %dma_wait3A_352 = tpu.memref_slice %arg15[%dma_wait3A_350, %dma_wait3A_351] : memref<10112x128xf32, #tpu.memory_space<vmem_shared>> -> memref<10112x128xf32, #tpu.memory_space<vmem_shared>>
      tpu.wait_indirect_dma semaphore(%arg14 : memref<!tpu.dma_semaphore, #tpu.memory_space<semaphore_mem>>) src(%arg8 : memref<128x128xf32, #tpu.memory_space<vmem>>) dst(%dma_wait3A_352 : memref<10112x128xf32, #tpu.memory_space<vmem_shared>>)
      %dma_start3A_353 = arith.constant 3 : i32
      %dma_start3A_354 = arith.constant 0 : i32
      %dma_start3A_355 = tpu.memref_slice %arg6[%dma_start3A_353, %dma_start3A_354] : memref<16x128xi32, #tpu.memory_space<vmem>> -> memref<1x128xi32, #tpu.memory_space<vmem>>
      %dma_start3A_356 = tpu.memref_squeeze %dma_start3A_355 : memref<1x128xi32, #tpu.memory_space<vmem>> -> memref<128xi32, #tpu.memory_space<vmem>>
      %dma_start3A_357 = arith.constant 0 : i32
      %dma_start3A_358 = arith.constant 0 : i32
      %dma_start3A_359 = tpu.memref_slice %arg2[%dma_start3A_357, %dma_start3A_358] : memref<10112x128xf32, #tpu.memory_space<hbm>> -> memref<10112x128xf32, #tpu.memory_space<hbm>>
      tpu.enqueue_indirect_dma source(%dma_start3A_359 : memref<10112x128xf32, #tpu.memory_space<hbm>>) target(%arg8 : memref<128x128xf32, #tpu.memory_space<vmem>>) offsets(%dma_start3A_356 : memref<128xi32, #tpu.memory_space<vmem>>) semaphore(%arg12 : memref<!tpu.dma_semaphore, #tpu.memory_space<semaphore_mem>>)
      %dma_wait3A_360 = arith.constant 2 : i32
      %dma_wait3A_361 = arith.constant 0 : i32
      %dma_wait3A_362 = tpu.memref_slice %arg6[%dma_wait3A_360, %dma_wait3A_361] : memref<16x128xi32, #tpu.memory_space<vmem>> -> memref<1x128xi32, #tpu.memory_space<vmem>>
      %dma_wait3A_363 = tpu.memref_squeeze %dma_wait3A_362 : memref<1x128xi32, #tpu.memory_space<vmem>> -> memref<128xi32, #tpu.memory_space<vmem>>
      %dma_wait3A_364 = arith.constant 0 : i32
      %dma_wait3A_365 = arith.constant 0 : i32
      %dma_wait3A_366 = tpu.memref_slice %arg2[%dma_wait3A_364, %dma_wait3A_365] : memref<10112x128xf32, #tpu.memory_space<hbm>> -> memref<10112x128xf32, #tpu.memory_space<hbm>>
      tpu.wait_indirect_dma semaphore(%arg11 : memref<!tpu.dma_semaphore, #tpu.memory_space<semaphore_mem>>) src(%dma_wait3A_366 : memref<10112x128xf32, #tpu.memory_space<hbm>>) dst(%arg7 : memref<128x128xf32, #tpu.memory_space<vmem>>)
      %dma_start3A_367 = arith.constant 10 : i32
      %dma_start3A_368 = arith.constant 0 : i32
      %dma_start3A_369 = tpu.memref_slice %arg6[%dma_start3A_367, %dma_start3A_368] : memref<16x128xi32, #tpu.memory_space<vmem>> -> memref<1x128xi32, #tpu.memory_space<vmem>>
      %dma_start3A_370 = tpu.memref_squeeze %dma_start3A_369 : memref<1x128xi32, #tpu.memory_space<vmem>> -> memref<128xi32, #tpu.memory_space<vmem>>
      %dma_start3A_371 = arith.constant 0 : i32
      %dma_start3A_372 = arith.constant 0 : i32
      %dma_start3A_373 = tpu.memref_slice %arg15[%dma_start3A_371, %dma_start3A_372] : memref<10112x128xf32, #tpu.memory_space<vmem_shared>> -> memref<10112x128xf32, #tpu.memory_space<vmem_shared>>
      tpu.enqueue_indirect_dma source(%arg7 : memref<128x128xf32, #tpu.memory_space<vmem>>) target(%dma_start3A_373 : memref<10112x128xf32, #tpu.memory_space<vmem_shared>>) offsets(%dma_start3A_370 : memref<128xi32, #tpu.memory_space<vmem>>) semaphore(%arg13 : memref<!tpu.dma_semaphore, #tpu.memory_space<semaphore_mem>>) {add = true}
      %dma_wait3A_374 = arith.constant 3 : i32
      %dma_wait3A_375 = arith.constant 0 : i32
      %dma_wait3A_376 = tpu.memref_slice %arg6[%dma_wait3A_374, %dma_wait3A_375] : memref<16x128xi32, #tpu.memory_space<vmem>> -> memref<1x128xi32, #tpu.memory_space<vmem>>
      %dma_wait3A_377 = tpu.memref_squeeze %dma_wait3A_376 : memref<1x128xi32, #tpu.memory_space<vmem>> -> memref<128xi32, #tpu.memory_space<vmem>>
      %dma_wait3A_378 = arith.constant 0 : i32
      %dma_wait3A_379 = arith.constant 0 : i32
      %dma_wait3A_380 = tpu.memref_slice %arg2[%dma_wait3A_378, %dma_wait3A_379] : memref<10112x128xf32, #tpu.memory_space<hbm>> -> memref<10112x128xf32, #tpu.memory_space<hbm>>
      tpu.wait_indirect_dma semaphore(%arg12 : memref<!tpu.dma_semaphore, #tpu.memory_space<semaphore_mem>>) src(%dma_wait3A_380 : memref<10112x128xf32, #tpu.memory_space<hbm>>) dst(%arg8 : memref<128x128xf32, #tpu.memory_space<vmem>>)
      %dma_start3A_381 = arith.constant 11 : i32
      %dma_start3A_382 = arith.constant 0 : i32
      %dma_start3A_383 = tpu.memref_slice %arg6[%dma_start3A_381, %dma_start3A_382] : memref<16x128xi32, #tpu.memory_space<vmem>> -> memref<1x128xi32, #tpu.memory_space<vmem>>
      %dma_start3A_384 = tpu.memref_squeeze %dma_start3A_383 : memref<1x128xi32, #tpu.memory_space<vmem>> -> memref<128xi32, #tpu.memory_space<vmem>>
      %dma_start3A_385 = arith.constant 0 : i32
      %dma_start3A_386 = arith.constant 0 : i32
      %dma_start3A_387 = tpu.memref_slice %arg15[%dma_start3A_385, %dma_start3A_386] : memref<10112x128xf32, #tpu.memory_space<vmem_shared>> -> memref<10112x128xf32, #tpu.memory_space<vmem_shared>>
      tpu.enqueue_indirect_dma source(%arg8 : memref<128x128xf32, #tpu.memory_space<vmem>>) target(%dma_start3A_387 : memref<10112x128xf32, #tpu.memory_space<vmem_shared>>) offsets(%dma_start3A_384 : memref<128xi32, #tpu.memory_space<vmem>>) semaphore(%arg14 : memref<!tpu.dma_semaphore, #tpu.memory_space<semaphore_mem>>) {add = true}
      %dma_wait3A_388 = arith.constant 10 : i32
      %dma_wait3A_389 = arith.constant 0 : i32
      %dma_wait3A_390 = tpu.memref_slice %arg6[%dma_wait3A_388, %dma_wait3A_389] : memref<16x128xi32, #tpu.memory_space<vmem>> -> memref<1x128xi32, #tpu.memory_space<vmem>>
      %dma_wait3A_391 = tpu.memref_squeeze %dma_wait3A_390 : memref<1x128xi32, #tpu.memory_space<vmem>> -> memref<128xi32, #tpu.memory_space<vmem>>
      %dma_wait3A_392 = arith.constant 0 : i32
      %dma_wait3A_393 = arith.constant 0 : i32
      %dma_wait3A_394 = tpu.memref_slice %arg15[%dma_wait3A_392, %dma_wait3A_393] : memref<10112x128xf32, #tpu.memory_space<vmem_shared>> -> memref<10112x128xf32, #tpu.memory_space<vmem_shared>>
      tpu.wait_indirect_dma semaphore(%arg13 : memref<!tpu.dma_semaphore, #tpu.memory_space<semaphore_mem>>) src(%arg7 : memref<128x128xf32, #tpu.memory_space<vmem>>) dst(%dma_wait3A_394 : memref<10112x128xf32, #tpu.memory_space<vmem_shared>>)
      %dma_start3A_395 = arith.constant 4 : i32
      %dma_start3A_396 = arith.constant 0 : i32
      %dma_start3A_397 = tpu.memref_slice %arg6[%dma_start3A_395, %dma_start3A_396] : memref<16x128xi32, #tpu.memory_space<vmem>> -> memref<1x128xi32, #tpu.memory_space<vmem>>
      %dma_start3A_398 = tpu.memref_squeeze %dma_start3A_397 : memref<1x128xi32, #tpu.memory_space<vmem>> -> memref<128xi32, #tpu.memory_space<vmem>>
      %dma_start3A_399 = arith.constant 0 : i32
      %dma_start3A_400 = arith.constant 0 : i32
      %dma_start3A_401 = tpu.memref_slice %arg2[%dma_start3A_399, %dma_start3A_400] : memref<10112x128xf32, #tpu.memory_space<hbm>> -> memref<10112x128xf32, #tpu.memory_space<hbm>>
      tpu.enqueue_indirect_dma source(%dma_start3A_401 : memref<10112x128xf32, #tpu.memory_space<hbm>>) target(%arg7 : memref<128x128xf32, #tpu.memory_space<vmem>>) offsets(%dma_start3A_398 : memref<128xi32, #tpu.memory_space<vmem>>) semaphore(%arg11 : memref<!tpu.dma_semaphore, #tpu.memory_space<semaphore_mem>>)
      %dma_wait3A_402 = arith.constant 11 : i32
      %dma_wait3A_403 = arith.constant 0 : i32
      %dma_wait3A_404 = tpu.memref_slice %arg6[%dma_wait3A_402, %dma_wait3A_403] : memref<16x128xi32, #tpu.memory_space<vmem>> -> memref<1x128xi32, #tpu.memory_space<vmem>>
      %dma_wait3A_405 = tpu.memref_squeeze %dma_wait3A_404 : memref<1x128xi32, #tpu.memory_space<vmem>> -> memref<128xi32, #tpu.memory_space<vmem>>
      %dma_wait3A_406 = arith.constant 0 : i32
      %dma_wait3A_407 = arith.constant 0 : i32
      %dma_wait3A_408 = tpu.memref_slice %arg15[%dma_wait3A_406, %dma_wait3A_407] : memref<10112x128xf32, #tpu.memory_space<vmem_shared>> -> memref<10112x128xf32, #tpu.memory_space<vmem_shared>>
      tpu.wait_indirect_dma semaphore(%arg14 : memref<!tpu.dma_semaphore, #tpu.memory_space<semaphore_mem>>) src(%arg8 : memref<128x128xf32, #tpu.memory_space<vmem>>) dst(%dma_wait3A_408 : memref<10112x128xf32, #tpu.memory_space<vmem_shared>>)
      %dma_start3A_409 = arith.constant 5 : i32
      %dma_start3A_410 = arith.constant 0 : i32
      %dma_start3A_411 = tpu.memref_slice %arg6[%dma_start3A_409, %dma_start3A_410] : memref<16x128xi32, #tpu.memory_space<vmem>> -> memref<1x128xi32, #tpu.memory_space<vmem>>
      %dma_start3A_412 = tpu.memref_squeeze %dma_start3A_411 : memref<1x128xi32, #tpu.memory_space<vmem>> -> memref<128xi32, #tpu.memory_space<vmem>>
      %dma_start3A_413 = arith.constant 0 : i32
      %dma_start3A_414 = arith.constant 0 : i32
      %dma_start3A_415 = tpu.memref_slice %arg2[%dma_start3A_413, %dma_start3A_414] : memref<10112x128xf32, #tpu.memory_space<hbm>> -> memref<10112x128xf32, #tpu.memory_space<hbm>>
      tpu.enqueue_indirect_dma source(%dma_start3A_415 : memref<10112x128xf32, #tpu.memory_space<hbm>>) target(%arg8 : memref<128x128xf32, #tpu.memory_space<vmem>>) offsets(%dma_start3A_412 : memref<128xi32, #tpu.memory_space<vmem>>) semaphore(%arg12 : memref<!tpu.dma_semaphore, #tpu.memory_space<semaphore_mem>>)
      %dma_wait3A_416 = arith.constant 4 : i32
      %dma_wait3A_417 = arith.constant 0 : i32
      %dma_wait3A_418 = tpu.memref_slice %arg6[%dma_wait3A_416, %dma_wait3A_417] : memref<16x128xi32, #tpu.memory_space<vmem>> -> memref<1x128xi32, #tpu.memory_space<vmem>>
      %dma_wait3A_419 = tpu.memref_squeeze %dma_wait3A_418 : memref<1x128xi32, #tpu.memory_space<vmem>> -> memref<128xi32, #tpu.memory_space<vmem>>
      %dma_wait3A_420 = arith.constant 0 : i32
      %dma_wait3A_421 = arith.constant 0 : i32
      %dma_wait3A_422 = tpu.memref_slice %arg2[%dma_wait3A_420, %dma_wait3A_421] : memref<10112x128xf32, #tpu.memory_space<hbm>> -> memref<10112x128xf32, #tpu.memory_space<hbm>>
      tpu.wait_indirect_dma semaphore(%arg11 : memref<!tpu.dma_semaphore, #tpu.memory_space<semaphore_mem>>) src(%dma_wait3A_422 : memref<10112x128xf32, #tpu.memory_space<hbm>>) dst(%arg7 : memref<128x128xf32, #tpu.memory_space<vmem>>)
      %dma_start3A_423 = arith.constant 12 : i32
      %dma_start3A_424 = arith.constant 0 : i32
      %dma_start3A_425 = tpu.memref_slice %arg6[%dma_start3A_423, %dma_start3A_424] : memref<16x128xi32, #tpu.memory_space<vmem>> -> memref<1x128xi32, #tpu.memory_space<vmem>>
      %dma_start3A_426 = tpu.memref_squeeze %dma_start3A_425 : memref<1x128xi32, #tpu.memory_space<vmem>> -> memref<128xi32, #tpu.memory_space<vmem>>
      %dma_start3A_427 = arith.constant 0 : i32
      %dma_start3A_428 = arith.constant 0 : i32
      %dma_start3A_429 = tpu.memref_slice %arg15[%dma_start3A_427, %dma_start3A_428] : memref<10112x128xf32, #tpu.memory_space<vmem_shared>> -> memref<10112x128xf32, #tpu.memory_space<vmem_shared>>
      tpu.enqueue_indirect_dma source(%arg7 : memref<128x128xf32, #tpu.memory_space<vmem>>) target(%dma_start3A_429 : memref<10112x128xf32, #tpu.memory_space<vmem_shared>>) offsets(%dma_start3A_426 : memref<128xi32, #tpu.memory_space<vmem>>) semaphore(%arg13 : memref<!tpu.dma_semaphore, #tpu.memory_space<semaphore_mem>>) {add = true}
      %dma_wait3A_430 = arith.constant 5 : i32
      %dma_wait3A_431 = arith.constant 0 : i32
      %dma_wait3A_432 = tpu.memref_slice %arg6[%dma_wait3A_430, %dma_wait3A_431] : memref<16x128xi32, #tpu.memory_space<vmem>> -> memref<1x128xi32, #tpu.memory_space<vmem>>
      %dma_wait3A_433 = tpu.memref_squeeze %dma_wait3A_432 : memref<1x128xi32, #tpu.memory_space<vmem>> -> memref<128xi32, #tpu.memory_space<vmem>>
      %dma_wait3A_434 = arith.constant 0 : i32
      %dma_wait3A_435 = arith.constant 0 : i32
      %dma_wait3A_436 = tpu.memref_slice %arg2[%dma_wait3A_434, %dma_wait3A_435] : memref<10112x128xf32, #tpu.memory_space<hbm>> -> memref<10112x128xf32, #tpu.memory_space<hbm>>
      tpu.wait_indirect_dma semaphore(%arg12 : memref<!tpu.dma_semaphore, #tpu.memory_space<semaphore_mem>>) src(%dma_wait3A_436 : memref<10112x128xf32, #tpu.memory_space<hbm>>) dst(%arg8 : memref<128x128xf32, #tpu.memory_space<vmem>>)
      %dma_start3A_437 = arith.constant 13 : i32
      %dma_start3A_438 = arith.constant 0 : i32
      %dma_start3A_439 = tpu.memref_slice %arg6[%dma_start3A_437, %dma_start3A_438] : memref<16x128xi32, #tpu.memory_space<vmem>> -> memref<1x128xi32, #tpu.memory_space<vmem>>
      %dma_start3A_440 = tpu.memref_squeeze %dma_start3A_439 : memref<1x128xi32, #tpu.memory_space<vmem>> -> memref<128xi32, #tpu.memory_space<vmem>>
      %dma_start3A_441 = arith.constant 0 : i32
      %dma_start3A_442 = arith.constant 0 : i32
      %dma_start3A_443 = tpu.memref_slice %arg15[%dma_start3A_441, %dma_start3A_442] : memref<10112x128xf32, #tpu.memory_space<vmem_shared>> -> memref<10112x128xf32, #tpu.memory_space<vmem_shared>>
      tpu.enqueue_indirect_dma source(%arg8 : memref<128x128xf32, #tpu.memory_space<vmem>>) target(%dma_start3A_443 : memref<10112x128xf32, #tpu.memory_space<vmem_shared>>) offsets(%dma_start3A_440 : memref<128xi32, #tpu.memory_space<vmem>>) semaphore(%arg14 : memref<!tpu.dma_semaphore, #tpu.memory_space<semaphore_mem>>) {add = true}
      %dma_wait3A_444 = arith.constant 12 : i32
      %dma_wait3A_445 = arith.constant 0 : i32
      %dma_wait3A_446 = tpu.memref_slice %arg6[%dma_wait3A_444, %dma_wait3A_445] : memref<16x128xi32, #tpu.memory_space<vmem>> -> memref<1x128xi32, #tpu.memory_space<vmem>>
      %dma_wait3A_447 = tpu.memref_squeeze %dma_wait3A_446 : memref<1x128xi32, #tpu.memory_space<vmem>> -> memref<128xi32, #tpu.memory_space<vmem>>
      %dma_wait3A_448 = arith.constant 0 : i32
      %dma_wait3A_449 = arith.constant 0 : i32
      %dma_wait3A_450 = tpu.memref_slice %arg15[%dma_wait3A_448, %dma_wait3A_449] : memref<10112x128xf32, #tpu.memory_space<vmem_shared>> -> memref<10112x128xf32, #tpu.memory_space<vmem_shared>>
      tpu.wait_indirect_dma semaphore(%arg13 : memref<!tpu.dma_semaphore, #tpu.memory_space<semaphore_mem>>) src(%arg7 : memref<128x128xf32, #tpu.memory_space<vmem>>) dst(%dma_wait3A_450 : memref<10112x128xf32, #tpu.memory_space<vmem_shared>>)
      %dma_start3A_451 = arith.constant 6 : i32
      %dma_start3A_452 = arith.constant 0 : i32
      %dma_start3A_453 = tpu.memref_slice %arg6[%dma_start3A_451, %dma_start3A_452] : memref<16x128xi32, #tpu.memory_space<vmem>> -> memref<1x128xi32, #tpu.memory_space<vmem>>
      %dma_start3A_454 = tpu.memref_squeeze %dma_start3A_453 : memref<1x128xi32, #tpu.memory_space<vmem>> -> memref<128xi32, #tpu.memory_space<vmem>>
      %dma_start3A_455 = arith.constant 0 : i32
      %dma_start3A_456 = arith.constant 0 : i32
      %dma_start3A_457 = tpu.memref_slice %arg2[%dma_start3A_455, %dma_start3A_456] : memref<10112x128xf32, #tpu.memory_space<hbm>> -> memref<10112x128xf32, #tpu.memory_space<hbm>>
      tpu.enqueue_indirect_dma source(%dma_start3A_457 : memref<10112x128xf32, #tpu.memory_space<hbm>>) target(%arg7 : memref<128x128xf32, #tpu.memory_space<vmem>>) offsets(%dma_start3A_454 : memref<128xi32, #tpu.memory_space<vmem>>) semaphore(%arg11 : memref<!tpu.dma_semaphore, #tpu.memory_space<semaphore_mem>>)
      %dma_wait3A_458 = arith.constant 13 : i32
      %dma_wait3A_459 = arith.constant 0 : i32
      %dma_wait3A_460 = tpu.memref_slice %arg6[%dma_wait3A_458, %dma_wait3A_459] : memref<16x128xi32, #tpu.memory_space<vmem>> -> memref<1x128xi32, #tpu.memory_space<vmem>>
      %dma_wait3A_461 = tpu.memref_squeeze %dma_wait3A_460 : memref<1x128xi32, #tpu.memory_space<vmem>> -> memref<128xi32, #tpu.memory_space<vmem>>
      %dma_wait3A_462 = arith.constant 0 : i32
      %dma_wait3A_463 = arith.constant 0 : i32
      %dma_wait3A_464 = tpu.memref_slice %arg15[%dma_wait3A_462, %dma_wait3A_463] : memref<10112x128xf32, #tpu.memory_space<vmem_shared>> -> memref<10112x128xf32, #tpu.memory_space<vmem_shared>>
      tpu.wait_indirect_dma semaphore(%arg14 : memref<!tpu.dma_semaphore, #tpu.memory_space<semaphore_mem>>) src(%arg8 : memref<128x128xf32, #tpu.memory_space<vmem>>) dst(%dma_wait3A_464 : memref<10112x128xf32, #tpu.memory_space<vmem_shared>>)
      %dma_start3A_465 = arith.constant 7 : i32
      %dma_start3A_466 = arith.constant 0 : i32
      %dma_start3A_467 = tpu.memref_slice %arg6[%dma_start3A_465, %dma_start3A_466] : memref<16x128xi32, #tpu.memory_space<vmem>> -> memref<1x128xi32, #tpu.memory_space<vmem>>
      %dma_start3A_468 = tpu.memref_squeeze %dma_start3A_467 : memref<1x128xi32, #tpu.memory_space<vmem>> -> memref<128xi32, #tpu.memory_space<vmem>>
      %dma_start3A_469 = arith.constant 0 : i32
      %dma_start3A_470 = arith.constant 0 : i32
      %dma_start3A_471 = tpu.memref_slice %arg2[%dma_start3A_469, %dma_start3A_470] : memref<10112x128xf32, #tpu.memory_space<hbm>> -> memref<10112x128xf32, #tpu.memory_space<hbm>>
      tpu.enqueue_indirect_dma source(%dma_start3A_471 : memref<10112x128xf32, #tpu.memory_space<hbm>>) target(%arg8 : memref<128x128xf32, #tpu.memory_space<vmem>>) offsets(%dma_start3A_468 : memref<128xi32, #tpu.memory_space<vmem>>) semaphore(%arg12 : memref<!tpu.dma_semaphore, #tpu.memory_space<semaphore_mem>>)
      %dma_wait3A_472 = arith.constant 6 : i32
      %dma_wait3A_473 = arith.constant 0 : i32
      %dma_wait3A_474 = tpu.memref_slice %arg6[%dma_wait3A_472, %dma_wait3A_473] : memref<16x128xi32, #tpu.memory_space<vmem>> -> memref<1x128xi32, #tpu.memory_space<vmem>>
      %dma_wait3A_475 = tpu.memref_squeeze %dma_wait3A_474 : memref<1x128xi32, #tpu.memory_space<vmem>> -> memref<128xi32, #tpu.memory_space<vmem>>
      %dma_wait3A_476 = arith.constant 0 : i32
      %dma_wait3A_477 = arith.constant 0 : i32
      %dma_wait3A_478 = tpu.memref_slice %arg2[%dma_wait3A_476, %dma_wait3A_477] : memref<10112x128xf32, #tpu.memory_space<hbm>> -> memref<10112x128xf32, #tpu.memory_space<hbm>>
      tpu.wait_indirect_dma semaphore(%arg11 : memref<!tpu.dma_semaphore, #tpu.memory_space<semaphore_mem>>) src(%dma_wait3A_478 : memref<10112x128xf32, #tpu.memory_space<hbm>>) dst(%arg7 : memref<128x128xf32, #tpu.memory_space<vmem>>)
      %dma_start3A_479 = arith.constant 14 : i32
      %dma_start3A_480 = arith.constant 0 : i32
      %dma_start3A_481 = tpu.memref_slice %arg6[%dma_start3A_479, %dma_start3A_480] : memref<16x128xi32, #tpu.memory_space<vmem>> -> memref<1x128xi32, #tpu.memory_space<vmem>>
      %dma_start3A_482 = tpu.memref_squeeze %dma_start3A_481 : memref<1x128xi32, #tpu.memory_space<vmem>> -> memref<128xi32, #tpu.memory_space<vmem>>
      %dma_start3A_483 = arith.constant 0 : i32
      %dma_start3A_484 = arith.constant 0 : i32
      %dma_start3A_485 = tpu.memref_slice %arg15[%dma_start3A_483, %dma_start3A_484] : memref<10112x128xf32, #tpu.memory_space<vmem_shared>> -> memref<10112x128xf32, #tpu.memory_space<vmem_shared>>
      tpu.enqueue_indirect_dma source(%arg7 : memref<128x128xf32, #tpu.memory_space<vmem>>) target(%dma_start3A_485 : memref<10112x128xf32, #tpu.memory_space<vmem_shared>>) offsets(%dma_start3A_482 : memref<128xi32, #tpu.memory_space<vmem>>) semaphore(%arg13 : memref<!tpu.dma_semaphore, #tpu.memory_space<semaphore_mem>>) {add = true}
      %dma_wait3A_486 = arith.constant 7 : i32
      %dma_wait3A_487 = arith.constant 0 : i32
      %dma_wait3A_488 = tpu.memref_slice %arg6[%dma_wait3A_486, %dma_wait3A_487] : memref<16x128xi32, #tpu.memory_space<vmem>> -> memref<1x128xi32, #tpu.memory_space<vmem>>
      %dma_wait3A_489 = tpu.memref_squeeze %dma_wait3A_488 : memref<1x128xi32, #tpu.memory_space<vmem>> -> memref<128xi32, #tpu.memory_space<vmem>>
      %dma_wait3A_490 = arith.constant 0 : i32
      %dma_wait3A_491 = arith.constant 0 : i32
      %dma_wait3A_492 = tpu.memref_slice %arg2[%dma_wait3A_490, %dma_wait3A_491] : memref<10112x128xf32, #tpu.memory_space<hbm>> -> memref<10112x128xf32, #tpu.memory_space<hbm>>
      tpu.wait_indirect_dma semaphore(%arg12 : memref<!tpu.dma_semaphore, #tpu.memory_space<semaphore_mem>>) src(%dma_wait3A_492 : memref<10112x128xf32, #tpu.memory_space<hbm>>) dst(%arg8 : memref<128x128xf32, #tpu.memory_space<vmem>>)
      %dma_start3A_493 = arith.constant 15 : i32
      %dma_start3A_494 = arith.constant 0 : i32
      %dma_start3A_495 = tpu.memref_slice %arg6[%dma_start3A_493, %dma_start3A_494] : memref<16x128xi32, #tpu.memory_space<vmem>> -> memref<1x128xi32, #tpu.memory_space<vmem>>
      %dma_start3A_496 = tpu.memref_squeeze %dma_start3A_495 : memref<1x128xi32, #tpu.memory_space<vmem>> -> memref<128xi32, #tpu.memory_space<vmem>>
      %dma_start3A_497 = arith.constant 0 : i32
      %dma_start3A_498 = arith.constant 0 : i32
      %dma_start3A_499 = tpu.memref_slice %arg15[%dma_start3A_497, %dma_start3A_498] : memref<10112x128xf32, #tpu.memory_space<vmem_shared>> -> memref<10112x128xf32, #tpu.memory_space<vmem_shared>>
      tpu.enqueue_indirect_dma source(%arg8 : memref<128x128xf32, #tpu.memory_space<vmem>>) target(%dma_start3A_499 : memref<10112x128xf32, #tpu.memory_space<vmem_shared>>) offsets(%dma_start3A_496 : memref<128xi32, #tpu.memory_space<vmem>>) semaphore(%arg14 : memref<!tpu.dma_semaphore, #tpu.memory_space<semaphore_mem>>) {add = true}
      %dma_wait3A_500 = arith.constant 14 : i32
      %dma_wait3A_501 = arith.constant 0 : i32
      %dma_wait3A_502 = tpu.memref_slice %arg6[%dma_wait3A_500, %dma_wait3A_501] : memref<16x128xi32, #tpu.memory_space<vmem>> -> memref<1x128xi32, #tpu.memory_space<vmem>>
      %dma_wait3A_503 = tpu.memref_squeeze %dma_wait3A_502 : memref<1x128xi32, #tpu.memory_space<vmem>> -> memref<128xi32, #tpu.memory_space<vmem>>
      %dma_wait3A_504 = arith.constant 0 : i32
      %dma_wait3A_505 = arith.constant 0 : i32
      %dma_wait3A_506 = tpu.memref_slice %arg15[%dma_wait3A_504, %dma_wait3A_505] : memref<10112x128xf32, #tpu.memory_space<vmem_shared>> -> memref<10112x128xf32, #tpu.memory_space<vmem_shared>>
      tpu.wait_indirect_dma semaphore(%arg13 : memref<!tpu.dma_semaphore, #tpu.memory_space<semaphore_mem>>) src(%arg7 : memref<128x128xf32, #tpu.memory_space<vmem>>) dst(%dma_wait3A_506 : memref<10112x128xf32, #tpu.memory_space<vmem_shared>>)
      %add3A_507 = arith.constant 2 : i32
      %add3A_508 = arith.addi %add3A_65, %add3A_507 : i32
      %lt3A_509 = arith.constant 10 : i32
      %lt3A_510 = arith.cmpi slt, %add3A_508, %lt3A_509 : i32
      %convert_element_type3A_511 = arith.extui %lt3A_510 : i1 to i32
      %cond3A_512 = arith.constant 0 : i32
      %cond3A_513 = arith.cmpi ne, %convert_element_type3A_511, %cond3A_512 : i32
      scf.if %cond3A_513 {
        %add3A_535 = arith.constant 0 : i32
        %add3A_536 = arith.addi %mul3A_2, %add3A_535 : i32
        %mul3A_537 = arith.constant 2 : i32
        %mul3A_538 = arith.muli %add3A_536, %mul3A_537 : i32
        %mul3A_539 = arith.constant 8 : i32
        %mul3A_540 = arith.muli %mul3A_538, %mul3A_539 : i32
        %dma_wait3A_541 = arith.constant 0 : i32
        %dma_wait3A_542 = tpu.memref_slice %arg3[%mul3A_540, %dma_wait3A_541] : memref<5120x128xi32, #tpu.memory_space<hbm>> -> memref<16x128xi32, #tpu.memory_space<hbm>>
        %dma_wait3A_543 = arith.constant 0 : i32
        %dma_wait3A_544 = tpu.memref_slice %arg3[%mul3A_540, %dma_wait3A_543] : memref<5120x128xi32, #tpu.memory_space<hbm>> -> memref<16x128xi32, #tpu.memory_space<hbm>>
        tpu.wait_dma2 semaphore(%arg9 : memref<!tpu.dma_semaphore, #tpu.memory_space<semaphore_mem>>) src(%dma_wait3A_544 : memref<16x128xi32, #tpu.memory_space<hbm>>) dst(%arg5 : memref<16x128xi32, #tpu.memory_space<vmem>>)
        %dma_start3A_545 = arith.constant 0 : i32
        %dma_start3A_546 = arith.constant 0 : i32
        %dma_start3A_547 = tpu.memref_slice %arg5[%dma_start3A_545, %dma_start3A_546] : memref<16x128xi32, #tpu.memory_space<vmem>> -> memref<1x128xi32, #tpu.memory_space<vmem>>
        %dma_start3A_548 = tpu.memref_squeeze %dma_start3A_547 : memref<1x128xi32, #tpu.memory_space<vmem>> -> memref<128xi32, #tpu.memory_space<vmem>>
        %dma_start3A_549 = arith.constant 0 : i32
        %dma_start3A_550 = arith.constant 0 : i32
        %dma_start3A_551 = tpu.memref_slice %arg2[%dma_start3A_549, %dma_start3A_550] : memref<10112x128xf32, #tpu.memory_space<hbm>> -> memref<10112x128xf32, #tpu.memory_space<hbm>>
        tpu.enqueue_indirect_dma source(%dma_start3A_551 : memref<10112x128xf32, #tpu.memory_space<hbm>>) target(%arg7 : memref<128x128xf32, #tpu.memory_space<vmem>>) offsets(%dma_start3A_548 : memref<128xi32, #tpu.memory_space<vmem>>) semaphore(%arg11 : memref<!tpu.dma_semaphore, #tpu.memory_space<semaphore_mem>>)
      } else {
      }
      %dma_wait3A_514 = arith.constant 15 : i32
      %dma_wait3A_515 = arith.constant 0 : i32
      %dma_wait3A_516 = tpu.memref_slice %arg6[%dma_wait3A_514, %dma_wait3A_515] : memref<16x128xi32, #tpu.memory_space<vmem>> -> memref<1x128xi32, #tpu.memory_space<vmem>>
      %dma_wait3A_517 = tpu.memref_squeeze %dma_wait3A_516 : memref<1x128xi32, #tpu.memory_space<vmem>> -> memref<128xi32, #tpu.memory_space<vmem>>
      %dma_wait3A_518 = arith.constant 0 : i32
      %dma_wait3A_519 = arith.constant 0 : i32
      %dma_wait3A_520 = tpu.memref_slice %arg15[%dma_wait3A_518, %dma_wait3A_519] : memref<10112x128xf32, #tpu.memory_space<vmem_shared>> -> memref<10112x128xf32, #tpu.memory_space<vmem_shared>>
      tpu.wait_indirect_dma semaphore(%arg14 : memref<!tpu.dma_semaphore, #tpu.memory_space<semaphore_mem>>) src(%arg8 : memref<128x128xf32, #tpu.memory_space<vmem>>) dst(%dma_wait3A_520 : memref<10112x128xf32, #tpu.memory_space<vmem_shared>>)
      %add3A_521 = arith.constant 2 : i32
      %add3A_522 = arith.addi %add3A_65, %add3A_521 : i32
      %lt3A_523 = arith.constant 10 : i32
      %lt3A_524 = arith.cmpi slt, %add3A_522, %lt3A_523 : i32
      %convert_element_type3A_525 = arith.extui %lt3A_524 : i1 to i32
      %cond3A_526 = arith.constant 0 : i32
      %cond3A_527 = arith.cmpi ne, %convert_element_type3A_525, %cond3A_526 : i32
      scf.if %cond3A_527 {
        %dma_start3A_535 = arith.constant 1 : i32
        %dma_start3A_536 = arith.constant 0 : i32
        %dma_start3A_537 = tpu.memref_slice %arg5[%dma_start3A_535, %dma_start3A_536] : memref<16x128xi32, #tpu.memory_space<vmem>> -> memref<1x128xi32, #tpu.memory_space<vmem>>
        %dma_start3A_538 = tpu.memref_squeeze %dma_start3A_537 : memref<1x128xi32, #tpu.memory_space<vmem>> -> memref<128xi32, #tpu.memory_space<vmem>>
        %dma_start3A_539 = arith.constant 0 : i32
        %dma_start3A_540 = arith.constant 0 : i32
        %dma_start3A_541 = tpu.memref_slice %arg2[%dma_start3A_539, %dma_start3A_540] : memref<10112x128xf32, #tpu.memory_space<hbm>> -> memref<10112x128xf32, #tpu.memory_space<hbm>>
        tpu.enqueue_indirect_dma source(%dma_start3A_541 : memref<10112x128xf32, #tpu.memory_space<hbm>>) target(%arg8 : memref<128x128xf32, #tpu.memory_space<vmem>>) offsets(%dma_start3A_538 : memref<128xi32, #tpu.memory_space<vmem>>) semaphore(%arg12 : memref<!tpu.dma_semaphore, #tpu.memory_space<semaphore_mem>>)
      } else {
      }
      %add3A_528 = arith.constant 3 : i32
      %add3A_529 = arith.addi %add3A_65, %add3A_528 : i32
      %lt3A_530 = arith.constant 10 : i32
      %lt3A_531 = arith.cmpi slt, %add3A_529, %lt3A_530 : i32
      %convert_element_type3A_532 = arith.extui %lt3A_531 : i1 to i32
      %cond3A_533 = arith.constant 0 : i32
      %cond3A_534 = arith.cmpi ne, %convert_element_type3A_532, %cond3A_533 : i32
      scf.if %cond3A_534 {
        %add3A_535 = arith.constant 3 : i32
        %add3A_536 = arith.addi %add3A_65, %add3A_535 : i32
        %add3A_537 = arith.addi %mul3A_2, %add3A_536 : i32
        %mul3A_538 = arith.constant 2 : i32
        %mul3A_539 = arith.muli %add3A_537, %mul3A_538 : i32
        %mul3A_540 = arith.constant 8 : i32
        %mul3A_541 = arith.muli %mul3A_539, %mul3A_540 : i32
        %dma_start3A_542 = arith.constant 0 : i32
        %dma_start3A_543 = tpu.memref_slice %arg3[%mul3A_541, %dma_start3A_542] : memref<5120x128xi32, #tpu.memory_space<hbm>> -> memref<16x128xi32, #tpu.memory_space<hbm>>
        %dma_start3A_544 = arith.constant 0 : i32
        %dma_start3A_545 = tpu.memref_slice %arg3[%mul3A_541, %dma_start3A_544] : memref<5120x128xi32, #tpu.memory_space<hbm>> -> memref<16x128xi32, #tpu.memory_space<hbm>>
        tpu.enqueue_dma source(%dma_start3A_545 : memref<16x128xi32, #tpu.memory_space<hbm>>) target(%arg6 : memref<16x128xi32, #tpu.memory_space<vmem>>) target_semaphore(%arg10 : memref<!tpu.dma_semaphore, #tpu.memory_space<semaphore_mem>>)
      } else {
      }
    }
    %scan3A_52 = arith.constant 5 : i32
    %barrier3A_53 = arith.constant 0 : index
    tpu.barrier barrier_id(%barrier3A_53)
    %mul3A_54 = arith.constant 632 : i32
    %mul3A_55 = arith.muli %arg1, %mul3A_54 : i32
    %mul3A_56 = arith.constant 10112 : i32
    %mul3A_57 = arith.muli %arg0, %mul3A_56 : i32
    %mul3A_58 = arith.constant 632 : i32
    %mul3A_59 = arith.muli %arg1, %mul3A_58 : i32
    %add3A_60 = arith.addi %mul3A_57, %mul3A_59 : i32
    "tpu.region"() ({
      %run_scoped3A = tpu.sem_alloc : memref<!tpu.dma_semaphore, #tpu.memory_space<semaphore_mem>>
      %dma_start3A_61 = arith.constant 0 : i32
      %dma_start3A_62 = tpu.memref_slice %arg4[%add3A_60, %dma_start3A_61] : memref<20224x128xf32, #tpu.memory_space<hbm>> -> memref<632x128xf32, #tpu.memory_space<hbm>>
      %dma_start3A_63 = arith.constant 0 : i32
      %dma_start3A_64 = tpu.memref_slice %arg15[%mul3A_55, %dma_start3A_63] : memref<10112x128xf32, #tpu.memory_space<vmem_shared>> -> memref<632x128xf32, #tpu.memory_space<vmem_shared>>
      tpu.enqueue_dma source(%dma_start3A_64 : memref<632x128xf32, #tpu.memory_space<vmem_shared>>) target(%dma_start3A_62 : memref<632x128xf32, #tpu.memory_space<hbm>>) target_semaphore(%run_scoped3A : memref<!tpu.dma_semaphore, #tpu.memory_space<semaphore_mem>>)
      %dma_wait3A_65 = arith.constant 0 : i32
      %dma_wait3A_66 = tpu.memref_slice %arg4[%add3A_60, %dma_wait3A_65] : memref<20224x128xf32, #tpu.memory_space<hbm>> -> memref<632x128xf32, #tpu.memory_space<hbm>>
      %dma_wait3A_67 = arith.constant 0 : i32
      %dma_wait3A_68 = tpu.memref_slice %arg15[%mul3A_55, %dma_wait3A_67] : memref<10112x128xf32, #tpu.memory_space<vmem_shared>> -> memref<632x128xf32, #tpu.memory_space<vmem_shared>>
      tpu.wait_dma2 semaphore(%run_scoped3A : memref<!tpu.dma_semaphore, #tpu.memory_space<semaphore_mem>>) src(%dma_wait3A_68 : memref<632x128xf32, #tpu.memory_space<vmem_shared>>) dst(%dma_wait3A_66 : memref<632x128xf32, #tpu.memory_space<hbm>>)
      tpu.yield
    }) : () -> ()
    return
  }
}

module attributes {stable_mosaic.version = 14 : i64} {
  func.func @_tc1_body(%arg0: memref<20224x128xf32, #tpu.memory_space<vmem>>, %arg1: memref<10000x128xf32, #tpu.memory_space<vmem>>, %arg2: memref<128x256xf32, #tpu.memory_space<vmem>>, %arg3: memref<1x256xf32, #tpu.memory_space<vmem>>, %arg4: memref<256x256xf32, #tpu.memory_space<vmem>>, %arg5: memref<1x256xf32, #tpu.memory_space<vmem>>, %arg6: memref<1x256xf32, #tpu.memory_space<vmem>>, %arg7: memref<1x256xf32, #tpu.memory_space<vmem>>, %arg8: memref<256x128xf32, #tpu.memory_space<vmem>>, %arg9: memref<10112x128xf32, #tpu.memory_space<vmem>>) attributes {dimension_semantics = [], scalar_prefetch = 0 : i64, scratch_operands = 0 : i64, tpu.core_type = #tpu.core_type<tc>} {
    %get3A = arith.constant 0 : index
    %get3A_0 = arith.constant 0 : index
    %get3A_1 = vector.load %arg0[%get3A, %get3A_0] : memref<20224x128xf32, #tpu.memory_space<vmem>>, vector<10000x128xf32>
    %get3A_2 = arith.constant 10112 : index
    %get3A_3 = arith.constant 0 : index
    %get3A_4 = vector.load %arg0[%get3A_2, %get3A_3] : memref<20224x128xf32, #tpu.memory_space<vmem>>, vector<10000x128xf32>
    %add3A = arith.addf %get3A_1, %get3A_4 : vector<10000x128xf32>
    %get3A_5 = arith.constant 0 : index
    %get3A_6 = arith.constant 0 : index
    %get3A_7 = vector.load %arg1[%get3A_5, %get3A_6] : memref<10000x128xf32, #tpu.memory_space<vmem>>, vector<10000x128xf32>
    %sub3A = arith.subf %add3A, %get3A_7 : vector<10000x128xf32>
    %get3A_8 = arith.constant 0 : index
    %get3A_9 = arith.constant 0 : index
    %get3A_10 = vector.load %arg2[%get3A_8, %get3A_9] : memref<128x256xf32, #tpu.memory_space<vmem>>, vector<128x256xf32>
    %dot_general3A = arith.constant dense<0.000000e+00> : vector<10000x256xf32>
    %dot_general3A_11 = tpu.matmul %sub3A, %get3A_10, %dot_general3A {dimension_numbers = #tpu.dot_dimension_numbers<[1], [0], [0], [1], [0, 0, 1, 1], [], []>, transpose_lhs_hint = false} : vector<10000x128xf32>, vector<128x256xf32>, vector<10000x256xf32> -> vector<10000x256xf32>
    %get3A_12 = arith.constant 0 : index
    %get3A_13 = arith.constant 0 : index
    %get3A_14 = vector.load %arg3[%get3A_12, %get3A_13] : memref<1x256xf32, #tpu.memory_space<vmem>>, vector<1x256xf32>
    %add3A_15 = vector.broadcast %get3A_14 : vector<1x256xf32> to vector<10000x256xf32>
    %add3A_16 = arith.addf %dot_general3A_11, %add3A_15 : vector<10000x256xf32>
    %max3A = arith.constant 0.000000e+00 : f32
    %max3A_17 = vector.broadcast %max3A : f32 to vector<10000x256xf32>
    %max3A_18 = arith.maximumf %add3A_16, %max3A_17 : vector<10000x256xf32>
    %get3A_19 = arith.constant 0 : index
    %get3A_20 = arith.constant 0 : index
    %get3A_21 = vector.load %arg4[%get3A_19, %get3A_20] : memref<256x256xf32, #tpu.memory_space<vmem>>, vector<256x256xf32>
    %dot_general3A_22 = arith.constant dense<0.000000e+00> : vector<10000x256xf32>
    %dot_general3A_23 = tpu.matmul %max3A_18, %get3A_21, %dot_general3A_22 {dimension_numbers = #tpu.dot_dimension_numbers<[1], [0], [0], [1], [0, 0, 1, 1], [], []>, transpose_lhs_hint = false} : vector<10000x256xf32>, vector<256x256xf32>, vector<10000x256xf32> -> vector<10000x256xf32>
    %get3A_24 = arith.constant 0 : index
    %get3A_25 = arith.constant 0 : index
    %get3A_26 = vector.load %arg5[%get3A_24, %get3A_25] : memref<1x256xf32, #tpu.memory_space<vmem>>, vector<1x256xf32>
    %add3A_27 = vector.broadcast %get3A_26 : vector<1x256xf32> to vector<10000x256xf32>
    %add3A_28 = arith.addf %dot_general3A_23, %add3A_27 : vector<10000x256xf32>
    %reduce_sum3A = arith.constant dense<0.000000e+00> : vector<256xf32>
    %reduce_sum3A_29 = vector.multi_reduction <add>, %add3A_28, %reduce_sum3A [0] : vector<10000x256xf32> to vector<256xf32>
    %broadcast_in_dim3A = vector.shape_cast %reduce_sum3A_29 : vector<256xf32> to vector<1x256xf32>
    %div3A = arith.constant 1.000000e+04 : f32
    %div3A_30 = vector.broadcast %div3A : f32 to vector<1x256xf32>
    %div3A_31 = arith.divf %broadcast_in_dim3A, %div3A_30 : vector<1x256xf32>
    %sub3A_32 = vector.broadcast %div3A_31 : vector<1x256xf32> to vector<10000x256xf32>
    %sub3A_33 = arith.subf %add3A_28, %sub3A_32 : vector<10000x256xf32>
    %sub3A_34 = vector.broadcast %div3A_31 : vector<1x256xf32> to vector<10000x256xf32>
    %sub3A_35 = arith.subf %add3A_28, %sub3A_34 : vector<10000x256xf32>
    %mul3A = arith.mulf %sub3A_33, %sub3A_35 : vector<10000x256xf32>
    %reduce_sum3A_36 = arith.constant dense<0.000000e+00> : vector<256xf32>
    %reduce_sum3A_37 = vector.multi_reduction <add>, %mul3A, %reduce_sum3A_36 [0] : vector<10000x256xf32> to vector<256xf32>
    %broadcast_in_dim3A_38 = vector.shape_cast %reduce_sum3A_37 : vector<256xf32> to vector<1x256xf32>
    %div3A_39 = arith.constant 1.000000e+04 : f32
    %div3A_40 = vector.broadcast %div3A_39 : f32 to vector<1x256xf32>
    %div3A_41 = arith.divf %broadcast_in_dim3A_38, %div3A_40 : vector<1x256xf32>
    %sub3A_42 = vector.broadcast %div3A_31 : vector<1x256xf32> to vector<10000x256xf32>
    %sub3A_43 = arith.subf %add3A_28, %sub3A_42 : vector<10000x256xf32>
    %add3A_44 = arith.constant 9.99999974E-6 : f32
    %add3A_45 = vector.broadcast %add3A_44 : f32 to vector<1x256xf32>
    %add3A_46 = arith.addf %div3A_41, %add3A_45 : vector<1x256xf32>
    %rsqrt3A = math.rsqrt %add3A_46 : vector<1x256xf32>
    %mul3A_47 = vector.broadcast %rsqrt3A : vector<1x256xf32> to vector<10000x256xf32>
    %mul3A_48 = arith.mulf %sub3A_43, %mul3A_47 : vector<10000x256xf32>
    %get3A_49 = arith.constant 0 : index
    %get3A_50 = arith.constant 0 : index
    %get3A_51 = vector.load %arg6[%get3A_49, %get3A_50] : memref<1x256xf32, #tpu.memory_space<vmem>>, vector<1x256xf32>
    %mul3A_52 = vector.broadcast %get3A_51 : vector<1x256xf32> to vector<10000x256xf32>
    %mul3A_53 = arith.mulf %mul3A_48, %mul3A_52 : vector<10000x256xf32>
    %get3A_54 = arith.constant 0 : index
    %get3A_55 = arith.constant 0 : index
    %get3A_56 = vector.load %arg7[%get3A_54, %get3A_55] : memref<1x256xf32, #tpu.memory_space<vmem>>, vector<1x256xf32>
    %add3A_57 = vector.broadcast %get3A_56 : vector<1x256xf32> to vector<10000x256xf32>
    %add3A_58 = arith.addf %mul3A_53, %add3A_57 : vector<10000x256xf32>
    %max3A_59 = arith.constant 0.000000e+00 : f32
    %max3A_60 = vector.broadcast %max3A_59 : f32 to vector<10000x256xf32>
    %max3A_61 = arith.maximumf %add3A_58, %max3A_60 : vector<10000x256xf32>
    %get3A_62 = arith.constant 0 : index
    %get3A_63 = arith.constant 0 : index
    %get3A_64 = vector.load %arg8[%get3A_62, %get3A_63] : memref<256x128xf32, #tpu.memory_space<vmem>>, vector<256x128xf32>
    %dot_general3A_65 = arith.constant dense<0.000000e+00> : vector<10000x128xf32>
    %dot_general3A_66 = tpu.matmul %max3A_61, %get3A_64, %dot_general3A_65 {dimension_numbers = #tpu.dot_dimension_numbers<[1], [0], [0], [1], [0, 0, 1, 1], [], []>, transpose_lhs_hint = false} : vector<10000x256xf32>, vector<256x128xf32>, vector<10000x128xf32> -> vector<10000x128xf32>
    %swap3A = arith.constant 0 : index
    %swap3A_67 = arith.constant 0 : index
    %swap3A_68 = vector.load %arg9[%swap3A, %swap3A_67] : memref<10112x128xf32, #tpu.memory_space<vmem>>, vector<10000x128xf32>
    tpu.vector_store %arg9[%swap3A, %swap3A_67], %dot_general3A_66 {strides = array<i32>} : memref<10112x128xf32, #tpu.memory_space<vmem>>, vector<10000x128xf32>,
    %broadcast_in_dim3A_69 = arith.constant 0.000000e+00 : f32
    %broadcast_in_dim3A_70 = vector.broadcast %broadcast_in_dim3A_69 : f32 to vector<112x128xf32>
    %swap3A_71 = arith.constant 10000 : index
    %swap3A_72 = arith.constant 0 : index
    %swap3A_73 = vector.load %arg9[%swap3A_71, %swap3A_72] : memref<10112x128xf32, #tpu.memory_space<vmem>>, vector<112x128xf32>
    tpu.vector_store %arg9[%swap3A_71, %swap3A_72], %broadcast_in_dim3A_70 {strides = array<i32>} : memref<10112x128xf32, #tpu.memory_space<vmem>>, vector<112x128xf32>,
    return
  }
}

module attributes {stable_mosaic.version = 14 : i64} {
  func.func @_tc2_body(%arg0: memref<20224x128xf32, #tpu.memory_space<vmem>>, %arg1: memref<10112x128xf32, #tpu.memory_space<vmem>>, %arg2: memref<1x128xf32, #tpu.memory_space<vmem>>, %arg3: memref<1x128xf32, #tpu.memory_space<vmem>>, %arg4: memref<1x128xf32, #tpu.memory_space<vmem>>, %arg5: memref<1x10000xi32, #tpu.memory_space<vmem>>, %arg6: memref<64x128xf32, #tpu.memory_space<vmem>>) attributes {dimension_semantics = [], scalar_prefetch = 0 : i64, scratch_operands = 0 : i64, tpu.core_type = #tpu.core_type<tc>} {
    %get3A = arith.constant 0 : index
    %get3A_0 = arith.constant 0 : index
    %get3A_1 = vector.load %arg0[%get3A, %get3A_0] : memref<20224x128xf32, #tpu.memory_space<vmem>>, vector<10000x128xf32>
    %get3A_2 = arith.constant 10112 : index
    %get3A_3 = arith.constant 0 : index
    %get3A_4 = vector.load %arg0[%get3A_2, %get3A_3] : memref<20224x128xf32, #tpu.memory_space<vmem>>, vector<10000x128xf32>
    %add3A = arith.addf %get3A_1, %get3A_4 : vector<10000x128xf32>
    %get3A_5 = arith.constant 0 : index
    %get3A_6 = arith.constant 0 : index
    %get3A_7 = vector.load %arg1[%get3A_5, %get3A_6] : memref<10112x128xf32, #tpu.memory_space<vmem>>, vector<10000x128xf32>
    %sub3A = arith.subf %add3A, %get3A_7 : vector<10000x128xf32>
    %get3A_8 = arith.constant 0 : index
    %get3A_9 = arith.constant 0 : index
    %get3A_10 = vector.load %arg2[%get3A_8, %get3A_9] : memref<1x128xf32, #tpu.memory_space<vmem>>, vector<1x128xf32>
    %add3A_11 = vector.broadcast %get3A_10 : vector<1x128xf32> to vector<10000x128xf32>
    %add3A_12 = arith.addf %sub3A, %add3A_11 : vector<10000x128xf32>
    %reduce_sum3A = arith.constant dense<0.000000e+00> : vector<128xf32>
    %reduce_sum3A_13 = vector.multi_reduction <add>, %add3A_12, %reduce_sum3A [0] : vector<10000x128xf32> to vector<128xf32>
    %broadcast_in_dim3A = vector.shape_cast %reduce_sum3A_13 : vector<128xf32> to vector<1x128xf32>
    %div3A = arith.constant 1.000000e+04 : f32
    %div3A_14 = vector.broadcast %div3A : f32 to vector<1x128xf32>
    %div3A_15 = arith.divf %broadcast_in_dim3A, %div3A_14 : vector<1x128xf32>
    %sub3A_16 = vector.broadcast %div3A_15 : vector<1x128xf32> to vector<10000x128xf32>
    %sub3A_17 = arith.subf %add3A_12, %sub3A_16 : vector<10000x128xf32>
    %sub3A_18 = vector.broadcast %div3A_15 : vector<1x128xf32> to vector<10000x128xf32>
    %sub3A_19 = arith.subf %add3A_12, %sub3A_18 : vector<10000x128xf32>
    %mul3A = arith.mulf %sub3A_17, %sub3A_19 : vector<10000x128xf32>
    %reduce_sum3A_20 = arith.constant dense<0.000000e+00> : vector<128xf32>
    %reduce_sum3A_21 = vector.multi_reduction <add>, %mul3A, %reduce_sum3A_20 [0] : vector<10000x128xf32> to vector<128xf32>
    %broadcast_in_dim3A_22 = vector.shape_cast %reduce_sum3A_21 : vector<128xf32> to vector<1x128xf32>
    %div3A_23 = arith.constant 1.000000e+04 : f32
    %div3A_24 = vector.broadcast %div3A_23 : f32 to vector<1x128xf32>
    %div3A_25 = arith.divf %broadcast_in_dim3A_22, %div3A_24 : vector<1x128xf32>
    %sub3A_26 = vector.broadcast %div3A_15 : vector<1x128xf32> to vector<10000x128xf32>
    %sub3A_27 = arith.subf %add3A_12, %sub3A_26 : vector<10000x128xf32>
    %add3A_28 = arith.constant 9.99999974E-6 : f32
    %add3A_29 = vector.broadcast %add3A_28 : f32 to vector<1x128xf32>
    %add3A_30 = arith.addf %div3A_25, %add3A_29 : vector<1x128xf32>
    %rsqrt3A = math.rsqrt %add3A_30 : vector<1x128xf32>
    %mul3A_31 = vector.broadcast %rsqrt3A : vector<1x128xf32> to vector<10000x128xf32>
    %mul3A_32 = arith.mulf %sub3A_27, %mul3A_31 : vector<10000x128xf32>
    %get3A_33 = arith.constant 0 : index
    %get3A_34 = arith.constant 0 : index
    %get3A_35 = vector.load %arg3[%get3A_33, %get3A_34] : memref<1x128xf32, #tpu.memory_space<vmem>>, vector<1x128xf32>
    %mul3A_36 = vector.broadcast %get3A_35 : vector<1x128xf32> to vector<10000x128xf32>
    %mul3A_37 = arith.mulf %mul3A_32, %mul3A_36 : vector<10000x128xf32>
    %get3A_38 = arith.constant 0 : index
    %get3A_39 = arith.constant 0 : index
    %get3A_40 = vector.load %arg4[%get3A_38, %get3A_39] : memref<1x128xf32, #tpu.memory_space<vmem>>, vector<1x128xf32>
    %add3A_41 = vector.broadcast %get3A_40 : vector<1x128xf32> to vector<10000x128xf32>
    %add3A_42 = arith.addf %mul3A_37, %add3A_41 : vector<10000x128xf32>
    %max3A = arith.constant 0.000000e+00 : f32
    %max3A_43 = vector.broadcast %max3A : f32 to vector<10000x128xf32>
    %max3A_44 = arith.maximumf %add3A_42, %max3A_43 : vector<10000x128xf32>
    %iota3A = tpu.iota {dimensions = array<i32: 0>} : vector<64x10000xi32>
    %get3A_45 = arith.constant 0 : index
    %get3A_46 = arith.constant 0 : index
    %get3A_47 = vector.load %arg5[%get3A_45, %get3A_46] : memref<1x10000xi32, #tpu.memory_space<vmem>>, vector<1x10000xi32>
    %broadcast_in_dim3A_48 = vector.shape_cast %get3A_47 : vector<1x10000xi32> to vector<1x10000xi32>
    %broadcast_in_dim3A_49 = vector.broadcast %broadcast_in_dim3A_48 : vector<1x10000xi32> to vector<64x10000xi32>
    %eq3A = arith.cmpi eq, %broadcast_in_dim3A_49, %iota3A : vector<64x10000xi32>
    %convert_element_type3A = arith.extui %eq3A : vector<64x10000xi1> to vector<64x10000xi32>
    %convert_element_type3A_50 = arith.sitofp %convert_element_type3A : vector<64x10000xi32> to vector<64x10000xf32>
    %dot_general3A = arith.constant dense<0.000000e+00> : vector<64x128xf32>
    %dot_general3A_51 = tpu.matmul %convert_element_type3A_50, %max3A_44, %dot_general3A {dimension_numbers = #tpu.dot_dimension_numbers<[1], [0], [0], [1], [0, 0, 1, 1], [], []>, transpose_lhs_hint = false} : vector<64x10000xf32>, vector<10000x128xf32>, vector<64x128xf32> -> vector<64x128xf32>
    %swap3A = arith.constant 0 : index
    %swap3A_52 = arith.constant 0 : index
    %swap3A_53 = vector.load %arg6[%swap3A, %swap3A_52] : memref<64x128xf32, #tpu.memory_space<vmem>>, vector<64x128xf32>
    tpu.vector_store %arg6[%swap3A, %swap3A_52], %dot_general3A_51 {strides = array<i32>} : memref<64x128xf32, #tpu.memory_space<vmem>>, vector<64x128xf32>,
    return
  }
}

</mosaic_0001>

<sc_bundles>
// kernel: kernel.6.cloned.1.call-start
scs
__scs_entry_jumppad:
0x0: {  	(pc) =	sbr.rel $0x88, $3  }
0x1: {  	(tag) =	ssettag $0x0;
	lr =	simm.s32 $0x1  }
0x2: {  	[smem:$0x3F94] =	sst lr;
	_ =	strace $0xD0000000  }
0x3: {  	_ = 	snop  }
0x4: {  	_ = 	snop  }
0x5: {  	_ = 	snop  }
0x6: {  	_ = 	snop  }
0x7: {  	_ = 	snop  }
__scs_overlays_trampoline_lowered:
0x8: {  	[smem:$0x3FA3] =	sst s0  }
0x9: {  	[smem:$0x3FA4] =	sst s1  }
0xa: {  	[smem:$0x3FA5] =	sst s2  }
0xb: {  	[smem:$0x3FA6] =	sst s3  }
0xc: {  	[smem:$0x3FA7] =	sst s4  }
0xd: {  	[smem:$0x3FA8] =	sst s5  }
0xe: {  	[smem:$0x3FA9] =	sst s6  }
0xf: {  	[smem:$0x3FAA] =	sst s7  }
0x10: {  	[smem:$0x3FAB] =	sst s8  }
0x11: {  	[smem:$0x3FAC] =	sst s9;
	s0 =	simm.s32 @!p0 $0x0  }
0x12: {  	s1 =	sld [smem:$0x3F92];
	s0 =	simm.s32 @p0 $0x1  }
0x13: {  	[smem:$0x3FAD] =	sst s0;
	s0 =	simm.s32 @!p1 $0x0  }
0x14: {  	s2 =	sld [smem:$0x3F91];
	s0 =	simm.s32 @p1 $0x1  }
0x15: {  	[smem:$0x3FAE] =	sst s0;
	s0 =	simm.s32 @!p2 $0x0  }
0x16: {  	s3 =	sld [smem:$0x3FDB];
	s0 =	simm.s32 @p2 $0x1  }
0x17: {  	s4 =	simm.s32 $0x1BF5;
	[smem:$0x3FB0] =	sst s0  }
0x18: {  	s0 =	sld [smem:$0x3F93];
	_ =	swait.ge [sflag:s4], $0x0  }
0x19: {  	s7 =	sld [smem:$0x3F94]  }
0x1a: {  	s8 =	sadd.s32 $0xFFFFE003, lr  }
0x1b: {  	s9 =	sadd.s32 $0xFFFFFEF7, lr;
	s5 =	simm.s32 $0xFFFFFFFF;
	p2 =	slt.u32 s8, $0xFFFFF086  }
0x1c: {  	p1 =	slt.u32 s9, $0xF7A;
	s5 =	simm.s32 @!p2 $0x0  }
0x1d: {  	s5 =	simm.s32 @p1 $0x1;
	p0 =	seq.s32 s7, s2  }
0x1e: {  	s7 =	smul.u32 @!p0 $0xF7A, s2;
	p2 =	seq.s32 @!p0 s5, $0x0  }
0x1f: {  	s9 =	smul.u32 $0xF7A, s1;
	s8 =	simm.s32 @!p0 $0x1BF5;
	p2 =	por !p2, p0  }
0x20: {  	[sflag:s8] =	ssyncset.s32 @!p0 $0xFFFFF086;
	s6 =	sadd.s32 @!p0 s3, s7;
	s7 =	simm.s32 @!p0 $0x108  }
0x21: {  	s3 =	sadd.s32 s3, s9;
	s6 =	sadd.s32 @!p0 $0x88, s6;
	s7 =	simm.s32 @p2 $0x1082  }
0x22: {  	[simem:s7], [sflag:s8] =	dma.local @!p0 [hbm:s6], $0xF7A  }
0x23: {  	s9 =	sor.u32 $0xD0000000, s2;
	s6 =	simm.s32 $0x108;
	_ =	swait.ge @!p0 [sflag:s8], $0x0  }
0x24: {  	s3 =	sadd.s32 $0x88, s3;
	s6 =	simm.s32 @!p1 $0x1082;
	[sflag:s4] =	ssyncset.s32 $0xFFFFF086  }
0x25: {  	[simem:s6], [sflag:s4] =	dma.local [hbm:s3], $0xF7A  }
0x26: {  	[smem:$0x3F94] =	sst s1;
	(tag) =	ssettag s2;
	_ =	strace s9  }
0x27: {  	s1 =	sld [smem:$0x3FA4]  }
0x28: {  	s2 =	sld [smem:$0x3FA5]  }
0x29: {  	s4 =	sld [smem:$0x3FA7]  }
0x2a: {  	p0 =	seq.s32 s5, $0x0;
	s5 =	sld [smem:$0x3FA8]  }
0x2b: {  	s6 =	sld [smem:$0x3FA9]  }
0x2c: {  	s7 =	sld [smem:$0x3FAA]  }
0x2d: {  	s3 =	simm.s32 $0x108;
	s8 =	sld [smem:$0x3FAB]  }
0x2e: {  	s3 =	simm.s32 @!p0 $0x1082;
	s9 =	sld [smem:$0x3FAC]  }
0x2f: {  	lr =	sadd.s32 s0, s3;
	s0 =	sld [smem:$0x3FA3]  }
0x30: {  	s3 =	sld [smem:$0x3FA6]  }
0x31: {  	[smem:$0x3FAF] =	sst s10  }
0x32: {  	s10 =	sld [smem:$0x3FAD];
	_ =	sdelay $0x3  }
0x33: {  	p0 =	seq.s32 s10, $0x1;
	s10 =	sld [smem:$0x3FAF];
	_ =	sdelay $0x3  }
0x34: {  	[smem:$0x3FAF] =	sst s10  }
0x35: {  	s10 =	sld [smem:$0x3FAE];
	_ =	sdelay $0x3  }
0x36: {  	p1 =	seq.s32 s10, $0x1;
	s10 =	sld [smem:$0x3FAF];
	_ =	sdelay $0x3  }
0x37: {  	[smem:$0x3FAF] =	sst s10  }
0x38: {  	s10 =	sld [smem:$0x3FB0]  }
0x39: {  	_ = 	snop;
	(pc) =	sbr.ind lr, $3  }
0x3a: {  	_ = 	snop  }
0x3b: {  	_ = 	snop  }
0x3c: {  	p2 =	seq.s32 s10, $0x1;
	s10 =	sld [smem:$0x3FAF]  }
0x3d: {  	_ =	shalt  }
0x3e: {  	_ =	shalt  }
0x3f: {  	_ =	shalt  }
0x40: {  	_ =	shalt  }
0x41: {  	_ =	shalt  }
0x42: {  	_ =	shalt  }
0x43: {  	_ =	shalt  }
0x44: {  	_ =	shalt  }
0x45: {  	_ =	shalt  }
0x46: {  	_ =	shalt  }
0x47: {  	_ =	shalt  }
0x48: {  	_ =	shalt  }
0x49: {  	_ =	shalt  }
0x4a: {  	_ =	shalt  }
0x4b: {  	_ =	shalt  }
0x4c: {  	_ =	shalt  }
0x4d: {  	_ =	shalt  }
0x4e: {  	_ =	shalt  }
0x4f: {  	_ =	shalt  }
0x50: {  	_ =	shalt  }
0x51: {  	_ =	shalt  }
0x52: {  	_ =	shalt  }
0x53: {  	_ =	shalt  }
0x54: {  	_ =	shalt  }
0x55: {  	_ =	shalt  }
0x56: {  	_ =	shalt  }
0x57: {  	_ =	shalt  }
0x58: {  	_ =	shalt  }
0x59: {  	_ =	shalt  }
0x5a: {  	_ =	shalt  }
0x5b: {  	_ =	shalt  }
0x5c: {  	_ =	shalt  }
0x5d: {  	_ =	shalt  }
0x5e: {  	_ =	shalt  }
0x5f: {  	_ =	shalt  }
0x60: {  	_ =	shalt  }
0x61: {  	_ =	shalt  }
0x62: {  	_ =	shalt  }
0x63: {  	_ =	shalt  }
0x64: {  	_ =	shalt  }
0x65: {  	_ =	shalt  }
0x66: {  	_ =	shalt  }
0x67: {  	_ =	shalt  }
0x68: {  	_ =	shalt  }
0x69: {  	_ =	shalt  }
0x6a: {  	_ =	shalt  }
0x6b: {  	_ =	shalt  }
0x6c: {  	_ =	shalt  }
0x6d: {  	_ =	shalt  }
0x6e: {  	_ =	shalt  }
0x6f: {  	_ =	shalt  }
0x70: {  	_ =	shalt  }
0x71: {  	_ =	shalt  }
0x72: {  	_ =	shalt  }
0x73: {  	_ =	shalt  }
0x74: {  	_ =	shalt  }
0x75: {  	_ =	shalt  }
0x76: {  	_ =	shalt  }
0x77: {  	_ =	shalt  }
0x78: {  	_ =	shalt  }
0x79: {  	_ =	shalt  }
0x7a: {  	_ =	shalt  }
0x7b: {  	_ =	shalt  }
0x7c: {  	_ =	shalt  }
0x7d: {  	_ =	shalt  }
0x7e: {  	_ =	shalt  }
0x7f: {  	_ =	shalt  }
0x80: {  	_ =	shalt  }
0x81: {  	_ =	shalt  }
0x82: {  	_ =	shalt  }
0x83: {  	_ =	shalt  }
0x84: {  	_ =	shalt  }
0x85: {  	_ =	shalt  }
0x86: {  	_ =	shalt  }
0x87: {  	_ =	shalt  }
.Lfunc_end0:
.L_simem_size_0:
called_computation_lowered:
.L_overlay_start_0:
0x88: {  	s2 =	sld [smem:$0x3FD9]  }
0x89: {  	s3 =	sld [smem:$0x3FFE];
	_ =	sdelay $0x1  }
0x8a: {  	s1 =	srdreg.scid  }
0x8b: {  	s0 =	sand.u32 $0x1, s1  }
0x8c: {  	s16 =	sshll.u32 s0, $0xA;
	s2 =	sadd.s32 s3, s2  }
0x8d: {  	s2 =	sadd.s32 s2, s16  }
0x8e: {  	[smem:$0x3FBB] =	sst s2  }
0x8f: {  	_ = 	snop  }
0x90: {  	(tm) =	ssettm $0x1  }
0x91: {  	s17 =	sld [smem:$0x3FFB];
	_ =	sdelay $0x3  }
0x92: {  	_ =	strace s17  }
0x93: {  	s2 =	sld [smem:$0x3FFC];
	_ =	sdelay $0x3  }
0x94: {  	_ =	strace s2  }
0x95: {  	s2 =	sld [smem:$0x3FFD];
	_ =	sdelay $0x3  }
0x96: {  	_ =	strace s2  }
0x97: {  	_ =	strace $0x8FFFFFFF  }
0x98: {  	s18 =	sld [smem:$0x3FDB];
	_ =	sdelay $0x1  }
0x99: {  	s19 =	simm.s32 $_scs_section_size  }
0x9a: {  	s4 =	simm.s32 $_size__tile_overlayer_lowered;
	s5 =	simm.s32 $_tile_overlayer_lowered  }
0x9b: {  	s22 =	simm.s32 $0x1BFF;
	s21 =	sshll.u32 s5, $0x1;
	s2 =	sadd.s32 s19, s18  }
0x9c: {  	s6 =	simm.s32 $0x0;
	s20 =	sshll.u32 s4, $0x1;
	s4 =	sadd.s32 s21, s2  }
0x9d: {  	[timem:s6], [sflag:s22] =	dma.local [hbm:s4], s20  }
0x9e: {  	_ =	swait.ge [sflag:s22], s20  }
0x9f: {  	s3 =	ssub.s32 $0x0, s20;
	[sflag:s22] =	ssyncset.done $0x0  }
0xa0: {  	[sflag:s22] =	ssyncadd.s32 s3;
	_ =	sdelay $0x1  }
0xa1: {  	s23 =	simm.s32 $0x1B8B  }
0xa2: {  	_ =	swait.ge [sflag:s23], $0x1  }
0xa3: {  	[sflag:s23] =	ssyncset.done $0x0  }
0xa4: {  	s25 =	simm.s32 $0x1B8E;
	s24 =	sld [smem:$0x3FFE];
	[sflag:s23] =	ssyncadd.s32 $0xFFFFFFFF  }
0xa5: {  	s26 =	simm.s32 $execute0_lowered;
	[smem:$0x3FD2] =	sst s25  }
0xa6: {  	s4 =	sshll.u32 s26, $0x1;
	_ =	strace $0x80000046;
	[dreg:$0x1] =	wrdreg $0xFFFFFFFF  }
0xa7: {  	s28 =	simm.s32 $_size_execute0_lowered;
	s2 =	sadd.s32 s2, s4;
	[dreg:$0x0] =	wrdreg $0x0  }
0xa8: {  	s4 =	sshll.u32 s28, $0x1;
	[dreg:$0x2] =	wrdreg s2  }
0xa9: {  	[dreg:$0x3] =	wrdreg s4  }
0xaa: {  	[dreg:$0x4] =	wrdreg $0xC0  }
0xab: {  	_ =	task [dreg:s6], $0x5FFFF  }
0xac: {  	[dreg:$0x1] =	wrdreg $0xFFFFFFFF  }
0xad: {  	[dreg:$0x0] =	wrdreg $0x60  }
0xae: {  	[dreg:$0x2] =	wrdreg s24  }
0xaf: {  	[dreg:$0x3] =	wrdreg $0x90000  }
0xb0: {  	[dreg:$0x4] =	wrdreg $0x9  }
0xb1: {  	_ =	task.clear_ibuf [dreg:s6], $0x5FFFF;
	_ =	strace $0x90000046  }
0xb2: {  	s29 =	simm.s32 $0x9;
	_ =	strace $0x80000048  }
0xb3: {  	_ =	swait.ge [sflag:s29], $0x1  }
0xb4: {  	[sflag:s29] =	ssyncadd.s32 $0xFFFFFFFF  }
0xb5: {  	_ =	strace $0x90000048  }
0xb6: {  	_ =	sfence  }
0xb7: {  	s30 =	sld [smem:$0x0];
	_ =	sdelay $0x2  }
0xb8: {  	s31 =	sshll.u32 s1, $0xD;
	s1 =	sshrl.u32 s1, $0x2  }
0xb9: {  	s3 =	sand.u32 $0x4000, s31;
	s1 =	sadd.s32 s1, s30  }
0xba: {  	s0 =	sor.u32 s3, s0;
	s1 =	sshll.u32 s1, $0x11  }
0xbb: {  	s0 =	sor.u32 s1, s0  }
0xbc: {  	s0 =	sadd.s32 $0x8F2B, s0  }
0xbd: {  	[sflag:s0] =	ssyncadd.remote.s32 $0x1  }
0xbe: {  	_ =	sfence.sel $0xFFFF  }
0xbf: {  	[dreg:$0x0] =	wrdreg $0xFFFFFFFF;
	(pc) =	sbr.abs _section_cstart, $3  }
0xc0: {  	[dreg:$0x1] =	wrdreg $0xFFFFFFFF  }
0xc1: {  	_ =	task.clear_ibuf [dreg:s6], $0x2FFFF;
	_ =	strace $0x9FFFFFFF  }
0xc2: {  	(tm) =	ssettm $0x7FFFFFFF  }
0xc3: {  	_ =	shalt  }
tec
execute0_lowered:
.L_overlay_start_1:
0x0: {  	(tag) =	ssettag $0x1  }
0x1: {  	s0 =	rddreg [dreg:$0x0];
	s1 =	srdreg.scid  }
0x2: {  	s2 =	rddreg [dreg:$0x1];
	s16 =	stileid.u32  }
0x3: {  	s3 =	simm.s32 $0x0;
	s13 =	simm.s32 $0x1;
	s14 =	simm.s32 $0x80  }
0x4: {  	s15 =	simm.s32 $0x1000;
	s20 =	simm.s32 $0x3;
	s17 =	simm.s32 $0x2  }
0x5: {  	s28 =	simm.s32 $0xD00;
	s29 =	simm.s32 $0xD80;
	s30 =	simm.s32 $0xA00  }
0x6: {  	s31 =	simm.s32 $0xA80;
	s1 =	sand.u32 $0x1, s1;
	s5 =	smul.u32 $0x2780, s16  }
0x7: {  	[smem:$0x7FF] =	sst s3;
	s8 =	smul.u32 $0x4F000, s16;
	s9 =	sadd.s32 $0x2800, s0  }
0x8: {  	s12 =	smul.u32 $0xA, s16;
	s26 =	sshll.u32 s16, $0x6;
	s4 =	sshll.u32 s1, $0x4  }
0x9: {  	s6 =	smul.u32 $0x27800, s1;
	_ =	strace $0x80000047;
	s10 =	ssub.s32 $0x2, s1  }
0xa: {  	s1 =	smul.u32 $0xA0, s1;
	s18 =	sor.u32 $0x1C07, s26;
	s26 =	simm.s32 $0x6  }
0xb: {  	s4 =	sor.u32 s16, s4;
	s11 =	sshrl.u32 s10, $0x1;
	s8 =	sshrl.u32 s8, $0x2  }
0xc: {  	s16 =	simm.s32 $0x5000;
	[dreg:$0x8] =	wrdreg s18;
	s7 =	smul.u32 $0xA00, s4  }
0xd: {  	s4 =	sadd.s32 $0x16800, s0;
	s6 =	sadd.s32 s5, s6;
	s10 =	ssub.s32 s10, s11  }
0xe: {  	s1 =	sadd.s32 s12, s1;
	s22 =	sadd.s32 s8, s2;
	s12 =	simm.s32 $0x800  }
0xf: {  	s8 =	simm.s32 $0xF80;
	s6 =	sadd.s32 s6, s0;
	s0 =	sadd.s32 $0x2900, s0  }
0x10: {  	s1 =	sshll.u32 s1, $0x8;
	s5 =	sadd.s32 s4, s5;
	s24 =	smax.u32 s10, $0x1  }
0x11: {  	s19 =	sshrl.u32 s22, $0x3;
	s22 =	simm.s32 $0x4;
	s21 =	sadd.s32 s9, s7  }
0x12: {  	s7 =	sadd.s32 s7, s0;
	[dreg:$0x5] =	wrdreg s5;
	s23 =	sadd.s32 $0x3E000, s6  }
0x13: {  	s0 =	sadd.s32 s0, s1;
	[dreg:$0x7] =	wrdreg s24;
	s25 =	sadd.s32 s9, s1  }
0x14: {  	s24 =	simm.s32 $0x5;
	s1 =	simm.s32 $0xE80;
	[dreg:$0x9] =	wrdreg s19  }
.Ltmp0:
0x15: {  	s5 =	simm.s32 $0xB00;
	[dreg:$0x3] =	wrdreg s21;
	(pc) =	sbr.rel .LBB2_1-.Ltmp0, $4  }
0x16: {  	s6 =	simm.s32 $0xB80;
	s9 =	simm.s32 $0x0;
	[dreg:$0x4] =	wrdreg s7  }
0x17: {  	[dreg:$0x6] =	wrdreg s23;
	s10 =	sadd.s32 $0x200, s0;
	s11 =	sadd.s32 $0x200, s25  }
0x18: {  	s21 =	simm.s32 $0xC80;
	s23 =	simm.s32 $0x900;
	s25 =	simm.s32 $0x980  }
0x19: {  	s0 =	simm.s32 $0xE00;
	s7 =	simm.s32 $0xF00;
	[dreg:$0xa] =	wrdreg s9  }
.LBB2_4:
0x1a: {  	_ =	swait.ge [sflag:s26], $0x4000  }
0x1b: {  	[sflag:s26] =	ssyncset.done $0x0  }
0x1c: {  	[sflag:s26] =	ssyncadd.s32 $0xFFFFC000  }
0x1d: {  	[bflag:$0x0] =	sbarrier.arrive $0xFFFF  }
0x1e: {  	s9 =	rddreg [dreg:$0x6]  }
0x1f: {  	s18 =	rddreg [dreg:$0x8]  }
0x20: {  	s19 =	rddreg [dreg:$0x9]  }
0x21: {  	[hbm:s9], [sflag:s18] =	dma.local [spmem:s19], $0x2780  }
0x22: {  	s9 =	simm.s32 $0x7  }
0x23: {  	_ =	swait.ge [sflag:s9], $0x2780  }
0x24: {  	s21 =	rddreg [dreg:$0xa]  }
0x25: {  	[sflag:s9] =	ssyncset.done $0x0;
	s9 =	rddreg [dreg:$0x7];
	s21 =	sadd.s32 $0x1, s21  }
0x26: {  	p0 =	sne.s32 s21, s9  }
.Ltmp1:
0x27: {  	_ = 	snop;
	(pc) =	sbr.rel @!p0 .LBB2_5-.Ltmp1, $3  }
0x28: {  	_ =	sdelay $0x1  }
0x29: {  	s9 =	simm.s32 $0x7  }
0x2a: {  	[dreg:$0xa] =	wrdreg s21;
	s21 =	simm.s32 $0xC80;
	[sflag:s9] =	ssyncadd.s32 $0xFFFFD880  }
.LBB2_1:
0x2b: {  	s9 =	rddreg [dreg:$0x3]  }
0x2c: {  	[tilespmem:s3], [sflag:$0x1] =	stream.linear.gather [hbm4b:s9+s3], $0x800, $0x38;
	[tilespmem:$0x1CC00] =	vst v63  }
0x2d: {  	s9 =	rddreg [dreg:$0x4]  }
0x2e: {  	[tilespmem:s12], [sflag:$0x2] =	stream.linear.gather [hbm4b:s9+s3], $0x800, $0x38;
	[tilespmem:$0x1CC00] =	vst v63  }
0x2f: {  	_ =	swait.ge [sflag:s13], $0x800  }
0x30: {  	[sflag:s13] =	ssyncset.done $0x0  }
0x31: {  	[sflag:s13] =	ssyncadd.s32 $0xFFFFF800  }
0x32: {  	[tilespmem:s15], [sflag:$0x3] =	stream.indirect.gather [hbm4b:s4+s14], $0x80, s3, s14, $0xb8;
	[tilespmem:$0x1CC00] =	vst v63  }
0x33: {  	s9 =	rddreg [dreg:$0x5]  }
0x34: {  	[tilespmem:s16], [sflag:$0x4] =	stream.indirect.gather [hbm4b:s4+s14], $0x80, s14, s14, $0xb8;
	[tilespmem:$0x1CC00] =	vst v63  }
0x35: {  	[spmem:s19], [sflag:s18] =	dma.local [hbm:s9], $0x2780  }
0x36: {  	s19 =	simm.s32 $0x7  }
0x37: {  	_ =	swait.ge [sflag:s19], $0x2780  }
0x38: {  	[sflag:s19] =	ssyncset.done $0x0  }
0x39: {  	[sflag:s19] =	ssyncadd.s32 $0xFFFFD880  }
0x3a: {  	s9 =	simm.s32 $0x0;
	[bflag:$0x0] =	sbarrier.arrive $0xFFFF  }
.LBB2_2:
0x3b: {  	_ =	swait.ge [sflag:s20], $0x4000  }
0x3c: {  	[sflag:s20] =	ssyncset.done $0x0  }
0x3d: {  	s18 =	simm.s32 $0x400;
	[sflag:s20] =	ssyncadd.s32 $0xFFFFC000  }
0x3e: {  	[spmem:s2] =	stream.indirect.scatter.add.f32 [tilespmem:s15], [sflag:$0x5], $0x80, s18, s14, $0xb8;
	[tilespmem:$0x1CC00] =	vst v63  }
0x3f: {  	_ =	swait.ge [sflag:s22], $0x4000  }
0x40: {  	[sflag:s22] =	ssyncset.done $0x0  }
0x41: {  	s19 =	simm.s32 $0x480;
	[sflag:s22] =	ssyncadd.s32 $0xFFFFC000  }
0x42: {  	[spmem:s2] =	stream.indirect.scatter.add.f32 [tilespmem:s16], [sflag:$0x6], $0x80, s19, s14, $0xb8;
	[tilespmem:$0x1CC00] =	vst v63  }
0x43: {  	_ =	swait.ge [sflag:s24], $0x4000  }
0x44: {  	[sflag:s24] =	ssyncset.done $0x0  }
0x45: {  	s19 =	simm.s32 $0x100;
	[sflag:s24] =	ssyncadd.s32 $0xFFFFC000  }
0x46: {  	[tilespmem:s15], [sflag:$0x3] =	stream.indirect.gather [hbm4b:s4+s14], $0x80, s19, s14, $0xb8;
	[tilespmem:$0x1CC00] =	vst v63  }
0x47: {  	_ =	swait.ge [sflag:s26], $0x4000  }
0x48: {  	[sflag:s26] =	ssyncset.done $0x0  }
0x49: {  	s19 =	simm.s32 $0x180;
	[sflag:s26] =	ssyncadd.s32 $0xFFFFC000  }
0x4a: {  	[tilespmem:s16], [sflag:$0x4] =	stream.indirect.gather [hbm4b:s4+s14], $0x80, s19, s14, $0xb8;
	[tilespmem:$0x1CC00] =	vst v63  }
0x4b: {  	_ =	swait.ge [sflag:s20], $0x4000  }
0x4c: {  	[sflag:s20] =	ssyncset.done $0x0  }
0x4d: {  	s19 =	simm.s32 $0x500;
	[sflag:s20] =	ssyncadd.s32 $0xFFFFC000  }
0x4e: {  	[spmem:s2] =	stream.indirect.scatter.add.f32 [tilespmem:s15], [sflag:$0x5], $0x80, s19, s14, $0xb8;
	[tilespmem:$0x1CC00] =	vst v63  }
0x4f: {  	_ =	swait.ge [sflag:s22], $0x4000  }
0x50: {  	[sflag:s22] =	ssyncset.done $0x0  }
0x51: {  	s19 =	simm.s32 $0x580;
	[sflag:s22] =	ssyncadd.s32 $0xFFFFC000  }
0x52: {  	[spmem:s2] =	stream.indirect.scatter.add.f32 [tilespmem:s16], [sflag:$0x6], $0x80, s19, s14, $0xb8;
	[tilespmem:$0x1CC00] =	vst v63  }
0x53: {  	_ =	swait.ge [sflag:s24], $0x4000  }
0x54: {  	[sflag:s24] =	ssyncset.done $0x0  }
0x55: {  	s19 =	simm.s32 $0x200;
	[sflag:s24] =	ssyncadd.s32 $0xFFFFC000  }
0x56: {  	[tilespmem:s15], [sflag:$0x3] =	stream.indirect.gather [hbm4b:s4+s14], $0x80, s19, s14, $0xb8;
	[tilespmem:$0x1CC00] =	vst v63  }
0x57: {  	_ =	swait.ge [sflag:s26], $0x4000  }
0x58: {  	[sflag:s26] =	ssyncset.done $0x0  }
0x59: {  	s19 =	simm.s32 $0x280;
	[sflag:s26] =	ssyncadd.s32 $0xFFFFC000  }
0x5a: {  	[tilespmem:s16], [sflag:$0x4] =	stream.indirect.gather [hbm4b:s4+s14], $0x80, s19, s14, $0xb8;
	[tilespmem:$0x1CC00] =	vst v63  }
0x5b: {  	_ =	swait.ge [sflag:s20], $0x4000  }
0x5c: {  	[sflag:s20] =	ssyncset.done $0x0  }
0x5d: {  	s19 =	simm.s32 $0x600;
	[sflag:s20] =	ssyncadd.s32 $0xFFFFC000  }
0x5e: {  	[spmem:s2] =	stream.indirect.scatter.add.f32 [tilespmem:s15], [sflag:$0x5], $0x80, s19, s14, $0xb8;
	[tilespmem:$0x1CC00] =	vst v63  }
0x5f: {  	_ =	swait.ge [sflag:s22], $0x4000  }
0x60: {  	[sflag:s22] =	ssyncset.done $0x0  }
0x61: {  	s19 =	simm.s32 $0x680;
	[sflag:s22] =	ssyncadd.s32 $0xFFFFC000  }
0x62: {  	[spmem:s2] =	stream.indirect.scatter.add.f32 [tilespmem:s16], [sflag:$0x6], $0x80, s19, s14, $0xb8;
	[tilespmem:$0x1CC00] =	vst v63  }
0x63: {  	_ =	swait.ge [sflag:s24], $0x4000  }
0x64: {  	[sflag:s24] =	ssyncset.done $0x0  }
0x65: {  	s19 =	simm.s32 $0x300;
	[sflag:s24] =	ssyncadd.s32 $0xFFFFC000  }
0x66: {  	[tilespmem:s15], [sflag:$0x3] =	stream.indirect.gather [hbm4b:s4+s14], $0x80, s19, s14, $0xb8;
	[tilespmem:$0x1CC00] =	vst v63  }
0x67: {  	_ =	swait.ge [sflag:s26], $0x4000  }
0x68: {  	[sflag:s26] =	ssyncset.done $0x0  }
0x69: {  	s19 =	simm.s32 $0x380;
	[sflag:s26] =	ssyncadd.s32 $0xFFFFC000  }
0x6a: {  	[tilespmem:s16], [sflag:$0x4] =	stream.indirect.gather [hbm4b:s4+s14], $0x80, s19, s14, $0xb8;
	[tilespmem:$0x1CC00] =	vst v63  }
0x6b: {  	_ =	swait.ge [sflag:s20], $0x4000  }
0x6c: {  	[sflag:s20] =	ssyncset.done $0x0  }
0x6d: {  	s19 =	simm.s32 $0x700;
	[sflag:s20] =	ssyncadd.s32 $0xFFFFC000  }
0x6e: {  	[spmem:s2] =	stream.indirect.scatter.add.f32 [tilespmem:s15], [sflag:$0x5], $0x80, s19, s14, $0xb8;
	[tilespmem:$0x1CC00] =	vst v63  }
0x6f: {  	_ =	swait.ge [sflag:s22], $0x4000  }
0x70: {  	[sflag:s22] =	ssyncset.done $0x0  }
0x71: {  	s19 =	simm.s32 $0x780;
	[sflag:s22] =	ssyncadd.s32 $0xFFFFC000  }
0x72: {  	[spmem:s2] =	stream.indirect.scatter.add.f32 [tilespmem:s16], [sflag:$0x6], $0x80, s19, s14, $0xb8;
	[tilespmem:$0x1CC00] =	vst v63  }
0x73: {  	_ =	swait.ge [sflag:s17], $0x800  }
0x74: {  	[sflag:s17] =	ssyncset.done $0x0  }
0x75: {  	[sflag:s17] =	ssyncadd.s32 $0xFFFFF800  }
0x76: {  	_ =	swait.ge [sflag:s24], $0x4000  }
0x77: {  	[sflag:s24] =	ssyncset.done $0x0  }
0x78: {  	[sflag:s24] =	ssyncadd.s32 $0xFFFFC000  }
0x79: {  	[tilespmem:s15], [sflag:$0x3] =	stream.indirect.gather [hbm4b:s4+s14], $0x80, s12, s14, $0xb8;
	[tilespmem:$0x1CC00] =	vst v63  }
0x7a: {  	_ =	swait.ge [sflag:s26], $0x4000  }
0x7b: {  	[sflag:s26] =	ssyncset.done $0x0  }
0x7c: {  	p0 =	seq.s32 s9, $0x800;
	s19 =	simm.s32 $0x880;
	[sflag:s26] =	ssyncadd.s32 $0xFFFFC000  }
0x7d: {  	[tilespmem:s16], [sflag:$0x4] =	stream.indirect.gather [hbm4b:s4+s14], $0x80, s19, s14, $0xb8;
	[tilespmem:$0x1CC00] =	vst v63  }
0x7e: {  	s18 =	sadd.s32 @!p0 s9, s11;
	s19 =	simm.s32 @!p0 $0x0  }
0x7f: {  	[tilespmem:s19], [sflag:$0x1] =	stream.linear.gather @!p0 [hbm4b:s18+s19], $0x800, $0x38;
	[tilespmem:$0x1CC00] =	vst v63  }
0x80: {  	_ =	swait.ge [sflag:s20], $0x4000  }
0x81: {  	[sflag:s20] =	ssyncset.done $0x0  }
0x82: {  	s19 =	simm.s32 $0xC00;
	[sflag:s20] =	ssyncadd.s32 $0xFFFFC000  }
0x83: {  	[spmem:s2] =	stream.indirect.scatter.add.f32 [tilespmem:s15], [sflag:$0x5], $0x80, s19, s14, $0xb8;
	[tilespmem:$0x1CC00] =	vst v63  }
0x84: {  	_ =	swait.ge [sflag:s22], $0x4000  }
0x85: {  	[sflag:s22] =	ssyncset.done $0x0  }
0x86: {  	[sflag:s22] =	ssyncadd.s32 $0xFFFFC000  }
0x87: {  	[spmem:s2] =	stream.indirect.scatter.add.f32 [tilespmem:s16], [sflag:$0x6], $0x80, s21, s14, $0xb8;
	[tilespmem:$0x1CC00] =	vst v63  }
0x88: {  	_ =	swait.ge [sflag:s24], $0x4000  }
0x89: {  	[sflag:s24] =	ssyncset.done $0x0  }
0x8a: {  	[sflag:s24] =	ssyncadd.s32 $0xFFFFC000  }
0x8b: {  	[tilespmem:s15], [sflag:$0x3] =	stream.indirect.gather [hbm4b:s4+s14], $0x80, s23, s14, $0xb8;
	[tilespmem:$0x1CC00] =	vst v63  }
0x8c: {  	_ =	swait.ge [sflag:s26], $0x4000  }
0x8d: {  	[sflag:s26] =	ssyncset.done $0x0  }
0x8e: {  	[sflag:s26] =	ssyncadd.s32 $0xFFFFC000  }
0x8f: {  	[tilespmem:s16], [sflag:$0x4] =	stream.indirect.gather [hbm4b:s4+s14], $0x80, s25, s14, $0xb8;
	[tilespmem:$0x1CC00] =	vst v63  }
0x90: {  	_ =	swait.ge [sflag:s20], $0x4000  }
0x91: {  	[sflag:s20] =	ssyncset.done $0x0  }
0x92: {  	[sflag:s20] =	ssyncadd.s32 $0xFFFFC000  }
0x93: {  	[spmem:s2] =	stream.indirect.scatter.add.f32 [tilespmem:s15], [sflag:$0x5], $0x80, s28, s14, $0xb8;
	[tilespmem:$0x1CC00] =	vst v63  }
0x94: {  	_ =	swait.ge [sflag:s22], $0x4000  }
0x95: {  	[sflag:s22] =	ssyncset.done $0x0  }
0x96: {  	[sflag:s22] =	ssyncadd.s32 $0xFFFFC000  }
0x97: {  	[spmem:s2] =	stream.indirect.scatter.add.f32 [tilespmem:s16], [sflag:$0x6], $0x80, s29, s14, $0xb8;
	[tilespmem:$0x1CC00] =	vst v63  }
0x98: {  	_ =	swait.ge [sflag:s24], $0x4000  }
0x99: {  	[sflag:s24] =	ssyncset.done $0x0  }
0x9a: {  	[sflag:s24] =	ssyncadd.s32 $0xFFFFC000  }
0x9b: {  	[tilespmem:s15], [sflag:$0x3] =	stream.indirect.gather [hbm4b:s4+s14], $0x80, s30, s14, $0xb8;
	[tilespmem:$0x1CC00] =	vst v63  }
0x9c: {  	_ =	swait.ge [sflag:s26], $0x4000  }
0x9d: {  	[sflag:s26] =	ssyncset.done $0x0  }
0x9e: {  	[sflag:s26] =	ssyncadd.s32 $0xFFFFC000  }
0x9f: {  	[tilespmem:s16], [sflag:$0x4] =	stream.indirect.gather [hbm4b:s4+s14], $0x80, s31, s14, $0xb8;
	[tilespmem:$0x1CC00] =	vst v63  }
0xa0: {  	_ =	swait.ge [sflag:s20], $0x4000  }
0xa1: {  	[sflag:s20] =	ssyncset.done $0x0  }
0xa2: {  	[sflag:s20] =	ssyncadd.s32 $0xFFFFC000  }
0xa3: {  	[spmem:s2] =	stream.indirect.scatter.add.f32 [tilespmem:s15], [sflag:$0x5], $0x80, s0, s14, $0xb8;
	[tilespmem:$0x1CC00] =	vst v63  }
0xa4: {  	_ =	swait.ge [sflag:s22], $0x4000  }
0xa5: {  	[sflag:s22] =	ssyncset.done $0x0  }
0xa6: {  	[sflag:s22] =	ssyncadd.s32 $0xFFFFC000  }
0xa7: {  	[spmem:s2] =	stream.indirect.scatter.add.f32 [tilespmem:s16], [sflag:$0x6], $0x80, s1, s14, $0xb8;
	[tilespmem:$0x1CC00] =	vst v63  }
0xa8: {  	_ =	swait.ge [sflag:s24], $0x4000  }
0xa9: {  	[sflag:s24] =	ssyncset.done $0x0  }
0xaa: {  	[sflag:s24] =	ssyncadd.s32 $0xFFFFC000  }
0xab: {  	[tilespmem:s15], [sflag:$0x3] =	stream.indirect.gather [hbm4b:s4+s14], $0x80, s5, s14, $0xb8;
	[tilespmem:$0x1CC00] =	vst v63  }
0xac: {  	_ =	swait.ge [sflag:s26], $0x4000  }
0xad: {  	[sflag:s26] =	ssyncset.done $0x0  }
0xae: {  	[sflag:s26] =	ssyncadd.s32 $0xFFFFC000  }
0xaf: {  	[tilespmem:s16], [sflag:$0x4] =	stream.indirect.gather [hbm4b:s4+s14], $0x80, s6, s14, $0xb8;
	[tilespmem:$0x1CC00] =	vst v63  }
0xb0: {  	_ =	swait.ge [sflag:s20], $0x4000  }
0xb1: {  	[sflag:s20] =	ssyncset.done $0x0  }
0xb2: {  	[sflag:s20] =	ssyncadd.s32 $0xFFFFC000  }
0xb3: {  	[spmem:s2] =	stream.indirect.scatter.add.f32 [tilespmem:s15], [sflag:$0x5], $0x80, s7, s14, $0xb8;
	[tilespmem:$0x1CC00] =	vst v63  }
0xb4: {  	_ =	swait.ge [sflag:s22], $0x4000  }
0xb5: {  	[sflag:s22] =	ssyncset.done $0x0  }
.Ltmp2:
0xb6: {  	[sflag:s22] =	ssyncadd.s32 $0xFFFFC000;
	(pc) =	sbr.rel @p0 .LBB2_4-.Ltmp2, $4  }
0xb7: {  	[spmem:s2] =	stream.indirect.scatter.add.f32 [tilespmem:s16], [sflag:$0x6], $0x80, s8, s14, $0xb8;
	[tilespmem:$0x1CC00] =	vst v63  }
0xb8: {  	_ =	swait.ge [sflag:s24], $0x4000  }
0xb9: {  	[sflag:s24] =	ssyncset.done $0x0  }
0xba: {  	[sflag:s24] =	ssyncadd.s32 $0xFFFFC000  }
0xbb: {  	_ =	swait.ge [sflag:s13], $0x800  }
0xbc: {  	[sflag:s13] =	ssyncset.done $0x0  }
0xbd: {  	[sflag:s13] =	ssyncadd.s32 $0xFFFFF800  }
0xbe: {  	[tilespmem:s15], [sflag:$0x3] =	stream.indirect.gather [hbm4b:s4+s14], $0x80, s3, s14, $0xb8;
	[tilespmem:$0x1CC00] =	vst v63  }
0xbf: {  	_ =	swait.ge [sflag:s26], $0x4000  }
.Ltmp3:
0xc0: {  	[sflag:s26] =	ssyncset.done $0x0;
	(pc) =	sbr.rel .LBB2_2-.Ltmp3, $4  }
0xc1: {  	[sflag:s26] =	ssyncadd.s32 $0xFFFFC000  }
0xc2: {  	[tilespmem:s16], [sflag:$0x4] =	stream.indirect.gather [hbm4b:s4+s14], $0x80, s14, s14, $0xb8;
	[tilespmem:$0x1CC00] =	vst v63  }
0xc3: {  	s18 =	sadd.s32 s9, s10;
	s9 =	sadd.s32 $0x200, s9  }
0xc4: {  	[tilespmem:s12], [sflag:$0x2] =	stream.linear.gather [hbm4b:s18+s3], $0x800, $0x38;
	[tilespmem:$0x1CC00] =	vst v63  }
.LBB2_5:
0xc5: {  	_ =	sfence.sel $0x180000  }
0xc6: {  	[bflag:$0x0] =	sbarrier.arrive $0xFFFF  }
0xc7: {  	_ =	strace $0x90000047  }
0xc8: {  	s0 =	stileid.u32;
	[bflag:$0x2] =	sbarrier.arrive $0xFFFF  }
0xc9: {  	p0 =	sne.s32 s0, $0x0;
	s0 =	rddreg [dreg:$0x2]  }
0xca: {  	s0 =	sadd.s32 @!p0 $0x100000, s0  }
0xcb: {  	[sflag:s0] =	ssyncadd.tile.s32 @!p0 $0x1;
	_ =	shalt  }
.Lfunc_end2:
_tile_overlayer_lowered:
.L_overlay_start_2:
0xcc: {  	(tag) =	ssettag $0x2  }
0xcd: {  	s0 =	rddreg [dreg:$0x0];
	s2 =	stileid.u32  }
0xce: {  	s1 =	rddreg [dreg:$0x1];
	p0 =	sne.s32 s2, $0x0  }
0xcf: {  	s3 =	rddreg [dreg:$0x2];
	[bflag:$0x3] =	sbarrier.arrive $0xFFFF;
	s2 =	simm.s32 @!p0 $0x1C07  }
0xd0: {  	[timem:s3], [sflag:s2] =	dma.local @!p0 [hbm:s0], s1  }
0xd1: {  	s0 =	simm.s32 @!p0 $0x7  }
0xd2: {  	_ =	swait.ge @!p0 [sflag:s0], s1  }
0xd3: {  	s1 =	ssub.s32 @!p0 $0x0, s1;
	[sflag:s0] =	ssyncset.done @!p0 $0x0  }
0xd4: {  	[sflag:s0] =	ssyncadd.s32 @!p0 s1  }
0xd5: {  	[bflag:$0x3] =	sbarrier.arrive $0xFFFF  }
0xd6: {  	_ =	shalt  }

// kernel: kernel.9.cloned.1.call-start
scs
__scs_entry_jumppad:
0x0: {  	(pc) =	sbr.rel $0x88, $3  }
0x1: {  	(tag) =	ssettag $0x0;
	lr =	simm.s32 $0x1  }
0x2: {  	[smem:$0x3F94] =	sst lr;
	_ =	strace $0xD0000000  }
0x3: {  	_ = 	snop  }
0x4: {  	_ = 	snop  }
0x5: {  	_ = 	snop  }
0x6: {  	_ = 	snop  }
0x7: {  	_ = 	snop  }
__scs_overlays_trampoline_lowered:
0x8: {  	[smem:$0x3FA3] =	sst s0  }
0x9: {  	[smem:$0x3FA4] =	sst s1  }
0xa: {  	[smem:$0x3FA5] =	sst s2  }
0xb: {  	[smem:$0x3FA6] =	sst s3  }
0xc: {  	[smem:$0x3FA7] =	sst s4  }
0xd: {  	[smem:$0x3FA8] =	sst s5  }
0xe: {  	[smem:$0x3FA9] =	sst s6  }
0xf: {  	[smem:$0x3FAA] =	sst s7  }
0x10: {  	[smem:$0x3FAB] =	sst s8  }
0x11: {  	[smem:$0x3FAC] =	sst s9;
	s0 =	simm.s32 @!p0 $0x0  }
0x12: {  	s1 =	sld [smem:$0x3F92];
	s0 =	simm.s32 @p0 $0x1  }
0x13: {  	[smem:$0x3FAD] =	sst s0;
	s0 =	simm.s32 @!p1 $0x0  }
0x14: {  	s2 =	sld [smem:$0x3F91];
	s0 =	simm.s32 @p1 $0x1  }
0x15: {  	[smem:$0x3FAE] =	sst s0;
	s0 =	simm.s32 @!p2 $0x0  }
0x16: {  	s3 =	sld [smem:$0x3FDB];
	s0 =	simm.s32 @p2 $0x1  }
0x17: {  	s4 =	simm.s32 $0x1BF5;
	[smem:$0x3FB0] =	sst s0  }
0x18: {  	s0 =	sld [smem:$0x3F93];
	_ =	swait.ge [sflag:s4], $0x0  }
0x19: {  	s7 =	sld [smem:$0x3F94]  }
0x1a: {  	s8 =	sadd.s32 $0xFFFFE003, lr  }
0x1b: {  	s9 =	sadd.s32 $0xFFFFFEF7, lr;
	s5 =	simm.s32 $0xFFFFFFFF;
	p2 =	slt.u32 s8, $0xFFFFF086  }
0x1c: {  	p1 =	slt.u32 s9, $0xF7A;
	s5 =	simm.s32 @!p2 $0x0  }
0x1d: {  	s5 =	simm.s32 @p1 $0x1;
	p0 =	seq.s32 s7, s2  }
0x1e: {  	s7 =	smul.u32 @!p0 $0xF7A, s2;
	p2 =	seq.s32 @!p0 s5, $0x0  }
0x1f: {  	s9 =	smul.u32 $0xF7A, s1;
	s8 =	simm.s32 @!p0 $0x1BF5;
	p2 =	por !p2, p0  }
0x20: {  	[sflag:s8] =	ssyncset.s32 @!p0 $0xFFFFF086;
	s6 =	sadd.s32 @!p0 s3, s7;
	s7 =	simm.s32 @!p0 $0x108  }
0x21: {  	s3 =	sadd.s32 s3, s9;
	s6 =	sadd.s32 @!p0 $0x88, s6;
	s7 =	simm.s32 @p2 $0x1082  }
0x22: {  	[simem:s7], [sflag:s8] =	dma.local @!p0 [hbm:s6], $0xF7A  }
0x23: {  	s9 =	sor.u32 $0xD0000000, s2;
	s6 =	simm.s32 $0x108;
	_ =	swait.ge @!p0 [sflag:s8], $0x0  }
0x24: {  	s3 =	sadd.s32 $0x88, s3;
	s6 =	simm.s32 @!p1 $0x1082;
	[sflag:s4] =	ssyncset.s32 $0xFFFFF086  }
0x25: {  	[simem:s6], [sflag:s4] =	dma.local [hbm:s3], $0xF7A  }
0x26: {  	[smem:$0x3F94] =	sst s1;
	(tag) =	ssettag s2;
	_ =	strace s9  }
0x27: {  	s1 =	sld [smem:$0x3FA4]  }
0x28: {  	s2 =	sld [smem:$0x3FA5]  }
0x29: {  	s4 =	sld [smem:$0x3FA7]  }
0x2a: {  	p0 =	seq.s32 s5, $0x0;
	s5 =	sld [smem:$0x3FA8]  }
0x2b: {  	s6 =	sld [smem:$0x3FA9]  }
0x2c: {  	s7 =	sld [smem:$0x3FAA]  }
0x2d: {  	s3 =	simm.s32 $0x108;
	s8 =	sld [smem:$0x3FAB]  }
0x2e: {  	s3 =	simm.s32 @!p0 $0x1082;
	s9 =	sld [smem:$0x3FAC]  }
0x2f: {  	lr =	sadd.s32 s0, s3;
	s0 =	sld [smem:$0x3FA3]  }
0x30: {  	s3 =	sld [smem:$0x3FA6]  }
0x31: {  	[smem:$0x3FAF] =	sst s10  }
0x32: {  	s10 =	sld [smem:$0x3FAD];
	_ =	sdelay $0x3  }
0x33: {  	p0 =	seq.s32 s10, $0x1;
	s10 =	sld [smem:$0x3FAF];
	_ =	sdelay $0x3  }
0x34: {  	[smem:$0x3FAF] =	sst s10  }
0x35: {  	s10 =	sld [smem:$0x3FAE];
	_ =	sdelay $0x3  }
0x36: {  	p1 =	seq.s32 s10, $0x1;
	s10 =	sld [smem:$0x3FAF];
	_ =	sdelay $0x3  }
0x37: {  	[smem:$0x3FAF] =	sst s10  }
0x38: {  	s10 =	sld [smem:$0x3FB0]  }
0x39: {  	_ = 	snop;
	(pc) =	sbr.ind lr, $3  }
0x3a: {  	_ = 	snop  }
0x3b: {  	_ = 	snop  }
0x3c: {  	p2 =	seq.s32 s10, $0x1;
	s10 =	sld [smem:$0x3FAF]  }
0x3d: {  	_ =	shalt  }
0x3e: {  	_ =	shalt  }
0x3f: {  	_ =	shalt  }
0x40: {  	_ =	shalt  }
0x41: {  	_ =	shalt  }
0x42: {  	_ =	shalt  }
0x43: {  	_ =	shalt  }
0x44: {  	_ =	shalt  }
0x45: {  	_ =	shalt  }
0x46: {  	_ =	shalt  }
0x47: {  	_ =	shalt  }
0x48: {  	_ =	shalt  }
0x49: {  	_ =	shalt  }
0x4a: {  	_ =	shalt  }
0x4b: {  	_ =	shalt  }
0x4c: {  	_ =	shalt  }
0x4d: {  	_ =	shalt  }
0x4e: {  	_ =	shalt  }
0x4f: {  	_ =	shalt  }
0x50: {  	_ =	shalt  }
0x51: {  	_ =	shalt  }
0x52: {  	_ =	shalt  }
0x53: {  	_ =	shalt  }
0x54: {  	_ =	shalt  }
0x55: {  	_ =	shalt  }
0x56: {  	_ =	shalt  }
0x57: {  	_ =	shalt  }
0x58: {  	_ =	shalt  }
0x59: {  	_ =	shalt  }
0x5a: {  	_ =	shalt  }
0x5b: {  	_ =	shalt  }
0x5c: {  	_ =	shalt  }
0x5d: {  	_ =	shalt  }
0x5e: {  	_ =	shalt  }
0x5f: {  	_ =	shalt  }
0x60: {  	_ =	shalt  }
0x61: {  	_ =	shalt  }
0x62: {  	_ =	shalt  }
0x63: {  	_ =	shalt  }
0x64: {  	_ =	shalt  }
0x65: {  	_ =	shalt  }
0x66: {  	_ =	shalt  }
0x67: {  	_ =	shalt  }
0x68: {  	_ =	shalt  }
0x69: {  	_ =	shalt  }
0x6a: {  	_ =	shalt  }
0x6b: {  	_ =	shalt  }
0x6c: {  	_ =	shalt  }
0x6d: {  	_ =	shalt  }
0x6e: {  	_ =	shalt  }
0x6f: {  	_ =	shalt  }
0x70: {  	_ =	shalt  }
0x71: {  	_ =	shalt  }
0x72: {  	_ =	shalt  }
0x73: {  	_ =	shalt  }
0x74: {  	_ =	shalt  }
0x75: {  	_ =	shalt  }
0x76: {  	_ =	shalt  }
0x77: {  	_ =	shalt  }
0x78: {  	_ =	shalt  }
0x79: {  	_ =	shalt  }
0x7a: {  	_ =	shalt  }
0x7b: {  	_ =	shalt  }
0x7c: {  	_ =	shalt  }
0x7d: {  	_ =	shalt  }
0x7e: {  	_ =	shalt  }
0x7f: {  	_ =	shalt  }
0x80: {  	_ =	shalt  }
0x81: {  	_ =	shalt  }
0x82: {  	_ =	shalt  }
0x83: {  	_ =	shalt  }
0x84: {  	_ =	shalt  }
0x85: {  	_ =	shalt  }
0x86: {  	_ =	shalt  }
0x87: {  	_ =	shalt  }
.Lfunc_end0:
.L_simem_size_0:
called_computation.1_lowered:
.L_overlay_start_0:
0x88: {  	s2 =	sld [smem:$0x3FD9]  }
0x89: {  	s3 =	sld [smem:$0x3FFE];
	_ =	sdelay $0x1  }
0x8a: {  	s1 =	srdreg.scid  }
0x8b: {  	s0 =	sand.u32 $0x1, s1  }
0x8c: {  	s16 =	sshll.u32 s0, $0xA;
	s2 =	sadd.s32 s3, s2  }
0x8d: {  	s2 =	sadd.s32 s2, s16  }
0x8e: {  	[smem:$0x3FBB] =	sst s2  }
0x8f: {  	_ = 	snop  }
0x90: {  	(tm) =	ssettm $0x1  }
0x91: {  	s17 =	sld [smem:$0x3FFB];
	_ =	sdelay $0x3  }
0x92: {  	_ =	strace s17  }
0x93: {  	s2 =	sld [smem:$0x3FFC];
	_ =	sdelay $0x3  }
0x94: {  	_ =	strace s2  }
0x95: {  	s2 =	sld [smem:$0x3FFD];
	_ =	sdelay $0x3  }
0x96: {  	_ =	strace s2  }
0x97: {  	_ =	strace $0x8FFFFFFF  }
0x98: {  	s18 =	sld [smem:$0x3FDB];
	_ =	sdelay $0x1  }
0x99: {  	s19 =	simm.s32 $_scs_section_size  }
0x9a: {  	s4 =	simm.s32 $_size__tile_overlayer_lowered;
	s5 =	simm.s32 $_tile_overlayer_lowered  }
0x9b: {  	s22 =	simm.s32 $0x1BFF;
	s21 =	sshll.u32 s5, $0x1;
	s2 =	sadd.s32 s19, s18  }
0x9c: {  	s6 =	simm.s32 $0x0;
	s20 =	sshll.u32 s4, $0x1;
	s4 =	sadd.s32 s21, s2  }
0x9d: {  	[timem:s6], [sflag:s22] =	dma.local [hbm:s4], s20  }
0x9e: {  	_ =	swait.ge [sflag:s22], s20  }
0x9f: {  	s3 =	ssub.s32 $0x0, s20;
	[sflag:s22] =	ssyncset.done $0x0  }
0xa0: {  	[sflag:s22] =	ssyncadd.s32 s3;
	_ =	sdelay $0x1  }
0xa1: {  	s23 =	simm.s32 $0x1B8B  }
0xa2: {  	_ =	swait.ge [sflag:s23], $0x1  }
0xa3: {  	[sflag:s23] =	ssyncset.done $0x0  }
0xa4: {  	s25 =	simm.s32 $0x1B8E;
	s24 =	sld [smem:$0x3FFE];
	[sflag:s23] =	ssyncadd.s32 $0xFFFFFFFF  }
0xa5: {  	s26 =	simm.s32 $execute0_lowered;
	[smem:$0x3FD2] =	sst s25  }
0xa6: {  	s4 =	sshll.u32 s26, $0x1;
	_ =	strace $0x80000049;
	[dreg:$0x1] =	wrdreg $0xFFFFFFFF  }
0xa7: {  	s28 =	simm.s32 $_size_execute0_lowered;
	s2 =	sadd.s32 s2, s4;
	[dreg:$0x0] =	wrdreg $0x0  }
0xa8: {  	s4 =	sshll.u32 s28, $0x1;
	[dreg:$0x2] =	wrdreg s2  }
0xa9: {  	[dreg:$0x3] =	wrdreg s4  }
0xaa: {  	[dreg:$0x4] =	wrdreg $0xC0  }
0xab: {  	_ =	task [dreg:s6], $0x5FFFF  }
0xac: {  	[dreg:$0x1] =	wrdreg $0xFFFFFFFF  }
0xad: {  	[dreg:$0x0] =	wrdreg $0x60  }
0xae: {  	[dreg:$0x2] =	wrdreg s24  }
0xaf: {  	[dreg:$0x3] =	wrdreg $0x90000  }
0xb0: {  	[dreg:$0x4] =	wrdreg $0x9  }
0xb1: {  	_ =	task.clear_ibuf [dreg:s6], $0x5FFFF;
	_ =	strace $0x90000049  }
0xb2: {  	s29 =	simm.s32 $0x9;
	_ =	strace $0x8000004B  }
0xb3: {  	_ =	swait.ge [sflag:s29], $0x1  }
0xb4: {  	[sflag:s29] =	ssyncadd.s32 $0xFFFFFFFF  }
0xb5: {  	_ =	strace $0x9000004B  }
0xb6: {  	_ =	sfence  }
0xb7: {  	s30 =	sld [smem:$0x0];
	_ =	sdelay $0x2  }
0xb8: {  	s31 =	sshll.u32 s1, $0xD;
	s1 =	sshrl.u32 s1, $0x2  }
0xb9: {  	s3 =	sand.u32 $0x4000, s31;
	s1 =	sadd.s32 s1, s30  }
0xba: {  	s0 =	sor.u32 s3, s0;
	s1 =	sshll.u32 s1, $0x11  }
0xbb: {  	s0 =	sor.u32 s1, s0  }
0xbc: {  	s0 =	sadd.s32 $0x8F2B, s0  }
0xbd: {  	[sflag:s0] =	ssyncadd.remote.s32 $0x1  }
0xbe: {  	_ =	sfence.sel $0xFFFF  }
0xbf: {  	[dreg:$0x0] =	wrdreg $0xFFFFFFFF;
	(pc) =	sbr.abs _section_cstart, $3  }
0xc0: {  	[dreg:$0x1] =	wrdreg $0xFFFFFFFF  }
0xc1: {  	_ =	task.clear_ibuf [dreg:s6], $0x2FFFF;
	_ =	strace $0x9FFFFFFF  }
0xc2: {  	(tm) =	ssettm $0x7FFFFFFF  }
0xc3: {  	_ =	shalt  }
tec
execute0_lowered:
.L_overlay_start_1:
0x0: {  	(tag) =	ssettag $0x1  }
0x1: {  	s0 =	rddreg [dreg:$0x0];
	s1 =	srdreg.scid  }
0x2: {  	s2 =	rddreg [dreg:$0x1];
	s16 =	stileid.u32  }
0x3: {  	s3 =	simm.s32 $0x0;
	s13 =	simm.s32 $0x1;
	s14 =	simm.s32 $0x80  }
0x4: {  	s15 =	simm.s32 $0x1000;
	s20 =	simm.s32 $0x3;
	s17 =	simm.s32 $0x2  }
0x5: {  	s28 =	simm.s32 $0xD00;
	s29 =	simm.s32 $0xD80;
	s30 =	simm.s32 $0xA00  }
0x6: {  	s31 =	simm.s32 $0xA80;
	s1 =	sand.u32 $0x1, s1;
	s5 =	smul.u32 $0x2780, s16  }
0x7: {  	[smem:$0x7FF] =	sst s3;
	s8 =	smul.u32 $0x4F000, s16;
	s9 =	sadd.s32 $0x2800, s0  }
0x8: {  	s12 =	smul.u32 $0xA, s16;
	s26 =	sshll.u32 s16, $0x6;
	s4 =	sshll.u32 s1, $0x4  }
0x9: {  	s6 =	smul.u32 $0x27800, s1;
	_ =	strace $0x8000004A;
	s10 =	ssub.s32 $0x2, s1  }
0xa: {  	s1 =	smul.u32 $0xA0, s1;
	s18 =	sor.u32 $0x1C07, s26;
	s26 =	simm.s32 $0x6  }
0xb: {  	s4 =	sor.u32 s16, s4;
	s11 =	sshrl.u32 s10, $0x1;
	s8 =	sshrl.u32 s8, $0x2  }
0xc: {  	s16 =	simm.s32 $0x5000;
	[dreg:$0x8] =	wrdreg s18;
	s7 =	smul.u32 $0xA00, s4  }
0xd: {  	s4 =	sadd.s32 $0x16800, s0;
	s6 =	sadd.s32 s5, s6;
	s10 =	ssub.s32 s10, s11  }
0xe: {  	s1 =	sadd.s32 s12, s1;
	s22 =	sadd.s32 s8, s2;
	s12 =	simm.s32 $0x800  }
0xf: {  	s8 =	simm.s32 $0xF80;
	s6 =	sadd.s32 s6, s0;
	s0 =	sadd.s32 $0x2900, s0  }
0x10: {  	s1 =	sshll.u32 s1, $0x8;
	s5 =	sadd.s32 s4, s5;
	s24 =	smax.u32 s10, $0x1  }
0x11: {  	s19 =	sshrl.u32 s22, $0x3;
	s22 =	simm.s32 $0x4;
	s21 =	sadd.s32 s9, s7  }
0x12: {  	s7 =	sadd.s32 s7, s0;
	[dreg:$0x5] =	wrdreg s5;
	s23 =	sadd.s32 $0x3E000, s6  }
0x13: {  	s0 =	sadd.s32 s0, s1;
	[dreg:$0x7] =	wrdreg s24;
	s25 =	sadd.s32 s9, s1  }
0x14: {  	s24 =	simm.s32 $0x5;
	s1 =	simm.s32 $0xE80;
	[dreg:$0x9] =	wrdreg s19  }
.Ltmp0:
0x15: {  	s5 =	simm.s32 $0xB00;
	[dreg:$0x3] =	wrdreg s21;
	(pc) =	sbr.rel .LBB2_1-.Ltmp0, $4  }
0x16: {  	s6 =	simm.s32 $0xB80;
	s9 =	simm.s32 $0x0;
	[dreg:$0x4] =	wrdreg s7  }
0x17: {  	[dreg:$0x6] =	wrdreg s23;
	s10 =	sadd.s32 $0x200, s0;
	s11 =	sadd.s32 $0x200, s25  }
0x18: {  	s21 =	simm.s32 $0xC80;
	s23 =	simm.s32 $0x900;
	s25 =	simm.s32 $0x980  }
0x19: {  	s0 =	simm.s32 $0xE00;
	s7 =	simm.s32 $0xF00;
	[dreg:$0xa] =	wrdreg s9  }
.LBB2_4:
0x1a: {  	_ =	swait.ge [sflag:s26], $0x4000  }
0x1b: {  	[sflag:s26] =	ssyncset.done $0x0  }
0x1c: {  	[sflag:s26] =	ssyncadd.s32 $0xFFFFC000  }
0x1d: {  	[bflag:$0x0] =	sbarrier.arrive $0xFFFF  }
0x1e: {  	s9 =	rddreg [dreg:$0x6]  }
0x1f: {  	s18 =	rddreg [dreg:$0x8]  }
0x20: {  	s19 =	rddreg [dreg:$0x9]  }
0x21: {  	[hbm:s9], [sflag:s18] =	dma.local [spmem:s19], $0x2780  }
0x22: {  	s9 =	simm.s32 $0x7  }
0x23: {  	_ =	swait.ge [sflag:s9], $0x2780  }
0x24: {  	s21 =	rddreg [dreg:$0xa]  }
0x25: {  	[sflag:s9] =	ssyncset.done $0x0;
	s9 =	rddreg [dreg:$0x7];
	s21 =	sadd.s32 $0x1, s21  }
0x26: {  	p0 =	sne.s32 s21, s9  }
.Ltmp1:
0x27: {  	_ = 	snop;
	(pc) =	sbr.rel @!p0 .LBB2_5-.Ltmp1, $3  }
0x28: {  	_ =	sdelay $0x1  }
0x29: {  	s9 =	simm.s32 $0x7  }
0x2a: {  	[dreg:$0xa] =	wrdreg s21;
	s21 =	simm.s32 $0xC80;
	[sflag:s9] =	ssyncadd.s32 $0xFFFFD880  }
.LBB2_1:
0x2b: {  	s9 =	rddreg [dreg:$0x3]  }
0x2c: {  	[tilespmem:s3], [sflag:$0x1] =	stream.linear.gather [hbm4b:s9+s3], $0x800, $0x38;
	[tilespmem:$0x1CC00] =	vst v63  }
0x2d: {  	s9 =	rddreg [dreg:$0x4]  }
0x2e: {  	[tilespmem:s12], [sflag:$0x2] =	stream.linear.gather [hbm4b:s9+s3], $0x800, $0x38;
	[tilespmem:$0x1CC00] =	vst v63  }
0x2f: {  	_ =	swait.ge [sflag:s13], $0x800  }
0x30: {  	[sflag:s13] =	ssyncset.done $0x0  }
0x31: {  	[sflag:s13] =	ssyncadd.s32 $0xFFFFF800  }
0x32: {  	[tilespmem:s15], [sflag:$0x3] =	stream.indirect.gather [hbm4b:s4+s14], $0x80, s3, s14, $0xb8;
	[tilespmem:$0x1CC00] =	vst v63  }
0x33: {  	s9 =	rddreg [dreg:$0x5]  }
0x34: {  	[tilespmem:s16], [sflag:$0x4] =	stream.indirect.gather [hbm4b:s4+s14], $0x80, s14, s14, $0xb8;
	[tilespmem:$0x1CC00] =	vst v63  }
0x35: {  	[spmem:s19], [sflag:s18] =	dma.local [hbm:s9], $0x2780  }
0x36: {  	s19 =	simm.s32 $0x7  }
0x37: {  	_ =	swait.ge [sflag:s19], $0x2780  }
0x38: {  	[sflag:s19] =	ssyncset.done $0x0  }
0x39: {  	[sflag:s19] =	ssyncadd.s32 $0xFFFFD880  }
0x3a: {  	s9 =	simm.s32 $0x0;
	[bflag:$0x0] =	sbarrier.arrive $0xFFFF  }
.LBB2_2:
0x3b: {  	_ =	swait.ge [sflag:s20], $0x4000  }
0x3c: {  	[sflag:s20] =	ssyncset.done $0x0  }
0x3d: {  	s18 =	simm.s32 $0x400;
	[sflag:s20] =	ssyncadd.s32 $0xFFFFC000  }
0x3e: {  	[spmem:s2] =	stream.indirect.scatter.add.f32 [tilespmem:s15], [sflag:$0x5], $0x80, s18, s14, $0xb8;
	[tilespmem:$0x1CC00] =	vst v63  }
0x3f: {  	_ =	swait.ge [sflag:s22], $0x4000  }
0x40: {  	[sflag:s22] =	ssyncset.done $0x0  }
0x41: {  	s19 =	simm.s32 $0x480;
	[sflag:s22] =	ssyncadd.s32 $0xFFFFC000  }
0x42: {  	[spmem:s2] =	stream.indirect.scatter.add.f32 [tilespmem:s16], [sflag:$0x6], $0x80, s19, s14, $0xb8;
	[tilespmem:$0x1CC00] =	vst v63  }
0x43: {  	_ =	swait.ge [sflag:s24], $0x4000  }
0x44: {  	[sflag:s24] =	ssyncset.done $0x0  }
0x45: {  	s19 =	simm.s32 $0x100;
	[sflag:s24] =	ssyncadd.s32 $0xFFFFC000  }
0x46: {  	[tilespmem:s15], [sflag:$0x3] =	stream.indirect.gather [hbm4b:s4+s14], $0x80, s19, s14, $0xb8;
	[tilespmem:$0x1CC00] =	vst v63  }
0x47: {  	_ =	swait.ge [sflag:s26], $0x4000  }
0x48: {  	[sflag:s26] =	ssyncset.done $0x0  }
0x49: {  	s19 =	simm.s32 $0x180;
	[sflag:s26] =	ssyncadd.s32 $0xFFFFC000  }
0x4a: {  	[tilespmem:s16], [sflag:$0x4] =	stream.indirect.gather [hbm4b:s4+s14], $0x80, s19, s14, $0xb8;
	[tilespmem:$0x1CC00] =	vst v63  }
0x4b: {  	_ =	swait.ge [sflag:s20], $0x4000  }
0x4c: {  	[sflag:s20] =	ssyncset.done $0x0  }
0x4d: {  	s19 =	simm.s32 $0x500;
	[sflag:s20] =	ssyncadd.s32 $0xFFFFC000  }
0x4e: {  	[spmem:s2] =	stream.indirect.scatter.add.f32 [tilespmem:s15], [sflag:$0x5], $0x80, s19, s14, $0xb8;
	[tilespmem:$0x1CC00] =	vst v63  }
0x4f: {  	_ =	swait.ge [sflag:s22], $0x4000  }
0x50: {  	[sflag:s22] =	ssyncset.done $0x0  }
0x51: {  	s19 =	simm.s32 $0x580;
	[sflag:s22] =	ssyncadd.s32 $0xFFFFC000  }
0x52: {  	[spmem:s2] =	stream.indirect.scatter.add.f32 [tilespmem:s16], [sflag:$0x6], $0x80, s19, s14, $0xb8;
	[tilespmem:$0x1CC00] =	vst v63  }
0x53: {  	_ =	swait.ge [sflag:s24], $0x4000  }
0x54: {  	[sflag:s24] =	ssyncset.done $0x0  }
0x55: {  	s19 =	simm.s32 $0x200;
	[sflag:s24] =	ssyncadd.s32 $0xFFFFC000  }
0x56: {  	[tilespmem:s15], [sflag:$0x3] =	stream.indirect.gather [hbm4b:s4+s14], $0x80, s19, s14, $0xb8;
	[tilespmem:$0x1CC00] =	vst v63  }
0x57: {  	_ =	swait.ge [sflag:s26], $0x4000  }
0x58: {  	[sflag:s26] =	ssyncset.done $0x0  }
0x59: {  	s19 =	simm.s32 $0x280;
	[sflag:s26] =	ssyncadd.s32 $0xFFFFC000  }
0x5a: {  	[tilespmem:s16], [sflag:$0x4] =	stream.indirect.gather [hbm4b:s4+s14], $0x80, s19, s14, $0xb8;
	[tilespmem:$0x1CC00] =	vst v63  }
0x5b: {  	_ =	swait.ge [sflag:s20], $0x4000  }
0x5c: {  	[sflag:s20] =	ssyncset.done $0x0  }
0x5d: {  	s19 =	simm.s32 $0x600;
	[sflag:s20] =	ssyncadd.s32 $0xFFFFC000  }
0x5e: {  	[spmem:s2] =	stream.indirect.scatter.add.f32 [tilespmem:s15], [sflag:$0x5], $0x80, s19, s14, $0xb8;
	[tilespmem:$0x1CC00] =	vst v63  }
0x5f: {  	_ =	swait.ge [sflag:s22], $0x4000  }
0x60: {  	[sflag:s22] =	ssyncset.done $0x0  }
0x61: {  	s19 =	simm.s32 $0x680;
	[sflag:s22] =	ssyncadd.s32 $0xFFFFC000  }
0x62: {  	[spmem:s2] =	stream.indirect.scatter.add.f32 [tilespmem:s16], [sflag:$0x6], $0x80, s19, s14, $0xb8;
	[tilespmem:$0x1CC00] =	vst v63  }
0x63: {  	_ =	swait.ge [sflag:s24], $0x4000  }
0x64: {  	[sflag:s24] =	ssyncset.done $0x0  }
0x65: {  	s19 =	simm.s32 $0x300;
	[sflag:s24] =	ssyncadd.s32 $0xFFFFC000  }
0x66: {  	[tilespmem:s15], [sflag:$0x3] =	stream.indirect.gather [hbm4b:s4+s14], $0x80, s19, s14, $0xb8;
	[tilespmem:$0x1CC00] =	vst v63  }
0x67: {  	_ =	swait.ge [sflag:s26], $0x4000  }
0x68: {  	[sflag:s26] =	ssyncset.done $0x0  }
0x69: {  	s19 =	simm.s32 $0x380;
	[sflag:s26] =	ssyncadd.s32 $0xFFFFC000  }
0x6a: {  	[tilespmem:s16], [sflag:$0x4] =	stream.indirect.gather [hbm4b:s4+s14], $0x80, s19, s14, $0xb8;
	[tilespmem:$0x1CC00] =	vst v63  }
0x6b: {  	_ =	swait.ge [sflag:s20], $0x4000  }
0x6c: {  	[sflag:s20] =	ssyncset.done $0x0  }
0x6d: {  	s19 =	simm.s32 $0x700;
	[sflag:s20] =	ssyncadd.s32 $0xFFFFC000  }
0x6e: {  	[spmem:s2] =	stream.indirect.scatter.add.f32 [tilespmem:s15], [sflag:$0x5], $0x80, s19, s14, $0xb8;
	[tilespmem:$0x1CC00] =	vst v63  }
0x6f: {  	_ =	swait.ge [sflag:s22], $0x4000  }
0x70: {  	[sflag:s22] =	ssyncset.done $0x0  }
0x71: {  	s19 =	simm.s32 $0x780;
	[sflag:s22] =	ssyncadd.s32 $0xFFFFC000  }
0x72: {  	[spmem:s2] =	stream.indirect.scatter.add.f32 [tilespmem:s16], [sflag:$0x6], $0x80, s19, s14, $0xb8;
	[tilespmem:$0x1CC00] =	vst v63  }
0x73: {  	_ =	swait.ge [sflag:s17], $0x800  }
0x74: {  	[sflag:s17] =	ssyncset.done $0x0  }
0x75: {  	[sflag:s17] =	ssyncadd.s32 $0xFFFFF800  }
0x76: {  	_ =	swait.ge [sflag:s24], $0x4000  }
0x77: {  	[sflag:s24] =	ssyncset.done $0x0  }
0x78: {  	[sflag:s24] =	ssyncadd.s32 $0xFFFFC000  }
0x79: {  	[tilespmem:s15], [sflag:$0x3] =	stream.indirect.gather [hbm4b:s4+s14], $0x80, s12, s14, $0xb8;
	[tilespmem:$0x1CC00] =	vst v63  }
0x7a: {  	_ =	swait.ge [sflag:s26], $0x4000  }
0x7b: {  	[sflag:s26] =	ssyncset.done $0x0  }
0x7c: {  	p0 =	seq.s32 s9, $0x800;
	s19 =	simm.s32 $0x880;
	[sflag:s26] =	ssyncadd.s32 $0xFFFFC000  }
0x7d: {  	[tilespmem:s16], [sflag:$0x4] =	stream.indirect.gather [hbm4b:s4+s14], $0x80, s19, s14, $0xb8;
	[tilespmem:$0x1CC00] =	vst v63  }
0x7e: {  	s18 =	sadd.s32 @!p0 s9, s11;
	s19 =	simm.s32 @!p0 $0x0  }
0x7f: {  	[tilespmem:s19], [sflag:$0x1] =	stream.linear.gather @!p0 [hbm4b:s18+s19], $0x800, $0x38;
	[tilespmem:$0x1CC00] =	vst v63  }
0x80: {  	_ =	swait.ge [sflag:s20], $0x4000  }
0x81: {  	[sflag:s20] =	ssyncset.done $0x0  }
0x82: {  	s19 =	simm.s32 $0xC00;
	[sflag:s20] =	ssyncadd.s32 $0xFFFFC000  }
0x83: {  	[spmem:s2] =	stream.indirect.scatter.add.f32 [tilespmem:s15], [sflag:$0x5], $0x80, s19, s14, $0xb8;
	[tilespmem:$0x1CC00] =	vst v63  }
0x84: {  	_ =	swait.ge [sflag:s22], $0x4000  }
0x85: {  	[sflag:s22] =	ssyncset.done $0x0  }
0x86: {  	[sflag:s22] =	ssyncadd.s32 $0xFFFFC000  }
0x87: {  	[spmem:s2] =	stream.indirect.scatter.add.f32 [tilespmem:s16], [sflag:$0x6], $0x80, s21, s14, $0xb8;
	[tilespmem:$0x1CC00] =	vst v63  }
0x88: {  	_ =	swait.ge [sflag:s24], $0x4000  }
0x89: {  	[sflag:s24] =	ssyncset.done $0x0  }
0x8a: {  	[sflag:s24] =	ssyncadd.s32 $0xFFFFC000  }
0x8b: {  	[tilespmem:s15], [sflag:$0x3] =	stream.indirect.gather [hbm4b:s4+s14], $0x80, s23, s14, $0xb8;
	[tilespmem:$0x1CC00] =	vst v63  }
0x8c: {  	_ =	swait.ge [sflag:s26], $0x4000  }
0x8d: {  	[sflag:s26] =	ssyncset.done $0x0  }
0x8e: {  	[sflag:s26] =	ssyncadd.s32 $0xFFFFC000  }
0x8f: {  	[tilespmem:s16], [sflag:$0x4] =	stream.indirect.gather [hbm4b:s4+s14], $0x80, s25, s14, $0xb8;
	[tilespmem:$0x1CC00] =	vst v63  }
0x90: {  	_ =	swait.ge [sflag:s20], $0x4000  }
0x91: {  	[sflag:s20] =	ssyncset.done $0x0  }
0x92: {  	[sflag:s20] =	ssyncadd.s32 $0xFFFFC000  }
0x93: {  	[spmem:s2] =	stream.indirect.scatter.add.f32 [tilespmem:s15], [sflag:$0x5], $0x80, s28, s14, $0xb8;
	[tilespmem:$0x1CC00] =	vst v63  }
0x94: {  	_ =	swait.ge [sflag:s22], $0x4000  }
0x95: {  	[sflag:s22] =	ssyncset.done $0x0  }
0x96: {  	[sflag:s22] =	ssyncadd.s32 $0xFFFFC000  }
0x97: {  	[spmem:s2] =	stream.indirect.scatter.add.f32 [tilespmem:s16], [sflag:$0x6], $0x80, s29, s14, $0xb8;
	[tilespmem:$0x1CC00] =	vst v63  }
0x98: {  	_ =	swait.ge [sflag:s24], $0x4000  }
0x99: {  	[sflag:s24] =	ssyncset.done $0x0  }
0x9a: {  	[sflag:s24] =	ssyncadd.s32 $0xFFFFC000  }
0x9b: {  	[tilespmem:s15], [sflag:$0x3] =	stream.indirect.gather [hbm4b:s4+s14], $0x80, s30, s14, $0xb8;
	[tilespmem:$0x1CC00] =	vst v63  }
0x9c: {  	_ =	swait.ge [sflag:s26], $0x4000  }
0x9d: {  	[sflag:s26] =	ssyncset.done $0x0  }
0x9e: {  	[sflag:s26] =	ssyncadd.s32 $0xFFFFC000  }
0x9f: {  	[tilespmem:s16], [sflag:$0x4] =	stream.indirect.gather [hbm4b:s4+s14], $0x80, s31, s14, $0xb8;
	[tilespmem:$0x1CC00] =	vst v63  }
0xa0: {  	_ =	swait.ge [sflag:s20], $0x4000  }
0xa1: {  	[sflag:s20] =	ssyncset.done $0x0  }
0xa2: {  	[sflag:s20] =	ssyncadd.s32 $0xFFFFC000  }
0xa3: {  	[spmem:s2] =	stream.indirect.scatter.add.f32 [tilespmem:s15], [sflag:$0x5], $0x80, s0, s14, $0xb8;
	[tilespmem:$0x1CC00] =	vst v63  }
0xa4: {  	_ =	swait.ge [sflag:s22], $0x4000  }
0xa5: {  	[sflag:s22] =	ssyncset.done $0x0  }
0xa6: {  	[sflag:s22] =	ssyncadd.s32 $0xFFFFC000  }
0xa7: {  	[spmem:s2] =	stream.indirect.scatter.add.f32 [tilespmem:s16], [sflag:$0x6], $0x80, s1, s14, $0xb8;
	[tilespmem:$0x1CC00] =	vst v63  }
0xa8: {  	_ =	swait.ge [sflag:s24], $0x4000  }
0xa9: {  	[sflag:s24] =	ssyncset.done $0x0  }
0xaa: {  	[sflag:s24] =	ssyncadd.s32 $0xFFFFC000  }
0xab: {  	[tilespmem:s15], [sflag:$0x3] =	stream.indirect.gather [hbm4b:s4+s14], $0x80, s5, s14, $0xb8;
	[tilespmem:$0x1CC00] =	vst v63  }
0xac: {  	_ =	swait.ge [sflag:s26], $0x4000  }
0xad: {  	[sflag:s26] =	ssyncset.done $0x0  }
0xae: {  	[sflag:s26] =	ssyncadd.s32 $0xFFFFC000  }
0xaf: {  	[tilespmem:s16], [sflag:$0x4] =	stream.indirect.gather [hbm4b:s4+s14], $0x80, s6, s14, $0xb8;
	[tilespmem:$0x1CC00] =	vst v63  }
0xb0: {  	_ =	swait.ge [sflag:s20], $0x4000  }
0xb1: {  	[sflag:s20] =	ssyncset.done $0x0  }
0xb2: {  	[sflag:s20] =	ssyncadd.s32 $0xFFFFC000  }
0xb3: {  	[spmem:s2] =	stream.indirect.scatter.add.f32 [tilespmem:s15], [sflag:$0x5], $0x80, s7, s14, $0xb8;
	[tilespmem:$0x1CC00] =	vst v63  }
0xb4: {  	_ =	swait.ge [sflag:s22], $0x4000  }
0xb5: {  	[sflag:s22] =	ssyncset.done $0x0  }
.Ltmp2:
0xb6: {  	[sflag:s22] =	ssyncadd.s32 $0xFFFFC000;
	(pc) =	sbr.rel @p0 .LBB2_4-.Ltmp2, $4  }
0xb7: {  	[spmem:s2] =	stream.indirect.scatter.add.f32 [tilespmem:s16], [sflag:$0x6], $0x80, s8, s14, $0xb8;
	[tilespmem:$0x1CC00] =	vst v63  }
0xb8: {  	_ =	swait.ge [sflag:s24], $0x4000  }
0xb9: {  	[sflag:s24] =	ssyncset.done $0x0  }
0xba: {  	[sflag:s24] =	ssyncadd.s32 $0xFFFFC000  }
0xbb: {  	_ =	swait.ge [sflag:s13], $0x800  }
0xbc: {  	[sflag:s13] =	ssyncset.done $0x0  }
0xbd: {  	[sflag:s13] =	ssyncadd.s32 $0xFFFFF800  }
0xbe: {  	[tilespmem:s15], [sflag:$0x3] =	stream.indirect.gather [hbm4b:s4+s14], $0x80, s3, s14, $0xb8;
	[tilespmem:$0x1CC00] =	vst v63  }
0xbf: {  	_ =	swait.ge [sflag:s26], $0x4000  }
.Ltmp3:
0xc0: {  	[sflag:s26] =	ssyncset.done $0x0;
	(pc) =	sbr.rel .LBB2_2-.Ltmp3, $4  }
0xc1: {  	[sflag:s26] =	ssyncadd.s32 $0xFFFFC000  }
0xc2: {  	[tilespmem:s16], [sflag:$0x4] =	stream.indirect.gather [hbm4b:s4+s14], $0x80, s14, s14, $0xb8;
	[tilespmem:$0x1CC00] =	vst v63  }
0xc3: {  	s18 =	sadd.s32 s9, s10;
	s9 =	sadd.s32 $0x200, s9  }
0xc4: {  	[tilespmem:s12], [sflag:$0x2] =	stream.linear.gather [hbm4b:s18+s3], $0x800, $0x38;
	[tilespmem:$0x1CC00] =	vst v63  }
.LBB2_5:
0xc5: {  	_ =	sfence.sel $0x180000  }
0xc6: {  	[bflag:$0x0] =	sbarrier.arrive $0xFFFF  }
0xc7: {  	_ =	strace $0x9000004A  }
0xc8: {  	s0 =	stileid.u32;
	[bflag:$0x2] =	sbarrier.arrive $0xFFFF  }
0xc9: {  	p0 =	sne.s32 s0, $0x0;
	s0 =	rddreg [dreg:$0x2]  }
0xca: {  	s0 =	sadd.s32 @!p0 $0x100000, s0  }
0xcb: {  	[sflag:s0] =	ssyncadd.tile.s32 @!p0 $0x1;
	_ =	shalt  }
.Lfunc_end2:
_tile_overlayer_lowered:
.L_overlay_start_2:
0xcc: {  	(tag) =	ssettag $0x2  }
0xcd: {  	s0 =	rddreg [dreg:$0x0];
	s2 =	stileid.u32  }
0xce: {  	s1 =	rddreg [dreg:$0x1];
	p0 =	sne.s32 s2, $0x0  }
0xcf: {  	s3 =	rddreg [dreg:$0x2];
	[bflag:$0x3] =	sbarrier.arrive $0xFFFF;
	s2 =	simm.s32 @!p0 $0x1C07  }
0xd0: {  	[timem:s3], [sflag:s2] =	dma.local @!p0 [hbm:s0], s1  }
0xd1: {  	s0 =	simm.s32 @!p0 $0x7  }
0xd2: {  	_ =	swait.ge @!p0 [sflag:s0], s1  }
0xd3: {  	s1 =	ssub.s32 @!p0 $0x0, s1;
	[sflag:s0] =	ssyncset.done @!p0 $0x0  }
0xd4: {  	[sflag:s0] =	ssyncadd.s32 @!p0 s1  }
0xd5: {  	[bflag:$0x3] =	sbarrier.arrive $0xFFFF  }
0xd6: {  	_ =	shalt  }

</sc_bundles>
